<compile_context>
chip_gen: v7x
topology: tpu7x:2x2x1
jax: 0.10.2.dev20260603
libtpu: 0.0.44.dev20260713+nightly
codegen_flags: <defaults>
</compile_context>

<pallas_src>
import functools

import jax
import jax.numpy as jnp
from jax import lax
from jax.experimental import pallas as pl
from jax.experimental.pallas import tpu as pltpu
from jax.experimental.pallas import tpu_sc as plsc

E = 8
K = 2
DIM = 384
PD = 64
HID = 1536
NH = 4
HD = PD // NH

NTOK = 784
NPAIR = NTOK * K
RB = 112
NB = NPAIR // RB
NITEM = NB + E - 1
NW = 32
NTOKP = 1024
NPAIRP = 1792

_HI = lax.Precision.HIGHEST


def _iota(shape, axis):
    return lax.broadcasted_iota(jnp.int32, shape, axis)


def _router_kernel(nbatch, hw,
                   x_ref, pr_ref, wcp_ref, bcp_ref, wip_ref, bip_ref,
                   wqkv_ref, bqkv_ref, wo_ref, bo_ref, lng_ref, lnb_ref,
                   pos1_ref, pos2_ref, src_ref, gsort_ref, offs_ref, meta_ref,
                   total_ref):
    xf = x_ref[...]
    L = E + 1
    BL = nbatch * L

    rowb = _iota((nbatch, NTOK), 1) // hw
    bsel = jnp.where(rowb == _iota((nbatch, NTOK), 0), 1.0 / hw, 0.0)
    xmean = jnp.dot(bsel, xf, precision=_HI)
    gc = jnp.dot(xmean, wcp_ref[...].T) + bcp_ref[...]

    r_i = _iota((BL, nbatch), 0)
    g1 = jnp.where(r_i == _iota((BL, nbatch), 1) * L, 1.0, 0.0)
    r_i2 = _iota((BL, E), 0) % L
    g2 = jnp.where(r_i2 == _iota((BL, E), 1) + 1, 1.0, 0.0)
    seq = jnp.dot(g1, gc, precision=_HI) + jnp.dot(g2, pr_ref[...], precision=_HI)

    qkv = jnp.dot(seq, wqkv_ref[...].T) + bqkv_ref[...]
    q = qkv[:, 0:PD]
    k = qkv[:, PD:2 * PD]
    v = qkv[:, 2 * PD:3 * PD]
    same_b = (_iota((BL, BL), 0) // L) == (_iota((BL, BL), 1) // L)
    ctxs = []
    for h in range(NH):
        qh = q[:, h * HD:(h + 1) * HD]
        kh = k[:, h * HD:(h + 1) * HD]
        vh = v[:, h * HD:(h + 1) * HD]
        sc = jnp.dot(qh, kh.T) * (1.0 / (HD ** 0.5))
        sc = jnp.where(same_b, sc, -1e30)
        m = jnp.max(sc, axis=-1, keepdims=True)
        p = jnp.exp(sc - m)
        p = p / jnp.sum(p, axis=-1, keepdims=True)
        ctxs.append(jnp.dot(p, vh))
    ctx = jnp.concatenate(ctxs, axis=1)
    y = jnp.dot(ctx, wo_ref[...].T) + bo_ref[...] + seq
    mu = jnp.mean(y, axis=-1, keepdims=True)
    var = jnp.mean((y - mu) * (y - mu), axis=-1, keepdims=True)
    y = (y - mu) * lax.rsqrt(var + 1e-5) * lng_ref[...] + lnb_ref[...]

    r_u = _iota((nbatch * E, BL), 1)
    usel = jnp.where(
        r_u == (_iota((nbatch * E, BL), 0) // E) * L + (_iota((nbatch * E, BL), 0) % E) + 1,
        1.0, 0.0)
    upd = jnp.dot(usel, y, precision=_HI)
    xproj = jnp.dot(xf, wip_ref[...].T) + bip_ref[...]
    logits_all = jnp.dot(xproj, upd.T) * (1.0 / (PD ** 0.5))
    tokb = _iota((NTOK, 1), 0) // hw
    logits = jnp.zeros((NTOK, E), jnp.float32)
    for b in range(nbatch):
        logits = logits + jnp.where(tokb == b, logits_all[:, b * E:(b + 1) * E], 0.0)

    m = jnp.max(logits, axis=-1, keepdims=True)
    ex = jnp.exp(logits - m)
    probs = ex / jnp.sum(ex, axis=-1, keepdims=True)
    eio = _iota((NTOK, E), 1)
    m1 = jnp.max(probs, axis=-1, keepdims=True)
    i1 = jnp.min(jnp.where(probs == m1, eio, E), axis=-1, keepdims=True)
    pm = jnp.where(eio == i1, -1.0, probs)
    m2 = jnp.max(pm, axis=-1, keepdims=True)
    i2 = jnp.min(jnp.where(pm == m2, eio, E), axis=-1, keepdims=True)
    ssum = m1 + m2
    w1 = m1 / ssum
    w2 = m2 / ssum

    oh1 = jnp.where(eio == i1, 1.0, 0.0)
    oh2 = jnp.where(eio == i2, 1.0, 0.0)
    cnt1 = jnp.sum(oh1, axis=0, keepdims=True)
    cnt2 = jnp.sum(oh2, axis=0, keepdims=True)
    cnt = cnt1 + cnt2
    tri_e = jnp.where(_iota((E, E), 0) < _iota((E, E), 1), 1.0, 0.0)
    offs = jnp.dot(cnt, tri_e, precision=_HI)
    tri_t = jnp.where(_iota((NTOK, NTOK), 0) > _iota((NTOK, NTOK), 1), 1.0, 0.0)
    rank1 = jnp.sum(jnp.dot(tri_t, oh1, precision=_HI) * oh1, axis=-1, keepdims=True)
    rank2 = jnp.sum(jnp.dot(tri_t, oh2, precision=_HI) * oh2, axis=-1, keepdims=True)
    pos1 = jnp.sum(oh1 * offs, axis=-1, keepdims=True) + rank1
    pos2 = jnp.sum(oh2 * (offs + cnt1), axis=-1, keepdims=True) + rank2
    pos1_ref[...] = pos1.astype(jnp.int32)
    pos2_ref[...] = pos2.astype(jnp.int32)
    offs16 = jnp.concatenate(
        [offs, jnp.full((1, 1), NPAIR, jnp.float32),
         jnp.zeros((1, 16 - E - 1), jnp.float32)], axis=1)
    offs_ref[...] = offs16.astype(jnp.int32)

    pos_all = jnp.concatenate([pos1, pos2], axis=0)
    tok_f = _iota((NTOK, 1), 0).astype(jnp.float32)
    tok_all = jnp.concatenate([tok_f, tok_f], axis=0)
    w_all = jnp.concatenate([w1, w2], axis=0)
    pt = jnp.where(pos_all == _iota((NPAIR, NPAIR), 1).astype(jnp.float32),
                   1.0, 0.0)
    srcf = lax.dot_general(tok_all, pt, (((0,), (0,)), ((), ())), precision=_HI)
    gsrt = lax.dot_general(w_all, pt, (((0,), (0,)), ((), ())), precision=_HI)
    src_ref[...] = srcf.astype(jnp.int32)
    gsort_ref[...] = gsrt

    ends = jnp.concatenate([offs[:, 1:], jnp.full((1, 1), float(NPAIR))], axis=1)
    nc = E * NB
    ce = _iota((nc, 1), 0) // NB
    cb = _iota((nc, 1), 0) % NB
    ohe = jnp.where(_iota((nc, E), 1) == ce, 1.0, 0.0)
    st = jnp.sum(ohe * offs, axis=-1, keepdims=True)
    en = jnp.sum(ohe * ends, axis=-1, keepdims=True)
    cbf = cb.astype(jnp.float32)
    act = (st < (cbf + 1.0) * RB) & (en > cbf * RB) & (en > st)
    actf = jnp.where(act, 1.0, 0.0)
    tri_c = jnp.where(_iota((nc, nc), 0) > _iota((nc, nc), 1), 1.0, 0.0)
    ordv = jnp.dot(tri_c, actf, precision=_HI)
    n_act = jnp.sum(actf, axis=0, keepdims=True)
    s_io2 = _iota((nc, NITEM), 1).astype(jnp.float32)
    target = jnp.minimum(s_io2, n_act - 1.0)
    sel = jnp.where((ordv == target) & act, 1.0, 0.0)
    item_e = lax.dot_general(ce.astype(jnp.float32), sel,
                             (((0,), (0,)), ((), ())), precision=_HI)
    item_b = lax.dot_general(cbf, sel, (((0,), (0,)), ((), ())), precision=_HI)
    item_v = jnp.where(_iota((1, NITEM), 1).astype(jnp.float32) < n_act, 1.0, 0.0)
    meta = jnp.concatenate(
        [item_e, item_b, item_v, jnp.zeros((1, NITEM), jnp.float32)], axis=0)
    meta_ref[...] = meta.astype(jnp.int32)

    mean_prob = jnp.mean(probs, axis=0, keepdims=True)
    mean_load = jnp.mean(oh1 + oh2, axis=0, keepdims=True)
    aux = E * jnp.sum(mean_prob * mean_load, axis=-1, keepdims=True)
    pr = pr_ref[...]
    nrm = jnp.sqrt(jnp.sum(pr * pr, axis=-1, keepdims=True))
    pn = pr / jnp.maximum(nrm, 1e-12)
    corr = jnp.dot(pn, pn.T)
    eye = jnp.where(_iota((E, E), 0) == _iota((E, E), 1), 1.0, 0.0)
    d = corr - eye
    sq = jnp.sum(jnp.sum(d * d, axis=-1, keepdims=True), axis=0, keepdims=True)
    total_ref[...] = aux + 0.5 * jnp.sqrt(sq)


def _moe_kernel(meta_ref, offs_ref, xs_ref, gs_ref,
                w1e_ref, b1e_ref, w2e_ref, b2e_ref,
                out_ref):
    s = pl.program_id(0)
    e = meta_ref[0, s]
    b = meta_ref[1, s]
    valid = meta_ref[2, s]

    @pl.when(s == 0)
    def _init():
        out_ref[...] = jnp.zeros((NPAIR, DIM), jnp.float32)

    start = offs_ref[0, e]
    end = offs_ref[0, e + 1]
    blk_lo = b * RB

    @pl.when(valid == 1)
    def _ffn():
        rows = xs_ref[pl.ds(blk_lo, RB), :].astype(jnp.bfloat16)
        h = lax.dot_general(rows, w1e_ref[0], (((1,), (1,)), ((), ())),
                            preferred_element_type=jnp.float32)
        h = h + b1e_ref[0]
        t = jnp.tanh(0.7978845608028654 * (h + 0.044715 * h * h * h))
        h = (0.5 * h * (1.0 + t)).astype(jnp.bfloat16)
        o = lax.dot_general(h, w2e_ref[0], (((1,), (1,)), ((), ())),
                            preferred_element_type=jnp.float32)
        o = (o + b2e_ref[0]) * gs_ref[pl.ds(blk_lo, RB), :]
        r_io = _iota((RB, 1), 0) + blk_lo
        msk = (r_io >= start) & (r_io < end)
        out_ref[pl.ds(blk_lo, RB), :] += jnp.where(msk, o, 0.0)


def _sc_gather_call(x_flat, src_pad):
    b_per_w = NPAIRP // NW
    mesh = plsc.VectorSubcoreMesh(core_axis_name="c", subcore_axis_name="s")

    @functools.partial(
        pl.kernel, mesh=mesh,
        out_type=jax.ShapeDtypeStruct((NPAIRP, DIM), jnp.float32),
        scratch_types=[
            pltpu.VMEM((b_per_w,), jnp.int32),
            pltpu.VMEM((b_per_w, DIM), jnp.float32),
            pltpu.SemaphoreType.DMA,
        ],
    )
    def k(x_hbm, idx_hbm, out_hbm, idx_v, rows_v, sem):
        wid = lax.axis_index("s") * 2 + lax.axis_index("c")
        base = wid * b_per_w
        pltpu.sync_copy(idx_hbm.at[pl.ds(base, b_per_w)], idx_v)
        pltpu.async_copy(x_hbm.at[idx_v], rows_v, sem).wait()
        pltpu.sync_copy(rows_v, out_hbm.at[pl.ds(base, b_per_w)])

    return k(x_flat, src_pad)


def _sc_combine_call(ys, x_pad, p1_pad, p2_pad):
    t_per_w = NTOKP // NW
    mesh = plsc.VectorSubcoreMesh(core_axis_name="c", subcore_axis_name="s")

    @functools.partial(
        pl.kernel, mesh=mesh,
        out_type=jax.ShapeDtypeStruct((NTOKP, DIM), jnp.float32),
        scratch_types=[
            pltpu.VMEM((t_per_w,), jnp.int32),
            pltpu.VMEM((t_per_w,), jnp.int32),
            pltpu.VMEM((t_per_w, DIM), jnp.float32),
            pltpu.VMEM((t_per_w, DIM), jnp.float32),
            pltpu.VMEM((t_per_w, DIM), jnp.float32),
            pltpu.SemaphoreType.DMA,
        ],
    )
    def k(ys_hbm, x_hbm, p1_hbm, p2_hbm, out_hbm,
          i1_v, i2_v, r1_v, r2_v, xv, sem):
        wid = lax.axis_index("s") * 2 + lax.axis_index("c")
        base = wid * t_per_w
        pltpu.sync_copy(p1_hbm.at[pl.ds(base, t_per_w)], i1_v)
        pltpu.sync_copy(p2_hbm.at[pl.ds(base, t_per_w)], i2_v)
        pltpu.sync_copy(x_hbm.at[pl.ds(base, t_per_w)], xv)
        pltpu.async_copy(ys_hbm.at[i1_v], r1_v, sem).wait()
        pltpu.async_copy(ys_hbm.at[i2_v], r2_v, sem).wait()

        def tok(i, carry):
            for ch in range(DIM // 16):
                sl = pl.ds(ch * 16, 16)
                xv[i, sl] = xv[i, sl] + r1_v[i, sl] + r2_v[i, sl]
            return carry

        lax.fori_loop(0, t_per_w, tok, 0)
        pltpu.sync_copy(xv, out_hbm.at[pl.ds(base, t_per_w)])

    return k(ys, x_pad, p1_pad, p2_pad)


def kernel(x, prototypes, W_cp, b_cp, W_ip, b_ip, Wqkv, bqkv, Wo, bo,
           ln_g, ln_b, W1, b1, W2, b2):
    B, C, H, W = x.shape
    hw = H * W
    x_flat = x.reshape(B, C, hw).transpose(0, 2, 1).reshape(B * hw, C)

    router = pl.pallas_call(
        functools.partial(_router_kernel, B, hw),
        out_shape=[
            jax.ShapeDtypeStruct((NTOK, 1), jnp.int32),
            jax.ShapeDtypeStruct((NTOK, 1), jnp.int32),
            jax.ShapeDtypeStruct((1, NPAIR), jnp.int32),
            jax.ShapeDtypeStruct((1, NPAIR), jnp.float32),
            jax.ShapeDtypeStruct((1, 16), jnp.int32),
            jax.ShapeDtypeStruct((4, NITEM), jnp.int32),
            jax.ShapeDtypeStruct((1, 1), jnp.float32),
        ],
    )
    pos1, pos2, src, gsort, offs, meta, total = router(
        x_flat, prototypes, W_cp, b_cp.reshape(1, PD), W_ip,
        b_ip.reshape(1, PD), Wqkv, bqkv.reshape(1, 3 * PD), Wo,
        bo.reshape(1, PD), ln_g.reshape(1, PD), ln_b.reshape(1, PD))

    src_pad = jnp.concatenate(
        [src.reshape(NPAIR), jnp.zeros((NPAIRP - NPAIR,), jnp.int32)])
    xs_pad = _sc_gather_call(x_flat, src_pad)
    xs = xs_pad[:NPAIR]

    moe = pl.pallas_call(
        _moe_kernel,
        grid_spec=pltpu.PrefetchScalarGridSpec(
            num_scalar_prefetch=2,
            grid=(NITEM,),
            in_specs=[
                pl.BlockSpec((NPAIR, DIM), lambda s, m, o: (0, 0)),
                pl.BlockSpec((NPAIR, 1), lambda s, m, o: (0, 0)),
                pl.BlockSpec((1, HID, DIM), lambda s, m, o: (m[0, s], 0, 0)),
                pl.BlockSpec((1, 1, HID), lambda s, m, o: (m[0, s], 0, 0)),
                pl.BlockSpec((1, DIM, HID), lambda s, m, o: (m[0, s], 0, 0)),
                pl.BlockSpec((1, 1, DIM), lambda s, m, o: (m[0, s], 0, 0)),
            ],
            out_specs=pl.BlockSpec((NPAIR, DIM), lambda s, m, o: (0, 0)),
        ),
        out_shape=jax.ShapeDtypeStruct((NPAIR, DIM), jnp.float32),
        compiler_params=pltpu.CompilerParams(
            dimension_semantics=("arbitrary",)),
    )
    ys = moe(meta, offs, xs, gsort.reshape(NPAIR, 1), W1.astype(jnp.bfloat16),
             b1.reshape(E, 1, HID), W2.astype(jnp.bfloat16),
             b2.reshape(E, 1, DIM))

    zpad32 = jnp.zeros((NTOKP - NTOK,), jnp.int32)
    out_pad = _sc_combine_call(
        ys,
        jnp.concatenate([x_flat, jnp.zeros((NTOKP - NTOK, DIM), jnp.float32)]),
        jnp.concatenate([pos1.reshape(NTOK), zpad32]),
        jnp.concatenate([pos2.reshape(NTOK), zpad32]))
    out = out_pad[:NTOK]

    y = out.reshape(B, hw, C).transpose(0, 2, 1).reshape(B, C, H, W)
    return y, total[0, 0]

# --- scband reference (transcript-rebuilt; emitter-appended) ---
"""Pipeline reference for scband-iacrmo-eblock-80118319939665 (READ-ONLY COPY).

The authoritative reference and input builder live on the scoring server;
editing this copy changes nothing except your own understanding.
"""

import jax, jax.numpy as jnp
import numpy as np

E = 8
K = 2
DIM = 384
PD = 64
HID = 1536


def setup_inputs(seed: int = 0) -> dict:
    key = jax.random.key(seed)
    ks = jax.random.split(key, 10)
    B, C, H, W = 4, DIM, 14, 14
    inp = {
        "x": jax.random.normal(ks[0], (B, C, H, W), dtype=jnp.float32),
        "prototypes": jax.random.normal(ks[1], (E, PD), dtype=jnp.float32),
        "W_cp": jax.random.normal(ks[2], (PD, DIM), dtype=jnp.float32) * 0.02,
        "b_cp": jnp.zeros((PD,), jnp.float32),
        "W_ip": jax.random.normal(ks[3], (PD, DIM), dtype=jnp.float32) * 0.02,
        "b_ip": jnp.zeros((PD,), jnp.float32),
        "Wqkv": jax.random.normal(ks[4], (3 * PD, PD), dtype=jnp.float32) * 0.05,
        "bqkv": jnp.zeros((3 * PD,), jnp.float32),
        "Wo": jax.random.normal(ks[5], (PD, PD), dtype=jnp.float32) * 0.05,
        "bo": jnp.zeros((PD,), jnp.float32),
        "ln_g": jnp.ones((PD,), jnp.float32),
        "ln_b": jnp.zeros((PD,), jnp.float32),
        "W1": jax.random.normal(ks[6], (E, HID, DIM), dtype=jnp.float32) * 0.02,
        "b1": jnp.zeros((E, HID), jnp.float32),
        "W2": jax.random.normal(ks[7], (E, DIM, HID), dtype=jnp.float32) * 0.02,
        "b2": jnp.zeros((E, DIM), jnp.float32),
    }
    return inp


def _forward(x, prototypes, W_cp, b_cp, W_ip, b_ip, Wqkv, bqkv, Wo, bo, ln_g, ln_b, W1, b1, W2, b2):
    B, C, H, W = x.shape
    # ---- InteractionAwareRouter ----
    gc = x.mean(axis=(2, 3)) @ W_cp.T + b_cp  # (B, PD)
    gc = gc[:, None, :]
    protos = jnp.broadcast_to(prototypes[None], (B, E, PD))
    seq = jnp.concatenate([gc, protos], axis=1)  # (B, E+1, PD)
    L = seq.shape[1]
    # MultiheadAttention (4 heads, batch_first)
    qkv = seq @ Wqkv.T + bqkv
    q, k, v = jnp.split(qkv, 3, axis=-1)
    nh, hd = 4, PD // 4
    def sh(t):
        return t.reshape(B, L, nh, hd).transpose(0, 2, 1, 3)
    q, k, v = sh(q), sh(k), sh(v)
    scores = (q @ k.transpose(0, 1, 3, 2)) / jnp.sqrt(jnp.float32(hd))
    attn = jax.nn.softmax(scores, axis=-1)
    ctx = (attn @ v).transpose(0, 2, 1, 3).reshape(B, L, PD)
    attn_out = ctx @ Wo.T + bo
    y = attn_out + seq
    mu = y.mean(-1, keepdims=True)
    var = y.var(-1, keepdims=True)
    y = (y - mu) / jnp.sqrt(var + 1e-5) * ln_g + ln_b
    updated = y[:, 1:, :]  # (B, E, PD)
    # input_proj 1x1 conv
    xr = jnp.einsum('bcxy,dc->bdxy', x, W_ip) + b_ip[None, :, None, None]
    x_flat = xr.reshape(B, PD, H * W).transpose(0, 2, 1)  # (B, HW, PD)
    logits = jnp.einsum('bnd,bed->bne', x_flat, updated)  # (B, HW, E)
    logits = logits.transpose(0, 2, 1).reshape(B, E, H, W) / jnp.sqrt(jnp.float32(PD))
    probs = jax.nn.softmax(logits, axis=1)  # (B, E, H, W)
    rp = probs.transpose(0, 2, 3, 1)
    tv, ti = jax.lax.top_k(rp, K)
    topk_probs = tv.transpose(0, 3, 1, 2)  # (B, K, H, W)
    topk_idx = ti.transpose(0, 3, 1, 2)
    topk_probs = topk_probs / topk_probs.sum(axis=1, keepdims=True)
    # ---- expert mask (scatter along expert dim) ----
    oh = jax.nn.one_hot(topk_idx, E, dtype=x.dtype)  # (B, K, H, W, E)
    expert_mask = jnp.moveaxis((oh * topk_probs[..., None]).sum(axis=1), -1, 1)  # (B, E, H, W)
    # ---- experts (dense per expert, weighted sum) ----
    final = jnp.zeros_like(x)
    for i in range(E):
        h = jax.nn.gelu(jnp.einsum('bcxy,fc->bfxy', x, W1[i]) + b1[i][None, :, None, None], approximate=False)
        out_i = jnp.einsum('bfxy,cf->bcxy', h, W2[i]) + b2[i][None, :, None, None]
        final = final + expert_mask[:, i:i + 1, :, :] * out_i
    # ---- aux losses ----
    mean_prob = probs.mean(axis=(0, 2, 3))
    one_hot_full = jnp.moveaxis(oh.sum(axis=1), -1, 1)  # (B, E, H, W)
    mean_load = one_hot_full.mean(axis=(0, 2, 3))
    aux_loss = E * jnp.sum(mean_prob * mean_load)
    pn = prototypes / jnp.maximum(jnp.linalg.norm(prototypes, axis=1, keepdims=True), 1e-12)
    corr = pn @ pn.T
    ortho = jnp.linalg.norm(corr - jnp.eye(E, dtype=x.dtype))
    total = aux_loss + 0.5 * ortho
    return (x + final, total)


def reference(x, prototypes, W_cp, b_cp, W_ip, b_ip, Wqkv, bqkv, Wo, bo, ln_g, ln_b, W1, b1, W2, b2):
    return _forward(x, prototypes, W_cp, b_cp, W_ip, b_ip, Wqkv, bqkv, Wo, bo, ln_g, ln_b, W1, b1, W2, b2)

if __name__ == "__main__":
    import jax
    _d = setup_inputs()
    print(jax.jit(kernel)(*tuple(_d.values())))

</pallas_src>

<mosaic_0001>
#map = affine_map<(d0, d1) -> (0, 0)>
#map1 = affine_map<(d0, d1) -> (0)>
module attributes {stable_mosaic.version = 14 : i64} {
  func.func @k(%arg0: i32, %arg1: i32, %arg2: memref<784x384xf32, #tpu.memory_space<hbm>>, %arg3: memref<1792xi32, #tpu.memory_space<hbm>>, %arg4: memref<1792x384xf32, #tpu.memory_space<hbm>>, %arg5: memref<56xi32, #tpu.memory_space<vmem>>, %arg6: memref<56x384xf32, #tpu.memory_space<vmem>>, %arg7: memref<!tpu.dma_semaphore, #tpu.memory_space<semaphore_mem>>) attributes {dimension_semantics = [#tpu.dimension_semantics<core_parallel>, #tpu.dimension_semantics<subcore_parallel>], iteration_bounds = array<i64: 2, 16>, scalar_prefetch = 0 : i64, scratch_operands = 3 : i64, tpu.core_type = #tpu.core_type<sc_vector_subcore>, window_params = [{transform_indices = #map}, {transform_indices = #map1}, {transform_indices = #map}]} {
    %mul3A = arith.constant 2 : i32
    %mul3A_0 = arith.muli %arg1, %mul3A : i32
    %add3A = arith.addi %mul3A_0, %arg0 : i32
    %mul3A_1 = arith.constant 56 : i32
    %mul3A_2 = arith.muli %add3A, %mul3A_1 : i32
    "tpu.region"() ({
      %run_scoped3A = tpu.sem_alloc : memref<!tpu.dma_semaphore, #tpu.memory_space<semaphore_mem>>
      %dma_start3A_7 = tpu.memref_slice %arg3[%mul3A_2] : memref<1792xi32, #tpu.memory_space<hbm>> -> memref<56xi32, #tpu.memory_space<hbm>>
      %dma_start3A_8 = tpu.memref_slice %arg3[%mul3A_2] : memref<1792xi32, #tpu.memory_space<hbm>> -> memref<56xi32, #tpu.memory_space<hbm>>
      tpu.enqueue_dma source(%dma_start3A_8 : memref<56xi32, #tpu.memory_space<hbm>>) target(%arg5 : memref<56xi32, #tpu.memory_space<vmem>>) target_semaphore(%run_scoped3A : memref<!tpu.dma_semaphore, #tpu.memory_space<semaphore_mem>>)
      %dma_wait3A_9 = tpu.memref_slice %arg3[%mul3A_2] : memref<1792xi32, #tpu.memory_space<hbm>> -> memref<56xi32, #tpu.memory_space<hbm>>
      %dma_wait3A_10 = tpu.memref_slice %arg3[%mul3A_2] : memref<1792xi32, #tpu.memory_space<hbm>> -> memref<56xi32, #tpu.memory_space<hbm>>
      tpu.wait_dma2 semaphore(%run_scoped3A : memref<!tpu.dma_semaphore, #tpu.memory_space<semaphore_mem>>) src(%dma_wait3A_10 : memref<56xi32, #tpu.memory_space<hbm>>) dst(%arg5 : memref<56xi32, #tpu.memory_space<vmem>>)
      tpu.yield
    }) : () -> ()
    %dma_start3A = arith.constant 0 : i32
    %dma_start3A_3 = arith.constant 0 : i32
    %dma_start3A_4 = tpu.memref_slice %arg2[%dma_start3A, %dma_start3A_3] : memref<784x384xf32, #tpu.memory_space<hbm>> -> memref<784x384xf32, #tpu.memory_space<hbm>>
    tpu.enqueue_indirect_dma source(%dma_start3A_4 : memref<784x384xf32, #tpu.memory_space<hbm>>) target(%arg6 : memref<56x384xf32, #tpu.memory_space<vmem>>) offsets(%arg5 : memref<56xi32, #tpu.memory_space<vmem>>) semaphore(%arg7 : memref<!tpu.dma_semaphore, #tpu.memory_space<semaphore_mem>>)
    %dma_wait3A = arith.constant 0 : i32
    %dma_wait3A_5 = arith.constant 0 : i32
    %dma_wait3A_6 = tpu.memref_slice %arg2[%dma_wait3A, %dma_wait3A_5] : memref<784x384xf32, #tpu.memory_space<hbm>> -> memref<784x384xf32, #tpu.memory_space<hbm>>
    tpu.wait_indirect_dma semaphore(%arg7 : memref<!tpu.dma_semaphore, #tpu.memory_space<semaphore_mem>>) src(%dma_wait3A_6 : memref<784x384xf32, #tpu.memory_space<hbm>>) dst(%arg6 : memref<56x384xf32, #tpu.memory_space<vmem>>)
    "tpu.region"() ({
      %run_scoped3A = tpu.sem_alloc : memref<!tpu.dma_semaphore, #tpu.memory_space<semaphore_mem>>
      %dma_start3A_7 = arith.constant 0 : i32
      %dma_start3A_8 = tpu.memref_slice %arg4[%mul3A_2, %dma_start3A_7] : memref<1792x384xf32, #tpu.memory_space<hbm>> -> memref<56x384xf32, #tpu.memory_space<hbm>>
      %dma_start3A_9 = arith.constant 0 : i32
      %dma_start3A_10 = tpu.memref_slice %arg4[%mul3A_2, %dma_start3A_9] : memref<1792x384xf32, #tpu.memory_space<hbm>> -> memref<56x384xf32, #tpu.memory_space<hbm>>
      tpu.enqueue_dma source(%arg6 : memref<56x384xf32, #tpu.memory_space<vmem>>) target(%dma_start3A_10 : memref<56x384xf32, #tpu.memory_space<hbm>>) target_semaphore(%run_scoped3A : memref<!tpu.dma_semaphore, #tpu.memory_space<semaphore_mem>>)
      %dma_wait3A_11 = arith.constant 0 : i32
      %dma_wait3A_12 = tpu.memref_slice %arg4[%mul3A_2, %dma_wait3A_11] : memref<1792x384xf32, #tpu.memory_space<hbm>> -> memref<56x384xf32, #tpu.memory_space<hbm>>
      %dma_wait3A_13 = arith.constant 0 : i32
      %dma_wait3A_14 = tpu.memref_slice %arg4[%mul3A_2, %dma_wait3A_13] : memref<1792x384xf32, #tpu.memory_space<hbm>> -> memref<56x384xf32, #tpu.memory_space<hbm>>
      tpu.wait_dma2 semaphore(%run_scoped3A : memref<!tpu.dma_semaphore, #tpu.memory_space<semaphore_mem>>) src(%arg6 : memref<56x384xf32, #tpu.memory_space<vmem>>) dst(%dma_wait3A_14 : memref<56x384xf32, #tpu.memory_space<hbm>>)
      tpu.yield
    }) : () -> ()
    return
  }
}

#map = affine_map<(d0, d1) -> (0, 0)>
#map1 = affine_map<(d0, d1) -> (0)>
module attributes {stable_mosaic.version = 14 : i64} {
  func.func @k(%arg0: i32, %arg1: i32, %arg2: memref<1568x384xf32, #tpu.memory_space<hbm>>, %arg3: memref<1024x384xf32, #tpu.memory_space<hbm>>, %arg4: memref<1024xi32, #tpu.memory_space<hbm>>, %arg5: memref<1024xi32, #tpu.memory_space<hbm>>, %arg6: memref<1024x384xf32, #tpu.memory_space<hbm>>, %arg7: memref<32xi32, #tpu.memory_space<vmem>>, %arg8: memref<32xi32, #tpu.memory_space<vmem>>, %arg9: memref<32x384xf32, #tpu.memory_space<vmem>>, %arg10: memref<32x384xf32, #tpu.memory_space<vmem>>, %arg11: memref<32x384xf32, #tpu.memory_space<vmem>>, %arg12: memref<!tpu.dma_semaphore, #tpu.memory_space<semaphore_mem>>) attributes {dimension_semantics = [#tpu.dimension_semantics<core_parallel>, #tpu.dimension_semantics<subcore_parallel>], iteration_bounds = array<i64: 2, 16>, scalar_prefetch = 0 : i64, scratch_operands = 6 : i64, tpu.core_type = #tpu.core_type<sc_vector_subcore>, window_params = [{transform_indices = #map}, {transform_indices = #map}, {transform_indices = #map1}, {transform_indices = #map1}, {transform_indices = #map}]} {
    %mul3A = arith.constant 2 : i32
    %mul3A_0 = arith.muli %arg1, %mul3A : i32
    %add3A = arith.addi %mul3A_0, %arg0 : i32
    %mul3A_1 = arith.constant 32 : i32
    %mul3A_2 = arith.muli %add3A, %mul3A_1 : i32
    "tpu.region"() ({
      %run_scoped3A = tpu.sem_alloc : memref<!tpu.dma_semaphore, #tpu.memory_space<semaphore_mem>>
      %dma_start3A_18 = tpu.memref_slice %arg4[%mul3A_2] : memref<1024xi32, #tpu.memory_space<hbm>> -> memref<32xi32, #tpu.memory_space<hbm>>
      %dma_start3A_19 = tpu.memref_slice %arg4[%mul3A_2] : memref<1024xi32, #tpu.memory_space<hbm>> -> memref<32xi32, #tpu.memory_space<hbm>>
      tpu.enqueue_dma source(%dma_start3A_19 : memref<32xi32, #tpu.memory_space<hbm>>) target(%arg7 : memref<32xi32, #tpu.memory_space<vmem>>) target_semaphore(%run_scoped3A : memref<!tpu.dma_semaphore, #tpu.memory_space<semaphore_mem>>)
      %dma_wait3A_20 = tpu.memref_slice %arg4[%mul3A_2] : memref<1024xi32, #tpu.memory_space<hbm>> -> memref<32xi32, #tpu.memory_space<hbm>>
      %dma_wait3A_21 = tpu.memref_slice %arg4[%mul3A_2] : memref<1024xi32, #tpu.memory_space<hbm>> -> memref<32xi32, #tpu.memory_space<hbm>>
      tpu.wait_dma2 semaphore(%run_scoped3A : memref<!tpu.dma_semaphore, #tpu.memory_space<semaphore_mem>>) src(%dma_wait3A_21 : memref<32xi32, #tpu.memory_space<hbm>>) dst(%arg7 : memref<32xi32, #tpu.memory_space<vmem>>)
      tpu.yield
    }) : () -> ()
    "tpu.region"() ({
      %run_scoped3A = tpu.sem_alloc : memref<!tpu.dma_semaphore, #tpu.memory_space<semaphore_mem>>
      %dma_start3A_18 = tpu.memref_slice %arg5[%mul3A_2] : memref<1024xi32, #tpu.memory_space<hbm>> -> memref<32xi32, #tpu.memory_space<hbm>>
      %dma_start3A_19 = tpu.memref_slice %arg5[%mul3A_2] : memref<1024xi32, #tpu.memory_space<hbm>> -> memref<32xi32, #tpu.memory_space<hbm>>
      tpu.enqueue_dma source(%dma_start3A_19 : memref<32xi32, #tpu.memory_space<hbm>>) target(%arg8 : memref<32xi32, #tpu.memory_space<vmem>>) target_semaphore(%run_scoped3A : memref<!tpu.dma_semaphore, #tpu.memory_space<semaphore_mem>>)
      %dma_wait3A_20 = tpu.memref_slice %arg5[%mul3A_2] : memref<1024xi32, #tpu.memory_space<hbm>> -> memref<32xi32, #tpu.memory_space<hbm>>
      %dma_wait3A_21 = tpu.memref_slice %arg5[%mul3A_2] : memref<1024xi32, #tpu.memory_space<hbm>> -> memref<32xi32, #tpu.memory_space<hbm>>
      tpu.wait_dma2 semaphore(%run_scoped3A : memref<!tpu.dma_semaphore, #tpu.memory_space<semaphore_mem>>) src(%dma_wait3A_21 : memref<32xi32, #tpu.memory_space<hbm>>) dst(%arg8 : memref<32xi32, #tpu.memory_space<vmem>>)
      tpu.yield
    }) : () -> ()
    "tpu.region"() ({
      %run_scoped3A = tpu.sem_alloc : memref<!tpu.dma_semaphore, #tpu.memory_space<semaphore_mem>>
      %dma_start3A_18 = arith.constant 0 : i32
      %dma_start3A_19 = tpu.memref_slice %arg3[%mul3A_2, %dma_start3A_18] : memref<1024x384xf32, #tpu.memory_space<hbm>> -> memref<32x384xf32, #tpu.memory_space<hbm>>
      %dma_start3A_20 = arith.constant 0 : i32
      %dma_start3A_21 = tpu.memref_slice %arg3[%mul3A_2, %dma_start3A_20] : memref<1024x384xf32, #tpu.memory_space<hbm>> -> memref<32x384xf32, #tpu.memory_space<hbm>>
      tpu.enqueue_dma source(%dma_start3A_21 : memref<32x384xf32, #tpu.memory_space<hbm>>) target(%arg11 : memref<32x384xf32, #tpu.memory_space<vmem>>) target_semaphore(%run_scoped3A : memref<!tpu.dma_semaphore, #tpu.memory_space<semaphore_mem>>)
      %dma_wait3A_22 = arith.constant 0 : i32
      %dma_wait3A_23 = tpu.memref_slice %arg3[%mul3A_2, %dma_wait3A_22] : memref<1024x384xf32, #tpu.memory_space<hbm>> -> memref<32x384xf32, #tpu.memory_space<hbm>>
      %dma_wait3A_24 = arith.constant 0 : i32
      %dma_wait3A_25 = tpu.memref_slice %arg3[%mul3A_2, %dma_wait3A_24] : memref<1024x384xf32, #tpu.memory_space<hbm>> -> memref<32x384xf32, #tpu.memory_space<hbm>>
      tpu.wait_dma2 semaphore(%run_scoped3A : memref<!tpu.dma_semaphore, #tpu.memory_space<semaphore_mem>>) src(%dma_wait3A_25 : memref<32x384xf32, #tpu.memory_space<hbm>>) dst(%arg11 : memref<32x384xf32, #tpu.memory_space<vmem>>)
      tpu.yield
    }) : () -> ()
    %dma_start3A = arith.constant 0 : i32
    %dma_start3A_3 = arith.constant 0 : i32
    %dma_start3A_4 = tpu.memref_slice %arg2[%dma_start3A, %dma_start3A_3] : memref<1568x384xf32, #tpu.memory_space<hbm>> -> memref<1568x384xf32, #tpu.memory_space<hbm>>
    tpu.enqueue_indirect_dma source(%dma_start3A_4 : memref<1568x384xf32, #tpu.memory_space<hbm>>) target(%arg9 : memref<32x384xf32, #tpu.memory_space<vmem>>) offsets(%arg7 : memref<32xi32, #tpu.memory_space<vmem>>) semaphore(%arg12 : memref<!tpu.dma_semaphore, #tpu.memory_space<semaphore_mem>>)
    %dma_wait3A = arith.constant 0 : i32
    %dma_wait3A_5 = arith.constant 0 : i32
    %dma_wait3A_6 = tpu.memref_slice %arg2[%dma_wait3A, %dma_wait3A_5] : memref<1568x384xf32, #tpu.memory_space<hbm>> -> memref<1568x384xf32, #tpu.memory_space<hbm>>
    tpu.wait_indirect_dma semaphore(%arg12 : memref<!tpu.dma_semaphore, #tpu.memory_space<semaphore_mem>>) src(%dma_wait3A_6 : memref<1568x384xf32, #tpu.memory_space<hbm>>) dst(%arg9 : memref<32x384xf32, #tpu.memory_space<vmem>>)
    %dma_start3A_7 = arith.constant 0 : i32
    %dma_start3A_8 = arith.constant 0 : i32
    %dma_start3A_9 = tpu.memref_slice %arg2[%dma_start3A_7, %dma_start3A_8] : memref<1568x384xf32, #tpu.memory_space<hbm>> -> memref<1568x384xf32, #tpu.memory_space<hbm>>
    tpu.enqueue_indirect_dma source(%dma_start3A_9 : memref<1568x384xf32, #tpu.memory_space<hbm>>) target(%arg10 : memref<32x384xf32, #tpu.memory_space<vmem>>) offsets(%arg8 : memref<32xi32, #tpu.memory_space<vmem>>) semaphore(%arg12 : memref<!tpu.dma_semaphore, #tpu.memory_space<semaphore_mem>>)
    %dma_wait3A_10 = arith.constant 0 : i32
    %dma_wait3A_11 = arith.constant 0 : i32
    %dma_wait3A_12 = tpu.memref_slice %arg2[%dma_wait3A_10, %dma_wait3A_11] : memref<1568x384xf32, #tpu.memory_space<hbm>> -> memref<1568x384xf32, #tpu.memory_space<hbm>>
    tpu.wait_indirect_dma semaphore(%arg12 : memref<!tpu.dma_semaphore, #tpu.memory_space<semaphore_mem>>) src(%dma_wait3A_12 : memref<1568x384xf32, #tpu.memory_space<hbm>>) dst(%arg10 : memref<32x384xf32, #tpu.memory_space<vmem>>)
    %scan3A = arith.constant 0 : i32
    %scan3A_13 = arith.constant 0 : i32
    %scan3A_14 = arith.constant 32 : i32
    %scan3A_15 = arith.addi %scan3A_13, %scan3A_14 : i32
    %scan3A_16 = arith.constant 1 : i32
    scf.for %scan3A_18 = %scan3A_13 to %scan3A_15 step %scan3A_16  : i32 {
      %get3A = arith.index_cast %scan3A_18 : i32 to index
      %get3A_19 = arith.constant 0 : index
      %get3A_20 = tpu.vector_load %arg11[%get3A, %get3A_19] {strides = array<i32>} : memref<32x384xf32, #tpu.memory_space<vmem>>, vector<1x16xf32>,
      %get3A_21 = vector.shape_cast %get3A_20 : vector<1x16xf32> to vector<16xf32>
      %get3A_22 = arith.index_cast %scan3A_18 : i32 to index
      %get3A_23 = arith.constant 0 : index
      %get3A_24 = tpu.vector_load %arg9[%get3A_22, %get3A_23] {strides = array<i32>} : memref<32x384xf32, #tpu.memory_space<vmem>>, vector<1x16xf32>,
      %get3A_25 = vector.shape_cast %get3A_24 : vector<1x16xf32> to vector<16xf32>
      %add3A_26 = arith.addf %get3A_21, %get3A_25 : vector<16xf32>
      %get3A_27 = arith.index_cast %scan3A_18 : i32 to index
      %get3A_28 = arith.constant 0 : index
      %get3A_29 = tpu.vector_load %arg10[%get3A_27, %get3A_28] {strides = array<i32>} : memref<32x384xf32, #tpu.memory_space<vmem>>, vector<1x16xf32>,
      %get3A_30 = vector.shape_cast %get3A_29 : vector<1x16xf32> to vector<16xf32>
      %add3A_31 = arith.addf %add3A_26, %get3A_30 : vector<16xf32>
      %swap3A = arith.index_cast %scan3A_18 : i32 to index
      %swap3A_32 = arith.constant 0 : index
      %swap3A_33 = tpu.vector_load %arg11[%swap3A, %swap3A_32] {strides = array<i32>} : memref<32x384xf32, #tpu.memory_space<vmem>>, vector<1x16xf32>,
      %swap3A_34 = vector.shape_cast %swap3A_33 : vector<1x16xf32> to vector<16xf32>
      %swap3A_35 = vector.shape_cast %add3A_31 : vector<16xf32> to vector<1x16xf32>
      tpu.vector_store %arg11[%swap3A, %swap3A_32], %swap3A_35 {strides = array<i32>} : memref<32x384xf32, #tpu.memory_space<vmem>>, vector<1x16xf32>,
      %get3A_36 = arith.index_cast %scan3A_18 : i32 to index
      %get3A_37 = arith.constant 16 : index
      %get3A_38 = tpu.vector_load %arg11[%get3A_36, %get3A_37] {strides = array<i32>} : memref<32x384xf32, #tpu.memory_space<vmem>>, vector<1x16xf32>,
      %get3A_39 = vector.shape_cast %get3A_38 : vector<1x16xf32> to vector<16xf32>
      %get3A_40 = arith.index_cast %scan3A_18 : i32 to index
      %get3A_41 = arith.constant 16 : index
      %get3A_42 = tpu.vector_load %arg9[%get3A_40, %get3A_41] {strides = array<i32>} : memref<32x384xf32, #tpu.memory_space<vmem>>, vector<1x16xf32>,
      %get3A_43 = vector.shape_cast %get3A_42 : vector<1x16xf32> to vector<16xf32>
      %add3A_44 = arith.addf %get3A_39, %get3A_43 : vector<16xf32>
      %get3A_45 = arith.index_cast %scan3A_18 : i32 to index
      %get3A_46 = arith.constant 16 : index
      %get3A_47 = tpu.vector_load %arg10[%get3A_45, %get3A_46] {strides = array<i32>} : memref<32x384xf32, #tpu.memory_space<vmem>>, vector<1x16xf32>,
      %get3A_48 = vector.shape_cast %get3A_47 : vector<1x16xf32> to vector<16xf32>
      %add3A_49 = arith.addf %add3A_44, %get3A_48 : vector<16xf32>
      %swap3A_50 = arith.index_cast %scan3A_18 : i32 to index
      %swap3A_51 = arith.constant 16 : index
      %swap3A_52 = tpu.vector_load %arg11[%swap3A_50, %swap3A_51] {strides = array<i32>} : memref<32x384xf32, #tpu.memory_space<vmem>>, vector<1x16xf32>,
      %swap3A_53 = vector.shape_cast %swap3A_52 : vector<1x16xf32> to vector<16xf32>
      %swap3A_54 = vector.shape_cast %add3A_49 : vector<16xf32> to vector<1x16xf32>
      tpu.vector_store %arg11[%swap3A_50, %swap3A_51], %swap3A_54 {strides = array<i32>} : memref<32x384xf32, #tpu.memory_space<vmem>>, vector<1x16xf32>,
      %get3A_55 = arith.index_cast %scan3A_18 : i32 to index
      %get3A_56 = arith.constant 32 : index
      %get3A_57 = tpu.vector_load %arg11[%get3A_55, %get3A_56] {strides = array<i32>} : memref<32x384xf32, #tpu.memory_space<vmem>>, vector<1x16xf32>,
      %get3A_58 = vector.shape_cast %get3A_57 : vector<1x16xf32> to vector<16xf32>
      %get3A_59 = arith.index_cast %scan3A_18 : i32 to index
      %get3A_60 = arith.constant 32 : index
      %get3A_61 = tpu.vector_load %arg9[%get3A_59, %get3A_60] {strides = array<i32>} : memref<32x384xf32, #tpu.memory_space<vmem>>, vector<1x16xf32>,
      %get3A_62 = vector.shape_cast %get3A_61 : vector<1x16xf32> to vector<16xf32>
      %add3A_63 = arith.addf %get3A_58, %get3A_62 : vector<16xf32>
      %get3A_64 = arith.index_cast %scan3A_18 : i32 to index
      %get3A_65 = arith.constant 32 : index
      %get3A_66 = tpu.vector_load %arg10[%get3A_64, %get3A_65] {strides = array<i32>} : memref<32x384xf32, #tpu.memory_space<vmem>>, vector<1x16xf32>,
      %get3A_67 = vector.shape_cast %get3A_66 : vector<1x16xf32> to vector<16xf32>
      %add3A_68 = arith.addf %add3A_63, %get3A_67 : vector<16xf32>
      %swap3A_69 = arith.index_cast %scan3A_18 : i32 to index
      %swap3A_70 = arith.constant 32 : index
      %swap3A_71 = tpu.vector_load %arg11[%swap3A_69, %swap3A_70] {strides = array<i32>} : memref<32x384xf32, #tpu.memory_space<vmem>>, vector<1x16xf32>,
      %swap3A_72 = vector.shape_cast %swap3A_71 : vector<1x16xf32> to vector<16xf32>
      %swap3A_73 = vector.shape_cast %add3A_68 : vector<16xf32> to vector<1x16xf32>
      tpu.vector_store %arg11[%swap3A_69, %swap3A_70], %swap3A_73 {strides = array<i32>} : memref<32x384xf32, #tpu.memory_space<vmem>>, vector<1x16xf32>,
      %get3A_74 = arith.index_cast %scan3A_18 : i32 to index
      %get3A_75 = arith.constant 48 : index
      %get3A_76 = tpu.vector_load %arg11[%get3A_74, %get3A_75] {strides = array<i32>} : memref<32x384xf32, #tpu.memory_space<vmem>>, vector<1x16xf32>,
      %get3A_77 = vector.shape_cast %get3A_76 : vector<1x16xf32> to vector<16xf32>
      %get3A_78 = arith.index_cast %scan3A_18 : i32 to index
      %get3A_79 = arith.constant 48 : index
      %get3A_80 = tpu.vector_load %arg9[%get3A_78, %get3A_79] {strides = array<i32>} : memref<32x384xf32, #tpu.memory_space<vmem>>, vector<1x16xf32>,
      %get3A_81 = vector.shape_cast %get3A_80 : vector<1x16xf32> to vector<16xf32>
      %add3A_82 = arith.addf %get3A_77, %get3A_81 : vector<16xf32>
      %get3A_83 = arith.index_cast %scan3A_18 : i32 to index
      %get3A_84 = arith.constant 48 : index
      %get3A_85 = tpu.vector_load %arg10[%get3A_83, %get3A_84] {strides = array<i32>} : memref<32x384xf32, #tpu.memory_space<vmem>>, vector<1x16xf32>,
      %get3A_86 = vector.shape_cast %get3A_85 : vector<1x16xf32> to vector<16xf32>
      %add3A_87 = arith.addf %add3A_82, %get3A_86 : vector<16xf32>
      %swap3A_88 = arith.index_cast %scan3A_18 : i32 to index
      %swap3A_89 = arith.constant 48 : index
      %swap3A_90 = tpu.vector_load %arg11[%swap3A_88, %swap3A_89] {strides = array<i32>} : memref<32x384xf32, #tpu.memory_space<vmem>>, vector<1x16xf32>,
      %swap3A_91 = vector.shape_cast %swap3A_90 : vector<1x16xf32> to vector<16xf32>
      %swap3A_92 = vector.shape_cast %add3A_87 : vector<16xf32> to vector<1x16xf32>
      tpu.vector_store %arg11[%swap3A_88, %swap3A_89], %swap3A_92 {strides = array<i32>} : memref<32x384xf32, #tpu.memory_space<vmem>>, vector<1x16xf32>,
      %get3A_93 = arith.index_cast %scan3A_18 : i32 to index
      %get3A_94 = arith.constant 64 : index
      %get3A_95 = tpu.vector_load %arg11[%get3A_93, %get3A_94] {strides = array<i32>} : memref<32x384xf32, #tpu.memory_space<vmem>>, vector<1x16xf32>,
      %get3A_96 = vector.shape_cast %get3A_95 : vector<1x16xf32> to vector<16xf32>
      %get3A_97 = arith.index_cast %scan3A_18 : i32 to index
      %get3A_98 = arith.constant 64 : index
      %get3A_99 = tpu.vector_load %arg9[%get3A_97, %get3A_98] {strides = array<i32>} : memref<32x384xf32, #tpu.memory_space<vmem>>, vector<1x16xf32>,
      %get3A_100 = vector.shape_cast %get3A_99 : vector<1x16xf32> to vector<16xf32>
      %add3A_101 = arith.addf %get3A_96, %get3A_100 : vector<16xf32>
      %get3A_102 = arith.index_cast %scan3A_18 : i32 to index
      %get3A_103 = arith.constant 64 : index
      %get3A_104 = tpu.vector_load %arg10[%get3A_102, %get3A_103] {strides = array<i32>} : memref<32x384xf32, #tpu.memory_space<vmem>>, vector<1x16xf32>,
      %get3A_105 = vector.shape_cast %get3A_104 : vector<1x16xf32> to vector<16xf32>
      %add3A_106 = arith.addf %add3A_101, %get3A_105 : vector<16xf32>
      %swap3A_107 = arith.index_cast %scan3A_18 : i32 to index
      %swap3A_108 = arith.constant 64 : index
      %swap3A_109 = tpu.vector_load %arg11[%swap3A_107, %swap3A_108] {strides = array<i32>} : memref<32x384xf32, #tpu.memory_space<vmem>>, vector<1x16xf32>,
      %swap3A_110 = vector.shape_cast %swap3A_109 : vector<1x16xf32> to vector<16xf32>
      %swap3A_111 = vector.shape_cast %add3A_106 : vector<16xf32> to vector<1x16xf32>
      tpu.vector_store %arg11[%swap3A_107, %swap3A_108], %swap3A_111 {strides = array<i32>} : memref<32x384xf32, #tpu.memory_space<vmem>>, vector<1x16xf32>,
      %get3A_112 = arith.index_cast %scan3A_18 : i32 to index
      %get3A_113 = arith.constant 80 : index
      %get3A_114 = tpu.vector_load %arg11[%get3A_112, %get3A_113] {strides = array<i32>} : memref<32x384xf32, #tpu.memory_space<vmem>>, vector<1x16xf32>,
      %get3A_115 = vector.shape_cast %get3A_114 : vector<1x16xf32> to vector<16xf32>
      %get3A_116 = arith.index_cast %scan3A_18 : i32 to index
      %get3A_117 = arith.constant 80 : index
      %get3A_118 = tpu.vector_load %arg9[%get3A_116, %get3A_117] {strides = array<i32>} : memref<32x384xf32, #tpu.memory_space<vmem>>, vector<1x16xf32>,
      %get3A_119 = vector.shape_cast %get3A_118 : vector<1x16xf32> to vector<16xf32>
      %add3A_120 = arith.addf %get3A_115, %get3A_119 : vector<16xf32>
      %get3A_121 = arith.index_cast %scan3A_18 : i32 to index
      %get3A_122 = arith.constant 80 : index
      %get3A_123 = tpu.vector_load %arg10[%get3A_121, %get3A_122] {strides = array<i32>} : memref<32x384xf32, #tpu.memory_space<vmem>>, vector<1x16xf32>,
      %get3A_124 = vector.shape_cast %get3A_123 : vector<1x16xf32> to vector<16xf32>
      %add3A_125 = arith.addf %add3A_120, %get3A_124 : vector<16xf32>
      %swap3A_126 = arith.index_cast %scan3A_18 : i32 to index
      %swap3A_127 = arith.constant 80 : index
      %swap3A_128 = tpu.vector_load %arg11[%swap3A_126, %swap3A_127] {strides = array<i32>} : memref<32x384xf32, #tpu.memory_space<vmem>>, vector<1x16xf32>,
      %swap3A_129 = vector.shape_cast %swap3A_128 : vector<1x16xf32> to vector<16xf32>
      %swap3A_130 = vector.shape_cast %add3A_125 : vector<16xf32> to vector<1x16xf32>
      tpu.vector_store %arg11[%swap3A_126, %swap3A_127], %swap3A_130 {strides = array<i32>} : memref<32x384xf32, #tpu.memory_space<vmem>>, vector<1x16xf32>,
      %get3A_131 = arith.index_cast %scan3A_18 : i32 to index
      %get3A_132 = arith.constant 96 : index
      %get3A_133 = tpu.vector_load %arg11[%get3A_131, %get3A_132] {strides = array<i32>} : memref<32x384xf32, #tpu.memory_space<vmem>>, vector<1x16xf32>,
      %get3A_134 = vector.shape_cast %get3A_133 : vector<1x16xf32> to vector<16xf32>
      %get3A_135 = arith.index_cast %scan3A_18 : i32 to index
      %get3A_136 = arith.constant 96 : index
      %get3A_137 = tpu.vector_load %arg9[%get3A_135, %get3A_136] {strides = array<i32>} : memref<32x384xf32, #tpu.memory_space<vmem>>, vector<1x16xf32>,
      %get3A_138 = vector.shape_cast %get3A_137 : vector<1x16xf32> to vector<16xf32>
      %add3A_139 = arith.addf %get3A_134, %get3A_138 : vector<16xf32>
      %get3A_140 = arith.index_cast %scan3A_18 : i32 to index
      %get3A_141 = arith.constant 96 : index
      %get3A_142 = tpu.vector_load %arg10[%get3A_140, %get3A_141] {strides = array<i32>} : memref<32x384xf32, #tpu.memory_space<vmem>>, vector<1x16xf32>,
      %get3A_143 = vector.shape_cast %get3A_142 : vector<1x16xf32> to vector<16xf32>
      %add3A_144 = arith.addf %add3A_139, %get3A_143 : vector<16xf32>
      %swap3A_145 = arith.index_cast %scan3A_18 : i32 to index
      %swap3A_146 = arith.constant 96 : index
      %swap3A_147 = tpu.vector_load %arg11[%swap3A_145, %swap3A_146] {strides = array<i32>} : memref<32x384xf32, #tpu.memory_space<vmem>>, vector<1x16xf32>,
      %swap3A_148 = vector.shape_cast %swap3A_147 : vector<1x16xf32> to vector<16xf32>
      %swap3A_149 = vector.shape_cast %add3A_144 : vector<16xf32> to vector<1x16xf32>
      tpu.vector_store %arg11[%swap3A_145, %swap3A_146], %swap3A_149 {strides = array<i32>} : memref<32x384xf32, #tpu.memory_space<vmem>>, vector<1x16xf32>,
      %get3A_150 = arith.index_cast %scan3A_18 : i32 to index
      %get3A_151 = arith.constant 112 : index
      %get3A_152 = tpu.vector_load %arg11[%get3A_150, %get3A_151] {strides = array<i32>} : memref<32x384xf32, #tpu.memory_space<vmem>>, vector<1x16xf32>,
      %get3A_153 = vector.shape_cast %get3A_152 : vector<1x16xf32> to vector<16xf32>
      %get3A_154 = arith.index_cast %scan3A_18 : i32 to index
      %get3A_155 = arith.constant 112 : index
      %get3A_156 = tpu.vector_load %arg9[%get3A_154, %get3A_155] {strides = array<i32>} : memref<32x384xf32, #tpu.memory_space<vmem>>, vector<1x16xf32>,
      %get3A_157 = vector.shape_cast %get3A_156 : vector<1x16xf32> to vector<16xf32>
      %add3A_158 = arith.addf %get3A_153, %get3A_157 : vector<16xf32>
      %get3A_159 = arith.index_cast %scan3A_18 : i32 to index
      %get3A_160 = arith.constant 112 : index
      %get3A_161 = tpu.vector_load %arg10[%get3A_159, %get3A_160] {strides = array<i32>} : memref<32x384xf32, #tpu.memory_space<vmem>>, vector<1x16xf32>,
      %get3A_162 = vector.shape_cast %get3A_161 : vector<1x16xf32> to vector<16xf32>
      %add3A_163 = arith.addf %add3A_158, %get3A_162 : vector<16xf32>
      %swap3A_164 = arith.index_cast %scan3A_18 : i32 to index
      %swap3A_165 = arith.constant 112 : index
      %swap3A_166 = tpu.vector_load %arg11[%swap3A_164, %swap3A_165] {strides = array<i32>} : memref<32x384xf32, #tpu.memory_space<vmem>>, vector<1x16xf32>,
      %swap3A_167 = vector.shape_cast %swap3A_166 : vector<1x16xf32> to vector<16xf32>
      %swap3A_168 = vector.shape_cast %add3A_163 : vector<16xf32> to vector<1x16xf32>
      tpu.vector_store %arg11[%swap3A_164, %swap3A_165], %swap3A_168 {strides = array<i32>} : memref<32x384xf32, #tpu.memory_space<vmem>>, vector<1x16xf32>,
      %get3A_169 = arith.index_cast %scan3A_18 : i32 to index
      %get3A_170 = arith.constant 128 : index
      %get3A_171 = tpu.vector_load %arg11[%get3A_169, %get3A_170] {strides = array<i32>} : memref<32x384xf32, #tpu.memory_space<vmem>>, vector<1x16xf32>,
      %get3A_172 = vector.shape_cast %get3A_171 : vector<1x16xf32> to vector<16xf32>
      %get3A_173 = arith.index_cast %scan3A_18 : i32 to index
      %get3A_174 = arith.constant 128 : index
      %get3A_175 = tpu.vector_load %arg9[%get3A_173, %get3A_174] {strides = array<i32>} : memref<32x384xf32, #tpu.memory_space<vmem>>, vector<1x16xf32>,
      %get3A_176 = vector.shape_cast %get3A_175 : vector<1x16xf32> to vector<16xf32>
      %add3A_177 = arith.addf %get3A_172, %get3A_176 : vector<16xf32>
      %get3A_178 = arith.index_cast %scan3A_18 : i32 to index
      %get3A_179 = arith.constant 128 : index
      %get3A_180 = tpu.vector_load %arg10[%get3A_178, %get3A_179] {strides = array<i32>} : memref<32x384xf32, #tpu.memory_space<vmem>>, vector<1x16xf32>,
      %get3A_181 = vector.shape_cast %get3A_180 : vector<1x16xf32> to vector<16xf32>
      %add3A_182 = arith.addf %add3A_177, %get3A_181 : vector<16xf32>
      %swap3A_183 = arith.index_cast %scan3A_18 : i32 to index
      %swap3A_184 = arith.constant 128 : index
      %swap3A_185 = tpu.vector_load %arg11[%swap3A_183, %swap3A_184] {strides = array<i32>} : memref<32x384xf32, #tpu.memory_space<vmem>>, vector<1x16xf32>,
      %swap3A_186 = vector.shape_cast %swap3A_185 : vector<1x16xf32> to vector<16xf32>
      %swap3A_187 = vector.shape_cast %add3A_182 : vector<16xf32> to vector<1x16xf32>
      tpu.vector_store %arg11[%swap3A_183, %swap3A_184], %swap3A_187 {strides = array<i32>} : memref<32x384xf32, #tpu.memory_space<vmem>>, vector<1x16xf32>,
      %get3A_188 = arith.index_cast %scan3A_18 : i32 to index
      %get3A_189 = arith.constant 144 : index
      %get3A_190 = tpu.vector_load %arg11[%get3A_188, %get3A_189] {strides = array<i32>} : memref<32x384xf32, #tpu.memory_space<vmem>>, vector<1x16xf32>,
      %get3A_191 = vector.shape_cast %get3A_190 : vector<1x16xf32> to vector<16xf32>
      %get3A_192 = arith.index_cast %scan3A_18 : i32 to index
      %get3A_193 = arith.constant 144 : index
      %get3A_194 = tpu.vector_load %arg9[%get3A_192, %get3A_193] {strides = array<i32>} : memref<32x384xf32, #tpu.memory_space<vmem>>, vector<1x16xf32>,
      %get3A_195 = vector.shape_cast %get3A_194 : vector<1x16xf32> to vector<16xf32>
      %add3A_196 = arith.addf %get3A_191, %get3A_195 : vector<16xf32>
      %get3A_197 = arith.index_cast %scan3A_18 : i32 to index
      %get3A_198 = arith.constant 144 : index
      %get3A_199 = tpu.vector_load %arg10[%get3A_197, %get3A_198] {strides = array<i32>} : memref<32x384xf32, #tpu.memory_space<vmem>>, vector<1x16xf32>,
      %get3A_200 = vector.shape_cast %get3A_199 : vector<1x16xf32> to vector<16xf32>
      %add3A_201 = arith.addf %add3A_196, %get3A_200 : vector<16xf32>
      %swap3A_202 = arith.index_cast %scan3A_18 : i32 to index
      %swap3A_203 = arith.constant 144 : index
      %swap3A_204 = tpu.vector_load %arg11[%swap3A_202, %swap3A_203] {strides = array<i32>} : memref<32x384xf32, #tpu.memory_space<vmem>>, vector<1x16xf32>,
      %swap3A_205 = vector.shape_cast %swap3A_204 : vector<1x16xf32> to vector<16xf32>
      %swap3A_206 = vector.shape_cast %add3A_201 : vector<16xf32> to vector<1x16xf32>
      tpu.vector_store %arg11[%swap3A_202, %swap3A_203], %swap3A_206 {strides = array<i32>} : memref<32x384xf32, #tpu.memory_space<vmem>>, vector<1x16xf32>,
      %get3A_207 = arith.index_cast %scan3A_18 : i32 to index
      %get3A_208 = arith.constant 160 : index
      %get3A_209 = tpu.vector_load %arg11[%get3A_207, %get3A_208] {strides = array<i32>} : memref<32x384xf32, #tpu.memory_space<vmem>>, vector<1x16xf32>,
      %get3A_210 = vector.shape_cast %get3A_209 : vector<1x16xf32> to vector<16xf32>
      %get3A_211 = arith.index_cast %scan3A_18 : i32 to index
      %get3A_212 = arith.constant 160 : index
      %get3A_213 = tpu.vector_load %arg9[%get3A_211, %get3A_212] {strides = array<i32>} : memref<32x384xf32, #tpu.memory_space<vmem>>, vector<1x16xf32>,
      %get3A_214 = vector.shape_cast %get3A_213 : vector<1x16xf32> to vector<16xf32>
      %add3A_215 = arith.addf %get3A_210, %get3A_214 : vector<16xf32>
      %get3A_216 = arith.index_cast %scan3A_18 : i32 to index
      %get3A_217 = arith.constant 160 : index
      %get3A_218 = tpu.vector_load %arg10[%get3A_216, %get3A_217] {strides = array<i32>} : memref<32x384xf32, #tpu.memory_space<vmem>>, vector<1x16xf32>,
      %get3A_219 = vector.shape_cast %get3A_218 : vector<1x16xf32> to vector<16xf32>
      %add3A_220 = arith.addf %add3A_215, %get3A_219 : vector<16xf32>
      %swap3A_221 = arith.index_cast %scan3A_18 : i32 to index
      %swap3A_222 = arith.constant 160 : index
      %swap3A_223 = tpu.vector_load %arg11[%swap3A_221, %swap3A_222] {strides = array<i32>} : memref<32x384xf32, #tpu.memory_space<vmem>>, vector<1x16xf32>,
      %swap3A_224 = vector.shape_cast %swap3A_223 : vector<1x16xf32> to vector<16xf32>
      %swap3A_225 = vector.shape_cast %add3A_220 : vector<16xf32> to vector<1x16xf32>
      tpu.vector_store %arg11[%swap3A_221, %swap3A_222], %swap3A_225 {strides = array<i32>} : memref<32x384xf32, #tpu.memory_space<vmem>>, vector<1x16xf32>,
      %get3A_226 = arith.index_cast %scan3A_18 : i32 to index
      %get3A_227 = arith.constant 176 : index
      %get3A_228 = tpu.vector_load %arg11[%get3A_226, %get3A_227] {strides = array<i32>} : memref<32x384xf32, #tpu.memory_space<vmem>>, vector<1x16xf32>,
      %get3A_229 = vector.shape_cast %get3A_228 : vector<1x16xf32> to vector<16xf32>
      %get3A_230 = arith.index_cast %scan3A_18 : i32 to index
      %get3A_231 = arith.constant 176 : index
      %get3A_232 = tpu.vector_load %arg9[%get3A_230, %get3A_231] {strides = array<i32>} : memref<32x384xf32, #tpu.memory_space<vmem>>, vector<1x16xf32>,
      %get3A_233 = vector.shape_cast %get3A_232 : vector<1x16xf32> to vector<16xf32>
      %add3A_234 = arith.addf %get3A_229, %get3A_233 : vector<16xf32>
      %get3A_235 = arith.index_cast %scan3A_18 : i32 to index
      %get3A_236 = arith.constant 176 : index
      %get3A_237 = tpu.vector_load %arg10[%get3A_235, %get3A_236] {strides = array<i32>} : memref<32x384xf32, #tpu.memory_space<vmem>>, vector<1x16xf32>,
      %get3A_238 = vector.shape_cast %get3A_237 : vector<1x16xf32> to vector<16xf32>
      %add3A_239 = arith.addf %add3A_234, %get3A_238 : vector<16xf32>
      %swap3A_240 = arith.index_cast %scan3A_18 : i32 to index
      %swap3A_241 = arith.constant 176 : index
      %swap3A_242 = tpu.vector_load %arg11[%swap3A_240, %swap3A_241] {strides = array<i32>} : memref<32x384xf32, #tpu.memory_space<vmem>>, vector<1x16xf32>,
      %swap3A_243 = vector.shape_cast %swap3A_242 : vector<1x16xf32> to vector<16xf32>
      %swap3A_244 = vector.shape_cast %add3A_239 : vector<16xf32> to vector<1x16xf32>
      tpu.vector_store %arg11[%swap3A_240, %swap3A_241], %swap3A_244 {strides = array<i32>} : memref<32x384xf32, #tpu.memory_space<vmem>>, vector<1x16xf32>,
      %get3A_245 = arith.index_cast %scan3A_18 : i32 to index
      %get3A_246 = arith.constant 192 : index
      %get3A_247 = tpu.vector_load %arg11[%get3A_245, %get3A_246] {strides = array<i32>} : memref<32x384xf32, #tpu.memory_space<vmem>>, vector<1x16xf32>,
      %get3A_248 = vector.shape_cast %get3A_247 : vector<1x16xf32> to vector<16xf32>
      %get3A_249 = arith.index_cast %scan3A_18 : i32 to index
      %get3A_250 = arith.constant 192 : index
      %get3A_251 = tpu.vector_load %arg9[%get3A_249, %get3A_250] {strides = array<i32>} : memref<32x384xf32, #tpu.memory_space<vmem>>, vector<1x16xf32>,
      %get3A_252 = vector.shape_cast %get3A_251 : vector<1x16xf32> to vector<16xf32>
      %add3A_253 = arith.addf %get3A_248, %get3A_252 : vector<16xf32>
      %get3A_254 = arith.index_cast %scan3A_18 : i32 to index
      %get3A_255 = arith.constant 192 : index
      %get3A_256 = tpu.vector_load %arg10[%get3A_254, %get3A_255] {strides = array<i32>} : memref<32x384xf32, #tpu.memory_space<vmem>>, vector<1x16xf32>,
      %get3A_257 = vector.shape_cast %get3A_256 : vector<1x16xf32> to vector<16xf32>
      %add3A_258 = arith.addf %add3A_253, %get3A_257 : vector<16xf32>
      %swap3A_259 = arith.index_cast %scan3A_18 : i32 to index
      %swap3A_260 = arith.constant 192 : index
      %swap3A_261 = tpu.vector_load %arg11[%swap3A_259, %swap3A_260] {strides = array<i32>} : memref<32x384xf32, #tpu.memory_space<vmem>>, vector<1x16xf32>,
      %swap3A_262 = vector.shape_cast %swap3A_261 : vector<1x16xf32> to vector<16xf32>
      %swap3A_263 = vector.shape_cast %add3A_258 : vector<16xf32> to vector<1x16xf32>
      tpu.vector_store %arg11[%swap3A_259, %swap3A_260], %swap3A_263 {strides = array<i32>} : memref<32x384xf32, #tpu.memory_space<vmem>>, vector<1x16xf32>,
      %get3A_264 = arith.index_cast %scan3A_18 : i32 to index
      %get3A_265 = arith.constant 208 : index
      %get3A_266 = tpu.vector_load %arg11[%get3A_264, %get3A_265] {strides = array<i32>} : memref<32x384xf32, #tpu.memory_space<vmem>>, vector<1x16xf32>,
      %get3A_267 = vector.shape_cast %get3A_266 : vector<1x16xf32> to vector<16xf32>
      %get3A_268 = arith.index_cast %scan3A_18 : i32 to index
      %get3A_269 = arith.constant 208 : index
      %get3A_270 = tpu.vector_load %arg9[%get3A_268, %get3A_269] {strides = array<i32>} : memref<32x384xf32, #tpu.memory_space<vmem>>, vector<1x16xf32>,
      %get3A_271 = vector.shape_cast %get3A_270 : vector<1x16xf32> to vector<16xf32>
      %add3A_272 = arith.addf %get3A_267, %get3A_271 : vector<16xf32>
      %get3A_273 = arith.index_cast %scan3A_18 : i32 to index
      %get3A_274 = arith.constant 208 : index
      %get3A_275 = tpu.vector_load %arg10[%get3A_273, %get3A_274] {strides = array<i32>} : memref<32x384xf32, #tpu.memory_space<vmem>>, vector<1x16xf32>,
      %get3A_276 = vector.shape_cast %get3A_275 : vector<1x16xf32> to vector<16xf32>
      %add3A_277 = arith.addf %add3A_272, %get3A_276 : vector<16xf32>
      %swap3A_278 = arith.index_cast %scan3A_18 : i32 to index
      %swap3A_279 = arith.constant 208 : index
      %swap3A_280 = tpu.vector_load %arg11[%swap3A_278, %swap3A_279] {strides = array<i32>} : memref<32x384xf32, #tpu.memory_space<vmem>>, vector<1x16xf32>,
      %swap3A_281 = vector.shape_cast %swap3A_280 : vector<1x16xf32> to vector<16xf32>
      %swap3A_282 = vector.shape_cast %add3A_277 : vector<16xf32> to vector<1x16xf32>
      tpu.vector_store %arg11[%swap3A_278, %swap3A_279], %swap3A_282 {strides = array<i32>} : memref<32x384xf32, #tpu.memory_space<vmem>>, vector<1x16xf32>,
      %get3A_283 = arith.index_cast %scan3A_18 : i32 to index
      %get3A_284 = arith.constant 224 : index
      %get3A_285 = tpu.vector_load %arg11[%get3A_283, %get3A_284] {strides = array<i32>} : memref<32x384xf32, #tpu.memory_space<vmem>>, vector<1x16xf32>,
      %get3A_286 = vector.shape_cast %get3A_285 : vector<1x16xf32> to vector<16xf32>
      %get3A_287 = arith.index_cast %scan3A_18 : i32 to index
      %get3A_288 = arith.constant 224 : index
      %get3A_289 = tpu.vector_load %arg9[%get3A_287, %get3A_288] {strides = array<i32>} : memref<32x384xf32, #tpu.memory_space<vmem>>, vector<1x16xf32>,
      %get3A_290 = vector.shape_cast %get3A_289 : vector<1x16xf32> to vector<16xf32>
      %add3A_291 = arith.addf %get3A_286, %get3A_290 : vector<16xf32>
      %get3A_292 = arith.index_cast %scan3A_18 : i32 to index
      %get3A_293 = arith.constant 224 : index
      %get3A_294 = tpu.vector_load %arg10[%get3A_292, %get3A_293] {strides = array<i32>} : memref<32x384xf32, #tpu.memory_space<vmem>>, vector<1x16xf32>,
      %get3A_295 = vector.shape_cast %get3A_294 : vector<1x16xf32> to vector<16xf32>
      %add3A_296 = arith.addf %add3A_291, %get3A_295 : vector<16xf32>
      %swap3A_297 = arith.index_cast %scan3A_18 : i32 to index
      %swap3A_298 = arith.constant 224 : index
      %swap3A_299 = tpu.vector_load %arg11[%swap3A_297, %swap3A_298] {strides = array<i32>} : memref<32x384xf32, #tpu.memory_space<vmem>>, vector<1x16xf32>,
      %swap3A_300 = vector.shape_cast %swap3A_299 : vector<1x16xf32> to vector<16xf32>
      %swap3A_301 = vector.shape_cast %add3A_296 : vector<16xf32> to vector<1x16xf32>
      tpu.vector_store %arg11[%swap3A_297, %swap3A_298], %swap3A_301 {strides = array<i32>} : memref<32x384xf32, #tpu.memory_space<vmem>>, vector<1x16xf32>,
      %get3A_302 = arith.index_cast %scan3A_18 : i32 to index
      %get3A_303 = arith.constant 240 : index
      %get3A_304 = tpu.vector_load %arg11[%get3A_302, %get3A_303] {strides = array<i32>} : memref<32x384xf32, #tpu.memory_space<vmem>>, vector<1x16xf32>,
      %get3A_305 = vector.shape_cast %get3A_304 : vector<1x16xf32> to vector<16xf32>
      %get3A_306 = arith.index_cast %scan3A_18 : i32 to index
      %get3A_307 = arith.constant 240 : index
      %get3A_308 = tpu.vector_load %arg9[%get3A_306, %get3A_307] {strides = array<i32>} : memref<32x384xf32, #tpu.memory_space<vmem>>, vector<1x16xf32>,
      %get3A_309 = vector.shape_cast %get3A_308 : vector<1x16xf32> to vector<16xf32>
      %add3A_310 = arith.addf %get3A_305, %get3A_309 : vector<16xf32>
      %get3A_311 = arith.index_cast %scan3A_18 : i32 to index
      %get3A_312 = arith.constant 240 : index
      %get3A_313 = tpu.vector_load %arg10[%get3A_311, %get3A_312] {strides = array<i32>} : memref<32x384xf32, #tpu.memory_space<vmem>>, vector<1x16xf32>,
      %get3A_314 = vector.shape_cast %get3A_313 : vector<1x16xf32> to vector<16xf32>
      %add3A_315 = arith.addf %add3A_310, %get3A_314 : vector<16xf32>
      %swap3A_316 = arith.index_cast %scan3A_18 : i32 to index
      %swap3A_317 = arith.constant 240 : index
      %swap3A_318 = tpu.vector_load %arg11[%swap3A_316, %swap3A_317] {strides = array<i32>} : memref<32x384xf32, #tpu.memory_space<vmem>>, vector<1x16xf32>,
      %swap3A_319 = vector.shape_cast %swap3A_318 : vector<1x16xf32> to vector<16xf32>
      %swap3A_320 = vector.shape_cast %add3A_315 : vector<16xf32> to vector<1x16xf32>
      tpu.vector_store %arg11[%swap3A_316, %swap3A_317], %swap3A_320 {strides = array<i32>} : memref<32x384xf32, #tpu.memory_space<vmem>>, vector<1x16xf32>,
      %get3A_321 = arith.index_cast %scan3A_18 : i32 to index
      %get3A_322 = arith.constant 256 : index
      %get3A_323 = tpu.vector_load %arg11[%get3A_321, %get3A_322] {strides = array<i32>} : memref<32x384xf32, #tpu.memory_space<vmem>>, vector<1x16xf32>,
      %get3A_324 = vector.shape_cast %get3A_323 : vector<1x16xf32> to vector<16xf32>
      %get3A_325 = arith.index_cast %scan3A_18 : i32 to index
      %get3A_326 = arith.constant 256 : index
      %get3A_327 = tpu.vector_load %arg9[%get3A_325, %get3A_326] {strides = array<i32>} : memref<32x384xf32, #tpu.memory_space<vmem>>, vector<1x16xf32>,
      %get3A_328 = vector.shape_cast %get3A_327 : vector<1x16xf32> to vector<16xf32>
      %add3A_329 = arith.addf %get3A_324, %get3A_328 : vector<16xf32>
      %get3A_330 = arith.index_cast %scan3A_18 : i32 to index
      %get3A_331 = arith.constant 256 : index
      %get3A_332 = tpu.vector_load %arg10[%get3A_330, %get3A_331] {strides = array<i32>} : memref<32x384xf32, #tpu.memory_space<vmem>>, vector<1x16xf32>,
      %get3A_333 = vector.shape_cast %get3A_332 : vector<1x16xf32> to vector<16xf32>
      %add3A_334 = arith.addf %add3A_329, %get3A_333 : vector<16xf32>
      %swap3A_335 = arith.index_cast %scan3A_18 : i32 to index
      %swap3A_336 = arith.constant 256 : index
      %swap3A_337 = tpu.vector_load %arg11[%swap3A_335, %swap3A_336] {strides = array<i32>} : memref<32x384xf32, #tpu.memory_space<vmem>>, vector<1x16xf32>,
      %swap3A_338 = vector.shape_cast %swap3A_337 : vector<1x16xf32> to vector<16xf32>
      %swap3A_339 = vector.shape_cast %add3A_334 : vector<16xf32> to vector<1x16xf32>
      tpu.vector_store %arg11[%swap3A_335, %swap3A_336], %swap3A_339 {strides = array<i32>} : memref<32x384xf32, #tpu.memory_space<vmem>>, vector<1x16xf32>,
      %get3A_340 = arith.index_cast %scan3A_18 : i32 to index
      %get3A_341 = arith.constant 272 : index
      %get3A_342 = tpu.vector_load %arg11[%get3A_340, %get3A_341] {strides = array<i32>} : memref<32x384xf32, #tpu.memory_space<vmem>>, vector<1x16xf32>,
      %get3A_343 = vector.shape_cast %get3A_342 : vector<1x16xf32> to vector<16xf32>
      %get3A_344 = arith.index_cast %scan3A_18 : i32 to index
      %get3A_345 = arith.constant 272 : index
      %get3A_346 = tpu.vector_load %arg9[%get3A_344, %get3A_345] {strides = array<i32>} : memref<32x384xf32, #tpu.memory_space<vmem>>, vector<1x16xf32>,
      %get3A_347 = vector.shape_cast %get3A_346 : vector<1x16xf32> to vector<16xf32>
      %add3A_348 = arith.addf %get3A_343, %get3A_347 : vector<16xf32>
      %get3A_349 = arith.index_cast %scan3A_18 : i32 to index
      %get3A_350 = arith.constant 272 : index
      %get3A_351 = tpu.vector_load %arg10[%get3A_349, %get3A_350] {strides = array<i32>} : memref<32x384xf32, #tpu.memory_space<vmem>>, vector<1x16xf32>,
      %get3A_352 = vector.shape_cast %get3A_351 : vector<1x16xf32> to vector<16xf32>
      %add3A_353 = arith.addf %add3A_348, %get3A_352 : vector<16xf32>
      %swap3A_354 = arith.index_cast %scan3A_18 : i32 to index
      %swap3A_355 = arith.constant 272 : index
      %swap3A_356 = tpu.vector_load %arg11[%swap3A_354, %swap3A_355] {strides = array<i32>} : memref<32x384xf32, #tpu.memory_space<vmem>>, vector<1x16xf32>,
      %swap3A_357 = vector.shape_cast %swap3A_356 : vector<1x16xf32> to vector<16xf32>
      %swap3A_358 = vector.shape_cast %add3A_353 : vector<16xf32> to vector<1x16xf32>
      tpu.vector_store %arg11[%swap3A_354, %swap3A_355], %swap3A_358 {strides = array<i32>} : memref<32x384xf32, #tpu.memory_space<vmem>>, vector<1x16xf32>,
      %get3A_359 = arith.index_cast %scan3A_18 : i32 to index
      %get3A_360 = arith.constant 288 : index
      %get3A_361 = tpu.vector_load %arg11[%get3A_359, %get3A_360] {strides = array<i32>} : memref<32x384xf32, #tpu.memory_space<vmem>>, vector<1x16xf32>,
      %get3A_362 = vector.shape_cast %get3A_361 : vector<1x16xf32> to vector<16xf32>
      %get3A_363 = arith.index_cast %scan3A_18 : i32 to index
      %get3A_364 = arith.constant 288 : index
      %get3A_365 = tpu.vector_load %arg9[%get3A_363, %get3A_364] {strides = array<i32>} : memref<32x384xf32, #tpu.memory_space<vmem>>, vector<1x16xf32>,
      %get3A_366 = vector.shape_cast %get3A_365 : vector<1x16xf32> to vector<16xf32>
      %add3A_367 = arith.addf %get3A_362, %get3A_366 : vector<16xf32>
      %get3A_368 = arith.index_cast %scan3A_18 : i32 to index
      %get3A_369 = arith.constant 288 : index
      %get3A_370 = tpu.vector_load %arg10[%get3A_368, %get3A_369] {strides = array<i32>} : memref<32x384xf32, #tpu.memory_space<vmem>>, vector<1x16xf32>,
      %get3A_371 = vector.shape_cast %get3A_370 : vector<1x16xf32> to vector<16xf32>
      %add3A_372 = arith.addf %add3A_367, %get3A_371 : vector<16xf32>
      %swap3A_373 = arith.index_cast %scan3A_18 : i32 to index
      %swap3A_374 = arith.constant 288 : index
      %swap3A_375 = tpu.vector_load %arg11[%swap3A_373, %swap3A_374] {strides = array<i32>} : memref<32x384xf32, #tpu.memory_space<vmem>>, vector<1x16xf32>,
      %swap3A_376 = vector.shape_cast %swap3A_375 : vector<1x16xf32> to vector<16xf32>
      %swap3A_377 = vector.shape_cast %add3A_372 : vector<16xf32> to vector<1x16xf32>
      tpu.vector_store %arg11[%swap3A_373, %swap3A_374], %swap3A_377 {strides = array<i32>} : memref<32x384xf32, #tpu.memory_space<vmem>>, vector<1x16xf32>,
      %get3A_378 = arith.index_cast %scan3A_18 : i32 to index
      %get3A_379 = arith.constant 304 : index
      %get3A_380 = tpu.vector_load %arg11[%get3A_378, %get3A_379] {strides = array<i32>} : memref<32x384xf32, #tpu.memory_space<vmem>>, vector<1x16xf32>,
      %get3A_381 = vector.shape_cast %get3A_380 : vector<1x16xf32> to vector<16xf32>
      %get3A_382 = arith.index_cast %scan3A_18 : i32 to index
      %get3A_383 = arith.constant 304 : index
      %get3A_384 = tpu.vector_load %arg9[%get3A_382, %get3A_383] {strides = array<i32>} : memref<32x384xf32, #tpu.memory_space<vmem>>, vector<1x16xf32>,
      %get3A_385 = vector.shape_cast %get3A_384 : vector<1x16xf32> to vector<16xf32>
      %add3A_386 = arith.addf %get3A_381, %get3A_385 : vector<16xf32>
      %get3A_387 = arith.index_cast %scan3A_18 : i32 to index
      %get3A_388 = arith.constant 304 : index
      %get3A_389 = tpu.vector_load %arg10[%get3A_387, %get3A_388] {strides = array<i32>} : memref<32x384xf32, #tpu.memory_space<vmem>>, vector<1x16xf32>,
      %get3A_390 = vector.shape_cast %get3A_389 : vector<1x16xf32> to vector<16xf32>
      %add3A_391 = arith.addf %add3A_386, %get3A_390 : vector<16xf32>
      %swap3A_392 = arith.index_cast %scan3A_18 : i32 to index
      %swap3A_393 = arith.constant 304 : index
      %swap3A_394 = tpu.vector_load %arg11[%swap3A_392, %swap3A_393] {strides = array<i32>} : memref<32x384xf32, #tpu.memory_space<vmem>>, vector<1x16xf32>,
      %swap3A_395 = vector.shape_cast %swap3A_394 : vector<1x16xf32> to vector<16xf32>
      %swap3A_396 = vector.shape_cast %add3A_391 : vector<16xf32> to vector<1x16xf32>
      tpu.vector_store %arg11[%swap3A_392, %swap3A_393], %swap3A_396 {strides = array<i32>} : memref<32x384xf32, #tpu.memory_space<vmem>>, vector<1x16xf32>,
      %get3A_397 = arith.index_cast %scan3A_18 : i32 to index
      %get3A_398 = arith.constant 320 : index
      %get3A_399 = tpu.vector_load %arg11[%get3A_397, %get3A_398] {strides = array<i32>} : memref<32x384xf32, #tpu.memory_space<vmem>>, vector<1x16xf32>,
      %get3A_400 = vector.shape_cast %get3A_399 : vector<1x16xf32> to vector<16xf32>
      %get3A_401 = arith.index_cast %scan3A_18 : i32 to index
      %get3A_402 = arith.constant 320 : index
      %get3A_403 = tpu.vector_load %arg9[%get3A_401, %get3A_402] {strides = array<i32>} : memref<32x384xf32, #tpu.memory_space<vmem>>, vector<1x16xf32>,
      %get3A_404 = vector.shape_cast %get3A_403 : vector<1x16xf32> to vector<16xf32>
      %add3A_405 = arith.addf %get3A_400, %get3A_404 : vector<16xf32>
      %get3A_406 = arith.index_cast %scan3A_18 : i32 to index
      %get3A_407 = arith.constant 320 : index
      %get3A_408 = tpu.vector_load %arg10[%get3A_406, %get3A_407] {strides = array<i32>} : memref<32x384xf32, #tpu.memory_space<vmem>>, vector<1x16xf32>,
      %get3A_409 = vector.shape_cast %get3A_408 : vector<1x16xf32> to vector<16xf32>
      %add3A_410 = arith.addf %add3A_405, %get3A_409 : vector<16xf32>
      %swap3A_411 = arith.index_cast %scan3A_18 : i32 to index
      %swap3A_412 = arith.constant 320 : index
      %swap3A_413 = tpu.vector_load %arg11[%swap3A_411, %swap3A_412] {strides = array<i32>} : memref<32x384xf32, #tpu.memory_space<vmem>>, vector<1x16xf32>,
      %swap3A_414 = vector.shape_cast %swap3A_413 : vector<1x16xf32> to vector<16xf32>
      %swap3A_415 = vector.shape_cast %add3A_410 : vector<16xf32> to vector<1x16xf32>
      tpu.vector_store %arg11[%swap3A_411, %swap3A_412], %swap3A_415 {strides = array<i32>} : memref<32x384xf32, #tpu.memory_space<vmem>>, vector<1x16xf32>,
      %get3A_416 = arith.index_cast %scan3A_18 : i32 to index
      %get3A_417 = arith.constant 336 : index
      %get3A_418 = tpu.vector_load %arg11[%get3A_416, %get3A_417] {strides = array<i32>} : memref<32x384xf32, #tpu.memory_space<vmem>>, vector<1x16xf32>,
      %get3A_419 = vector.shape_cast %get3A_418 : vector<1x16xf32> to vector<16xf32>
      %get3A_420 = arith.index_cast %scan3A_18 : i32 to index
      %get3A_421 = arith.constant 336 : index
      %get3A_422 = tpu.vector_load %arg9[%get3A_420, %get3A_421] {strides = array<i32>} : memref<32x384xf32, #tpu.memory_space<vmem>>, vector<1x16xf32>,
      %get3A_423 = vector.shape_cast %get3A_422 : vector<1x16xf32> to vector<16xf32>
      %add3A_424 = arith.addf %get3A_419, %get3A_423 : vector<16xf32>
      %get3A_425 = arith.index_cast %scan3A_18 : i32 to index
      %get3A_426 = arith.constant 336 : index
      %get3A_427 = tpu.vector_load %arg10[%get3A_425, %get3A_426] {strides = array<i32>} : memref<32x384xf32, #tpu.memory_space<vmem>>, vector<1x16xf32>,
      %get3A_428 = vector.shape_cast %get3A_427 : vector<1x16xf32> to vector<16xf32>
      %add3A_429 = arith.addf %add3A_424, %get3A_428 : vector<16xf32>
      %swap3A_430 = arith.index_cast %scan3A_18 : i32 to index
      %swap3A_431 = arith.constant 336 : index
      %swap3A_432 = tpu.vector_load %arg11[%swap3A_430, %swap3A_431] {strides = array<i32>} : memref<32x384xf32, #tpu.memory_space<vmem>>, vector<1x16xf32>,
      %swap3A_433 = vector.shape_cast %swap3A_432 : vector<1x16xf32> to vector<16xf32>
      %swap3A_434 = vector.shape_cast %add3A_429 : vector<16xf32> to vector<1x16xf32>
      tpu.vector_store %arg11[%swap3A_430, %swap3A_431], %swap3A_434 {strides = array<i32>} : memref<32x384xf32, #tpu.memory_space<vmem>>, vector<1x16xf32>,
      %get3A_435 = arith.index_cast %scan3A_18 : i32 to index
      %get3A_436 = arith.constant 352 : index
      %get3A_437 = tpu.vector_load %arg11[%get3A_435, %get3A_436] {strides = array<i32>} : memref<32x384xf32, #tpu.memory_space<vmem>>, vector<1x16xf32>,
      %get3A_438 = vector.shape_cast %get3A_437 : vector<1x16xf32> to vector<16xf32>
      %get3A_439 = arith.index_cast %scan3A_18 : i32 to index
      %get3A_440 = arith.constant 352 : index
      %get3A_441 = tpu.vector_load %arg9[%get3A_439, %get3A_440] {strides = array<i32>} : memref<32x384xf32, #tpu.memory_space<vmem>>, vector<1x16xf32>,
      %get3A_442 = vector.shape_cast %get3A_441 : vector<1x16xf32> to vector<16xf32>
      %add3A_443 = arith.addf %get3A_438, %get3A_442 : vector<16xf32>
      %get3A_444 = arith.index_cast %scan3A_18 : i32 to index
      %get3A_445 = arith.constant 352 : index
      %get3A_446 = tpu.vector_load %arg10[%get3A_444, %get3A_445] {strides = array<i32>} : memref<32x384xf32, #tpu.memory_space<vmem>>, vector<1x16xf32>,
      %get3A_447 = vector.shape_cast %get3A_446 : vector<1x16xf32> to vector<16xf32>
      %add3A_448 = arith.addf %add3A_443, %get3A_447 : vector<16xf32>
      %swap3A_449 = arith.index_cast %scan3A_18 : i32 to index
      %swap3A_450 = arith.constant 352 : index
      %swap3A_451 = tpu.vector_load %arg11[%swap3A_449, %swap3A_450] {strides = array<i32>} : memref<32x384xf32, #tpu.memory_space<vmem>>, vector<1x16xf32>,
      %swap3A_452 = vector.shape_cast %swap3A_451 : vector<1x16xf32> to vector<16xf32>
      %swap3A_453 = vector.shape_cast %add3A_448 : vector<16xf32> to vector<1x16xf32>
      tpu.vector_store %arg11[%swap3A_449, %swap3A_450], %swap3A_453 {strides = array<i32>} : memref<32x384xf32, #tpu.memory_space<vmem>>, vector<1x16xf32>,
      %get3A_454 = arith.index_cast %scan3A_18 : i32 to index
      %get3A_455 = arith.constant 368 : index
      %get3A_456 = tpu.vector_load %arg11[%get3A_454, %get3A_455] {strides = array<i32>} : memref<32x384xf32, #tpu.memory_space<vmem>>, vector<1x16xf32>,
      %get3A_457 = vector.shape_cast %get3A_456 : vector<1x16xf32> to vector<16xf32>
      %get3A_458 = arith.index_cast %scan3A_18 : i32 to index
      %get3A_459 = arith.constant 368 : index
      %get3A_460 = tpu.vector_load %arg9[%get3A_458, %get3A_459] {strides = array<i32>} : memref<32x384xf32, #tpu.memory_space<vmem>>, vector<1x16xf32>,
      %get3A_461 = vector.shape_cast %get3A_460 : vector<1x16xf32> to vector<16xf32>
      %add3A_462 = arith.addf %get3A_457, %get3A_461 : vector<16xf32>
      %get3A_463 = arith.index_cast %scan3A_18 : i32 to index
      %get3A_464 = arith.constant 368 : index
      %get3A_465 = tpu.vector_load %arg10[%get3A_463, %get3A_464] {strides = array<i32>} : memref<32x384xf32, #tpu.memory_space<vmem>>, vector<1x16xf32>,
      %get3A_466 = vector.shape_cast %get3A_465 : vector<1x16xf32> to vector<16xf32>
      %add3A_467 = arith.addf %add3A_462, %get3A_466 : vector<16xf32>
      %swap3A_468 = arith.index_cast %scan3A_18 : i32 to index
      %swap3A_469 = arith.constant 368 : index
      %swap3A_470 = tpu.vector_load %arg11[%swap3A_468, %swap3A_469] {strides = array<i32>} : memref<32x384xf32, #tpu.memory_space<vmem>>, vector<1x16xf32>,
      %swap3A_471 = vector.shape_cast %swap3A_470 : vector<1x16xf32> to vector<16xf32>
      %swap3A_472 = vector.shape_cast %add3A_467 : vector<16xf32> to vector<1x16xf32>
      tpu.vector_store %arg11[%swap3A_468, %swap3A_469], %swap3A_472 {strides = array<i32>} : memref<32x384xf32, #tpu.memory_space<vmem>>, vector<1x16xf32>,
    }
    %scan3A_17 = arith.constant 32 : i32
    "tpu.region"() ({
      %run_scoped3A = tpu.sem_alloc : memref<!tpu.dma_semaphore, #tpu.memory_space<semaphore_mem>>
      %dma_start3A_18 = arith.constant 0 : i32
      %dma_start3A_19 = tpu.memref_slice %arg6[%mul3A_2, %dma_start3A_18] : memref<1024x384xf32, #tpu.memory_space<hbm>> -> memref<32x384xf32, #tpu.memory_space<hbm>>
      %dma_start3A_20 = arith.constant 0 : i32
      %dma_start3A_21 = tpu.memref_slice %arg6[%mul3A_2, %dma_start3A_20] : memref<1024x384xf32, #tpu.memory_space<hbm>> -> memref<32x384xf32, #tpu.memory_space<hbm>>
      tpu.enqueue_dma source(%arg11 : memref<32x384xf32, #tpu.memory_space<vmem>>) target(%dma_start3A_21 : memref<32x384xf32, #tpu.memory_space<hbm>>) target_semaphore(%run_scoped3A : memref<!tpu.dma_semaphore, #tpu.memory_space<semaphore_mem>>)
      %dma_wait3A_22 = arith.constant 0 : i32
      %dma_wait3A_23 = tpu.memref_slice %arg6[%mul3A_2, %dma_wait3A_22] : memref<1024x384xf32, #tpu.memory_space<hbm>> -> memref<32x384xf32, #tpu.memory_space<hbm>>
      %dma_wait3A_24 = arith.constant 0 : i32
      %dma_wait3A_25 = tpu.memref_slice %arg6[%mul3A_2, %dma_wait3A_24] : memref<1024x384xf32, #tpu.memory_space<hbm>> -> memref<32x384xf32, #tpu.memory_space<hbm>>
      tpu.wait_dma2 semaphore(%run_scoped3A : memref<!tpu.dma_semaphore, #tpu.memory_space<semaphore_mem>>) src(%arg11 : memref<32x384xf32, #tpu.memory_space<vmem>>) dst(%dma_wait3A_25 : memref<32x384xf32, #tpu.memory_space<hbm>>)
      tpu.yield
    }) : () -> ()
    return
  }
}

module attributes {stable_mosaic.version = 14 : i64} {
  func.func @_router_kernel(%arg0: memref<784x384xf32, #tpu.memory_space<vmem>>, %arg1: memref<8x64xf32, #tpu.memory_space<vmem>>, %arg2: memref<64x384xf32, #tpu.memory_space<vmem>>, %arg3: memref<1x64xf32, #tpu.memory_space<vmem>>, %arg4: memref<64x384xf32, #tpu.memory_space<vmem>>, %arg5: memref<1x64xf32, #tpu.memory_space<vmem>>, %arg6: memref<192x64xf32, #tpu.memory_space<vmem>>, %arg7: memref<1x192xf32, #tpu.memory_space<vmem>>, %arg8: memref<64x64xf32, #tpu.memory_space<vmem>>, %arg9: memref<1x64xf32, #tpu.memory_space<vmem>>, %arg10: memref<1x64xf32, #tpu.memory_space<vmem>>, %arg11: memref<1x64xf32, #tpu.memory_space<vmem>>, %arg12: memref<784x1xi32, #tpu.memory_space<vmem>>, %arg13: memref<784x1xi32, #tpu.memory_space<vmem>>, %arg14: memref<1x1568xi32, #tpu.memory_space<vmem>>, %arg15: memref<1x1568xf32, #tpu.memory_space<vmem>>, %arg16: memref<1x16xi32, #tpu.memory_space<vmem>>, %arg17: memref<4x21xi32, #tpu.memory_space<vmem>>, %arg18: memref<1x1xf32, #tpu.memory_space<vmem>>) attributes {dimension_semantics = [], scalar_prefetch = 0 : i64, scratch_operands = 0 : i64, tpu.core_type = #tpu.core_type<tc>} {
    %get3A = arith.constant 0 : index
    %get3A_0 = arith.constant 0 : index
    %get3A_1 = vector.load %arg0[%get3A, %get3A_0] : memref<784x384xf32, #tpu.memory_space<vmem>>, vector<784x384xf32>
    %iota3A = tpu.iota {dimensions = array<i32: 1>} : vector<4x784xi32>
    %jit3A = arith.constant 196 : i32
    %div3A = vector.broadcast %jit3A : i32 to vector<4x784xi32>
    %div3A_2 = arith.divsi %iota3A, %div3A : vector<4x784xi32>
    %sign3A = arith.constant 0 : i32
    %sign3A_3 = vector.broadcast %sign3A : i32 to vector<4x784xi32>
    %sign3A_4 = arith.cmpi sgt, %iota3A, %sign3A_3 : vector<4x784xi32>
    %sign3A_5 = arith.extui %sign3A_4 : vector<4x784xi1> to vector<4x784xi32>
    %sign3A_6 = arith.constant 0 : i32
    %sign3A_7 = vector.broadcast %sign3A_6 : i32 to vector<4x784xi32>
    %sign3A_8 = arith.cmpi slt, %iota3A, %sign3A_7 : vector<4x784xi32>
    %sign3A_9 = arith.extui %sign3A_8 : vector<4x784xi1> to vector<4x784xi32>
    %sign3A_10 = arith.subi %sign3A_5, %sign3A_9 : vector<4x784xi32>
    %sign3A_11 = arith.constant 0 : i32
    %sign3A_12 = arith.cmpi sgt, %jit3A, %sign3A_11 : i32
    %sign3A_13 = arith.extui %sign3A_12 : i1 to i32
    %sign3A_14 = arith.constant 0 : i32
    %sign3A_15 = arith.cmpi slt, %jit3A, %sign3A_14 : i32
    %sign3A_16 = arith.extui %sign3A_15 : i1 to i32
    %sign3A_17 = arith.subi %sign3A_13, %sign3A_16 : i32
    %ne3A = vector.broadcast %sign3A_17 : i32 to vector<4x784xi32>
    %ne3A_18 = arith.cmpi ne, %sign3A_10, %ne3A : vector<4x784xi32>
    %rem3A = vector.broadcast %jit3A : i32 to vector<4x784xi32>
    %rem3A_19 = arith.remsi %iota3A, %rem3A : vector<4x784xi32>
    %ne3A_20 = arith.constant 0 : i32
    %ne3A_21 = vector.broadcast %ne3A_20 : i32 to vector<4x784xi32>
    %ne3A_22 = arith.cmpi ne, %rem3A_19, %ne3A_21 : vector<4x784xi32>
    %and3A = arith.andi %ne3A_18, %ne3A_22 : vector<4x784xi1>
    %sub3A = arith.constant 1 : i32
    %sub3A_23 = vector.broadcast %sub3A : i32 to vector<4x784xi32>
    %sub3A_24 = arith.subi %div3A_2, %sub3A_23 : vector<4x784xi32>
    %select_n3A = arith.select %and3A, %sub3A_24, %div3A_2 : vector<4x784xi1>, vector<4x784xi32>
    %iota3A_25 = tpu.iota {dimensions = array<i32: 0>} : vector<4x784xi32>
    %eq3A = arith.cmpi eq, %select_n3A, %iota3A_25 : vector<4x784xi32>
    %jit3A_26 = arith.constant 0.00510204071 : f32
    %jit3A_27 = arith.constant 0.000000e+00 : f32
    %broadcast_in_dim3A = vector.broadcast %jit3A_26 : f32 to vector<4x784xf32>
    %broadcast_in_dim3A_28 = vector.broadcast %jit3A_27 : f32 to vector<4x784xf32>
    %select_n3A_29 = arith.select %eq3A, %broadcast_in_dim3A, %broadcast_in_dim3A_28 : vector<4x784xi1>, vector<4x784xf32>
    %dot_general3A = arith.constant dense<0.000000e+00> : vector<4x384xf32>
    %dot_general3A_30 = tpu.matmul %select_n3A_29, %get3A_1, %dot_general3A {dimension_numbers = #tpu.dot_dimension_numbers<[1], [0], [0], [1], [0, 0, 1, 1], [], []>, precision = #tpu.contract_precision<fp32>, transpose_lhs_hint = false} : vector<4x784xf32>, vector<784x384xf32>, vector<4x384xf32> -> vector<4x384xf32>
    %get3A_31 = arith.constant 0 : index
    %get3A_32 = arith.constant 0 : index
    %get3A_33 = vector.load %arg2[%get3A_31, %get3A_32] : memref<64x384xf32, #tpu.memory_space<vmem>>, vector<64x384xf32>
    %transpose3A = tpu.transpose %get3A_33, [1, 0] : vector<64x384xf32> -> vector<384x64xf32>
    %dot_general3A_34 = arith.constant dense<0.000000e+00> : vector<4x64xf32>
    %dot_general3A_35 = tpu.matmul %dot_general3A_30, %transpose3A, %dot_general3A_34 {dimension_numbers = #tpu.dot_dimension_numbers<[1], [0], [0], [1], [0, 0, 1, 1], [], []>, transpose_lhs_hint = false} : vector<4x384xf32>, vector<384x64xf32>, vector<4x64xf32> -> vector<4x64xf32>
    %get3A_36 = arith.constant 0 : index
    %get3A_37 = arith.constant 0 : index
    %get3A_38 = vector.load %arg3[%get3A_36, %get3A_37] : memref<1x64xf32, #tpu.memory_space<vmem>>, vector<1x64xf32>
    %add3A = vector.broadcast %get3A_38 : vector<1x64xf32> to vector<4x64xf32>
    %add3A_39 = arith.addf %dot_general3A_35, %add3A : vector<4x64xf32>
    %iota3A_40 = tpu.iota {dimensions = array<i32: 0>} : vector<36x4xi32>
    %iota3A_41 = tpu.iota {dimensions = array<i32: 1>} : vector<36x4xi32>
    %mul3A = arith.constant 9 : i32
    %mul3A_42 = vector.broadcast %mul3A : i32 to vector<36x4xi32>
    %mul3A_43 = arith.muli %iota3A_41, %mul3A_42 : vector<36x4xi32>
    %eq3A_44 = arith.cmpi eq, %iota3A_40, %mul3A_43 : vector<36x4xi32>
    %jit3A_45 = arith.constant 1.000000e+00 : f32
    %jit3A_46 = arith.constant 0.000000e+00 : f32
    %broadcast_in_dim3A_47 = vector.broadcast %jit3A_45 : f32 to vector<36x4xf32>
    %broadcast_in_dim3A_48 = vector.broadcast %jit3A_46 : f32 to vector<36x4xf32>
    %select_n3A_49 = arith.select %eq3A_44, %broadcast_in_dim3A_47, %broadcast_in_dim3A_48 : vector<36x4xi1>, vector<36x4xf32>
    %iota3A_50 = tpu.iota {dimensions = array<i32: 0>} : vector<36x8xi32>
    %jit3A_51 = arith.constant 9 : i32
    %eq3A_52 = arith.constant 0 : i32
    %eq3A_53 = arith.cmpi eq, %jit3A_51, %eq3A_52 : i32
    %jit3A_54 = arith.constant 1 : i32
    %select_n3A_55 = arith.select %eq3A_53, %jit3A_54, %jit3A_51 : i32
    %rem3A_56 = vector.broadcast %select_n3A_55 : i32 to vector<36x8xi32>
    %rem3A_57 = arith.remsi %iota3A_50, %rem3A_56 : vector<36x8xi32>
    %ne3A_58 = arith.constant 0 : i32
    %ne3A_59 = vector.broadcast %ne3A_58 : i32 to vector<36x8xi32>
    %ne3A_60 = arith.cmpi ne, %rem3A_57, %ne3A_59 : vector<36x8xi32>
    %lt3A = arith.constant 0 : i32
    %lt3A_61 = vector.broadcast %lt3A : i32 to vector<36x8xi32>
    %lt3A_62 = arith.cmpi slt, %rem3A_57, %lt3A_61 : vector<36x8xi32>
    %lt3A_63 = arith.constant 0 : i32
    %lt3A_64 = arith.cmpi slt, %select_n3A_55, %lt3A_63 : i32
    %ne3A_65 = vector.broadcast %lt3A_64 : i1 to vector<36x8xi1>
    %ne3A_66 = vector.broadcast %ne3A_65 : vector<36x8xi1> to vector<36x8xi1>
    %ne3A_67 = arith.xori %lt3A_62, %ne3A_66 : vector<36x8xi1>
    %and3A_68 = arith.andi %ne3A_67, %ne3A_60 : vector<36x8xi1>
    %add3A_69 = vector.broadcast %select_n3A_55 : i32 to vector<36x8xi32>
    %add3A_70 = arith.addi %rem3A_57, %add3A_69 : vector<36x8xi32>
    %select_n3A_71 = arith.select %and3A_68, %add3A_70, %rem3A_57 : vector<36x8xi1>, vector<36x8xi32>
    %iota3A_72 = tpu.iota {dimensions = array<i32: 1>} : vector<36x8xi32>
    %add3A_73 = arith.constant 1 : i32
    %add3A_74 = vector.broadcast %add3A_73 : i32 to vector<36x8xi32>
    %add3A_75 = arith.addi %iota3A_72, %add3A_74 : vector<36x8xi32>
    %eq3A_76 = arith.cmpi eq, %select_n3A_71, %add3A_75 : vector<36x8xi32>
    %jit3A_77 = arith.constant 1.000000e+00 : f32
    %jit3A_78 = arith.constant 0.000000e+00 : f32
    %broadcast_in_dim3A_79 = vector.broadcast %jit3A_77 : f32 to vector<36x8xf32>
    %broadcast_in_dim3A_80 = vector.broadcast %jit3A_78 : f32 to vector<36x8xf32>
    %select_n3A_81 = arith.select %eq3A_76, %broadcast_in_dim3A_79, %broadcast_in_dim3A_80 : vector<36x8xi1>, vector<36x8xf32>
    %dot_general3A_82 = arith.constant dense<0.000000e+00> : vector<36x64xf32>
    %dot_general3A_83 = tpu.matmul %select_n3A_49, %add3A_39, %dot_general3A_82 {dimension_numbers = #tpu.dot_dimension_numbers<[1], [0], [0], [1], [0, 0, 1, 1], [], []>, precision = #tpu.contract_precision<fp32>, transpose_lhs_hint = false} : vector<36x4xf32>, vector<4x64xf32>, vector<36x64xf32> -> vector<36x64xf32>
    %get3A_84 = arith.constant 0 : index
    %get3A_85 = arith.constant 0 : index
    %get3A_86 = vector.load %arg1[%get3A_84, %get3A_85] : memref<8x64xf32, #tpu.memory_space<vmem>>, vector<8x64xf32>
    %dot_general3A_87 = arith.constant dense<0.000000e+00> : vector<36x64xf32>
    %dot_general3A_88 = tpu.matmul %select_n3A_81, %get3A_86, %dot_general3A_87 {dimension_numbers = #tpu.dot_dimension_numbers<[1], [0], [0], [1], [0, 0, 1, 1], [], []>, precision = #tpu.contract_precision<fp32>, transpose_lhs_hint = false} : vector<36x8xf32>, vector<8x64xf32>, vector<36x64xf32> -> vector<36x64xf32>
    %add3A_89 = arith.addf %dot_general3A_83, %dot_general3A_88 : vector<36x64xf32>
    %get3A_90 = arith.constant 0 : index
    %get3A_91 = arith.constant 0 : index
    %get3A_92 = vector.load %arg6[%get3A_90, %get3A_91] : memref<192x64xf32, #tpu.memory_space<vmem>>, vector<192x64xf32>
    %transpose3A_93 = tpu.transpose %get3A_92, [1, 0] : vector<192x64xf32> -> vector<64x192xf32>
    %dot_general3A_94 = arith.constant dense<0.000000e+00> : vector<36x192xf32>
    %dot_general3A_95 = tpu.matmul %add3A_89, %transpose3A_93, %dot_general3A_94 {dimension_numbers = #tpu.dot_dimension_numbers<[1], [0], [0], [1], [0, 0, 1, 1], [], []>, transpose_lhs_hint = false} : vector<36x64xf32>, vector<64x192xf32>, vector<36x192xf32> -> vector<36x192xf32>
    %get3A_96 = arith.constant 0 : index
    %get3A_97 = arith.constant 0 : index
    %get3A_98 = vector.load %arg7[%get3A_96, %get3A_97] : memref<1x192xf32, #tpu.memory_space<vmem>>, vector<1x192xf32>
    %add3A_99 = vector.broadcast %get3A_98 : vector<1x192xf32> to vector<36x192xf32>
    %add3A_100 = arith.addf %dot_general3A_95, %add3A_99 : vector<36x192xf32>
    %slice3A = vector.extract_strided_slice %add3A_100 {offsets = [0, 0], sizes = [36, 64], strides = [1, 1]} : vector<36x192xf32> to vector<36x64xf32>
    %slice3A_101 = vector.extract_strided_slice %add3A_100 {offsets = [0, 64], sizes = [36, 64], strides = [1, 1]} : vector<36x192xf32> to vector<36x64xf32>
    %slice3A_102 = vector.extract_strided_slice %add3A_100 {offsets = [0, 128], sizes = [36, 64], strides = [1, 1]} : vector<36x192xf32> to vector<36x64xf32>
    %iota3A_103 = tpu.iota {dimensions = array<i32: 0>} : vector<36x36xi32>
    %jit3A_104 = arith.constant 9 : i32
    %div3A_105 = vector.broadcast %jit3A_104 : i32 to vector<36x36xi32>
    %div3A_106 = arith.divsi %iota3A_103, %div3A_105 : vector<36x36xi32>
    %sign3A_107 = arith.constant 0 : i32
    %sign3A_108 = vector.broadcast %sign3A_107 : i32 to vector<36x36xi32>
    %sign3A_109 = arith.cmpi sgt, %iota3A_103, %sign3A_108 : vector<36x36xi32>
    %sign3A_110 = arith.extui %sign3A_109 : vector<36x36xi1> to vector<36x36xi32>
    %sign3A_111 = arith.constant 0 : i32
    %sign3A_112 = vector.broadcast %sign3A_111 : i32 to vector<36x36xi32>
    %sign3A_113 = arith.cmpi slt, %iota3A_103, %sign3A_112 : vector<36x36xi32>
    %sign3A_114 = arith.extui %sign3A_113 : vector<36x36xi1> to vector<36x36xi32>
    %sign3A_115 = arith.subi %sign3A_110, %sign3A_114 : vector<36x36xi32>
    %sign3A_116 = arith.constant 0 : i32
    %sign3A_117 = arith.cmpi sgt, %jit3A_104, %sign3A_116 : i32
    %sign3A_118 = arith.extui %sign3A_117 : i1 to i32
    %sign3A_119 = arith.constant 0 : i32
    %sign3A_120 = arith.cmpi slt, %jit3A_104, %sign3A_119 : i32
    %sign3A_121 = arith.extui %sign3A_120 : i1 to i32
    %sign3A_122 = arith.subi %sign3A_118, %sign3A_121 : i32
    %ne3A_123 = vector.broadcast %sign3A_122 : i32 to vector<36x36xi32>
    %ne3A_124 = arith.cmpi ne, %sign3A_115, %ne3A_123 : vector<36x36xi32>
    %rem3A_125 = vector.broadcast %jit3A_104 : i32 to vector<36x36xi32>
    %rem3A_126 = arith.remsi %iota3A_103, %rem3A_125 : vector<36x36xi32>
    %ne3A_127 = arith.constant 0 : i32
    %ne3A_128 = vector.broadcast %ne3A_127 : i32 to vector<36x36xi32>
    %ne3A_129 = arith.cmpi ne, %rem3A_126, %ne3A_128 : vector<36x36xi32>
    %and3A_130 = arith.andi %ne3A_124, %ne3A_129 : vector<36x36xi1>
    %sub3A_131 = arith.constant 1 : i32
    %sub3A_132 = vector.broadcast %sub3A_131 : i32 to vector<36x36xi32>
    %sub3A_133 = arith.subi %div3A_106, %sub3A_132 : vector<36x36xi32>
    %select_n3A_134 = arith.select %and3A_130, %sub3A_133, %div3A_106 : vector<36x36xi1>, vector<36x36xi32>
    %iota3A_135 = tpu.iota {dimensions = array<i32: 1>} : vector<36x36xi32>
    %jit3A_136 = arith.constant 9 : i32
    %div3A_137 = vector.broadcast %jit3A_136 : i32 to vector<36x36xi32>
    %div3A_138 = arith.divsi %iota3A_135, %div3A_137 : vector<36x36xi32>
    %sign3A_139 = arith.constant 0 : i32
    %sign3A_140 = vector.broadcast %sign3A_139 : i32 to vector<36x36xi32>
    %sign3A_141 = arith.cmpi sgt, %iota3A_135, %sign3A_140 : vector<36x36xi32>
    %sign3A_142 = arith.extui %sign3A_141 : vector<36x36xi1> to vector<36x36xi32>
    %sign3A_143 = arith.constant 0 : i32
    %sign3A_144 = vector.broadcast %sign3A_143 : i32 to vector<36x36xi32>
    %sign3A_145 = arith.cmpi slt, %iota3A_135, %sign3A_144 : vector<36x36xi32>
    %sign3A_146 = arith.extui %sign3A_145 : vector<36x36xi1> to vector<36x36xi32>
    %sign3A_147 = arith.subi %sign3A_142, %sign3A_146 : vector<36x36xi32>
    %sign3A_148 = arith.constant 0 : i32
    %sign3A_149 = arith.cmpi sgt, %jit3A_136, %sign3A_148 : i32
    %sign3A_150 = arith.extui %sign3A_149 : i1 to i32
    %sign3A_151 = arith.constant 0 : i32
    %sign3A_152 = arith.cmpi slt, %jit3A_136, %sign3A_151 : i32
    %sign3A_153 = arith.extui %sign3A_152 : i1 to i32
    %sign3A_154 = arith.subi %sign3A_150, %sign3A_153 : i32
    %ne3A_155 = vector.broadcast %sign3A_154 : i32 to vector<36x36xi32>
    %ne3A_156 = arith.cmpi ne, %sign3A_147, %ne3A_155 : vector<36x36xi32>
    %rem3A_157 = vector.broadcast %jit3A_136 : i32 to vector<36x36xi32>
    %rem3A_158 = arith.remsi %iota3A_135, %rem3A_157 : vector<36x36xi32>
    %ne3A_159 = arith.constant 0 : i32
    %ne3A_160 = vector.broadcast %ne3A_159 : i32 to vector<36x36xi32>
    %ne3A_161 = arith.cmpi ne, %rem3A_158, %ne3A_160 : vector<36x36xi32>
    %and3A_162 = arith.andi %ne3A_156, %ne3A_161 : vector<36x36xi1>
    %sub3A_163 = arith.constant 1 : i32
    %sub3A_164 = vector.broadcast %sub3A_163 : i32 to vector<36x36xi32>
    %sub3A_165 = arith.subi %div3A_138, %sub3A_164 : vector<36x36xi32>
    %select_n3A_166 = arith.select %and3A_162, %sub3A_165, %div3A_138 : vector<36x36xi1>, vector<36x36xi32>
    %eq3A_167 = arith.cmpi eq, %select_n3A_134, %select_n3A_166 : vector<36x36xi32>
    %slice3A_168 = vector.extract_strided_slice %slice3A {offsets = [0, 0], sizes = [36, 16], strides = [1, 1]} : vector<36x64xf32> to vector<36x16xf32>
    %slice3A_169 = vector.extract_strided_slice %slice3A_101 {offsets = [0, 0], sizes = [36, 16], strides = [1, 1]} : vector<36x64xf32> to vector<36x16xf32>
    %slice3A_170 = vector.extract_strided_slice %slice3A_102 {offsets = [0, 0], sizes = [36, 16], strides = [1, 1]} : vector<36x64xf32> to vector<36x16xf32>
    %transpose3A_171 = tpu.transpose %slice3A_169, [1, 0] : vector<36x16xf32> -> vector<16x36xf32>
    %dot_general3A_172 = arith.constant dense<0.000000e+00> : vector<36x36xf32>
    %dot_general3A_173 = tpu.matmul %slice3A_168, %transpose3A_171, %dot_general3A_172 {dimension_numbers = #tpu.dot_dimension_numbers<[1], [0], [0], [1], [0, 0, 1, 1], [], []>, transpose_lhs_hint = false} : vector<36x16xf32>, vector<16x36xf32>, vector<36x36xf32> -> vector<36x36xf32>
    %mul3A_174 = arith.constant 2.500000e-01 : f32
    %mul3A_175 = vector.broadcast %mul3A_174 : f32 to vector<36x36xf32>
    %mul3A_176 = arith.mulf %dot_general3A_173, %mul3A_175 : vector<36x36xf32>
    %jit3A_177 = arith.constant -1.000000e+30 : f32
    %broadcast_in_dim3A_178 = vector.broadcast %jit3A_177 : f32 to vector<36x36xf32>
    %select_n3A_179 = arith.select %eq3A_167, %mul3A_176, %broadcast_in_dim3A_178 : vector<36x36xi1>, vector<36x36xf32>
    %reduce_max3A = arith.constant dense<0xFF800000> : vector<36xf32>
    %reduce_max3A_180 = vector.multi_reduction <maximumf>, %select_n3A_179, %reduce_max3A [1] : vector<36x36xf32> to vector<36xf32>
    %broadcast_in_dim3A_181 = vector.shape_cast %reduce_max3A_180 : vector<36xf32> to vector<36x1xf32>
    %sub3A_182 = vector.broadcast %broadcast_in_dim3A_181 : vector<36x1xf32> to vector<36x36xf32>
    %sub3A_183 = arith.subf %select_n3A_179, %sub3A_182 : vector<36x36xf32>
    %exp3A = math.exp %sub3A_183 : vector<36x36xf32>
    %reduce_sum3A = arith.constant dense<0.000000e+00> : vector<36xf32>
    %reduce_sum3A_184 = vector.multi_reduction <add>, %exp3A, %reduce_sum3A [1] : vector<36x36xf32> to vector<36xf32>
    %broadcast_in_dim3A_185 = vector.shape_cast %reduce_sum3A_184 : vector<36xf32> to vector<36x1xf32>
    %div3A_186 = vector.broadcast %broadcast_in_dim3A_185 : vector<36x1xf32> to vector<36x36xf32>
    %div3A_187 = arith.divf %exp3A, %div3A_186 : vector<36x36xf32>
    %dot_general3A_188 = arith.constant dense<0.000000e+00> : vector<36x16xf32>
    %dot_general3A_189 = tpu.matmul %div3A_187, %slice3A_170, %dot_general3A_188 {dimension_numbers = #tpu.dot_dimension_numbers<[1], [0], [0], [1], [0, 0, 1, 1], [], []>, transpose_lhs_hint = false} : vector<36x36xf32>, vector<36x16xf32>, vector<36x16xf32> -> vector<36x16xf32>
    %slice3A_190 = vector.extract_strided_slice %slice3A {offsets = [0, 16], sizes = [36, 16], strides = [1, 1]} : vector<36x64xf32> to vector<36x16xf32>
    %slice3A_191 = vector.extract_strided_slice %slice3A_101 {offsets = [0, 16], sizes = [36, 16], strides = [1, 1]} : vector<36x64xf32> to vector<36x16xf32>
    %slice3A_192 = vector.extract_strided_slice %slice3A_102 {offsets = [0, 16], sizes = [36, 16], strides = [1, 1]} : vector<36x64xf32> to vector<36x16xf32>
    %transpose3A_193 = tpu.transpose %slice3A_191, [1, 0] : vector<36x16xf32> -> vector<16x36xf32>
    %dot_general3A_194 = arith.constant dense<0.000000e+00> : vector<36x36xf32>
    %dot_general3A_195 = tpu.matmul %slice3A_190, %transpose3A_193, %dot_general3A_194 {dimension_numbers = #tpu.dot_dimension_numbers<[1], [0], [0], [1], [0, 0, 1, 1], [], []>, transpose_lhs_hint = false} : vector<36x16xf32>, vector<16x36xf32>, vector<36x36xf32> -> vector<36x36xf32>
    %mul3A_196 = arith.constant 2.500000e-01 : f32
    %mul3A_197 = vector.broadcast %mul3A_196 : f32 to vector<36x36xf32>
    %mul3A_198 = arith.mulf %dot_general3A_195, %mul3A_197 : vector<36x36xf32>
    %jit3A_199 = arith.constant -1.000000e+30 : f32
    %broadcast_in_dim3A_200 = vector.broadcast %jit3A_199 : f32 to vector<36x36xf32>
    %select_n3A_201 = arith.select %eq3A_167, %mul3A_198, %broadcast_in_dim3A_200 : vector<36x36xi1>, vector<36x36xf32>
    %reduce_max3A_202 = arith.constant dense<0xFF800000> : vector<36xf32>
    %reduce_max3A_203 = vector.multi_reduction <maximumf>, %select_n3A_201, %reduce_max3A_202 [1] : vector<36x36xf32> to vector<36xf32>
    %broadcast_in_dim3A_204 = vector.shape_cast %reduce_max3A_203 : vector<36xf32> to vector<36x1xf32>
    %sub3A_205 = vector.broadcast %broadcast_in_dim3A_204 : vector<36x1xf32> to vector<36x36xf32>
    %sub3A_206 = arith.subf %select_n3A_201, %sub3A_205 : vector<36x36xf32>
    %exp3A_207 = math.exp %sub3A_206 : vector<36x36xf32>
    %reduce_sum3A_208 = arith.constant dense<0.000000e+00> : vector<36xf32>
    %reduce_sum3A_209 = vector.multi_reduction <add>, %exp3A_207, %reduce_sum3A_208 [1] : vector<36x36xf32> to vector<36xf32>
    %broadcast_in_dim3A_210 = vector.shape_cast %reduce_sum3A_209 : vector<36xf32> to vector<36x1xf32>
    %div3A_211 = vector.broadcast %broadcast_in_dim3A_210 : vector<36x1xf32> to vector<36x36xf32>
    %div3A_212 = arith.divf %exp3A_207, %div3A_211 : vector<36x36xf32>
    %dot_general3A_213 = arith.constant dense<0.000000e+00> : vector<36x16xf32>
    %dot_general3A_214 = tpu.matmul %div3A_212, %slice3A_192, %dot_general3A_213 {dimension_numbers = #tpu.dot_dimension_numbers<[1], [0], [0], [1], [0, 0, 1, 1], [], []>, transpose_lhs_hint = false} : vector<36x36xf32>, vector<36x16xf32>, vector<36x16xf32> -> vector<36x16xf32>
    %slice3A_215 = vector.extract_strided_slice %slice3A {offsets = [0, 32], sizes = [36, 16], strides = [1, 1]} : vector<36x64xf32> to vector<36x16xf32>
    %slice3A_216 = vector.extract_strided_slice %slice3A_101 {offsets = [0, 32], sizes = [36, 16], strides = [1, 1]} : vector<36x64xf32> to vector<36x16xf32>
    %slice3A_217 = vector.extract_strided_slice %slice3A_102 {offsets = [0, 32], sizes = [36, 16], strides = [1, 1]} : vector<36x64xf32> to vector<36x16xf32>
    %transpose3A_218 = tpu.transpose %slice3A_216, [1, 0] : vector<36x16xf32> -> vector<16x36xf32>
    %dot_general3A_219 = arith.constant dense<0.000000e+00> : vector<36x36xf32>
    %dot_general3A_220 = tpu.matmul %slice3A_215, %transpose3A_218, %dot_general3A_219 {dimension_numbers = #tpu.dot_dimension_numbers<[1], [0], [0], [1], [0, 0, 1, 1], [], []>, transpose_lhs_hint = false} : vector<36x16xf32>, vector<16x36xf32>, vector<36x36xf32> -> vector<36x36xf32>
    %mul3A_221 = arith.constant 2.500000e-01 : f32
    %mul3A_222 = vector.broadcast %mul3A_221 : f32 to vector<36x36xf32>
    %mul3A_223 = arith.mulf %dot_general3A_220, %mul3A_222 : vector<36x36xf32>
    %jit3A_224 = arith.constant -1.000000e+30 : f32
    %broadcast_in_dim3A_225 = vector.broadcast %jit3A_224 : f32 to vector<36x36xf32>
    %select_n3A_226 = arith.select %eq3A_167, %mul3A_223, %broadcast_in_dim3A_225 : vector<36x36xi1>, vector<36x36xf32>
    %reduce_max3A_227 = arith.constant dense<0xFF800000> : vector<36xf32>
    %reduce_max3A_228 = vector.multi_reduction <maximumf>, %select_n3A_226, %reduce_max3A_227 [1] : vector<36x36xf32> to vector<36xf32>
    %broadcast_in_dim3A_229 = vector.shape_cast %reduce_max3A_228 : vector<36xf32> to vector<36x1xf32>
    %sub3A_230 = vector.broadcast %broadcast_in_dim3A_229 : vector<36x1xf32> to vector<36x36xf32>
    %sub3A_231 = arith.subf %select_n3A_226, %sub3A_230 : vector<36x36xf32>
    %exp3A_232 = math.exp %sub3A_231 : vector<36x36xf32>
    %reduce_sum3A_233 = arith.constant dense<0.000000e+00> : vector<36xf32>
    %reduce_sum3A_234 = vector.multi_reduction <add>, %exp3A_232, %reduce_sum3A_233 [1] : vector<36x36xf32> to vector<36xf32>
    %broadcast_in_dim3A_235 = vector.shape_cast %reduce_sum3A_234 : vector<36xf32> to vector<36x1xf32>
    %div3A_236 = vector.broadcast %broadcast_in_dim3A_235 : vector<36x1xf32> to vector<36x36xf32>
    %div3A_237 = arith.divf %exp3A_232, %div3A_236 : vector<36x36xf32>
    %dot_general3A_238 = arith.constant dense<0.000000e+00> : vector<36x16xf32>
    %dot_general3A_239 = tpu.matmul %div3A_237, %slice3A_217, %dot_general3A_238 {dimension_numbers = #tpu.dot_dimension_numbers<[1], [0], [0], [1], [0, 0, 1, 1], [], []>, transpose_lhs_hint = false} : vector<36x36xf32>, vector<36x16xf32>, vector<36x16xf32> -> vector<36x16xf32>
    %slice3A_240 = vector.extract_strided_slice %slice3A {offsets = [0, 48], sizes = [36, 16], strides = [1, 1]} : vector<36x64xf32> to vector<36x16xf32>
    %slice3A_241 = vector.extract_strided_slice %slice3A_101 {offsets = [0, 48], sizes = [36, 16], strides = [1, 1]} : vector<36x64xf32> to vector<36x16xf32>
    %slice3A_242 = vector.extract_strided_slice %slice3A_102 {offsets = [0, 48], sizes = [36, 16], strides = [1, 1]} : vector<36x64xf32> to vector<36x16xf32>
    %transpose3A_243 = tpu.transpose %slice3A_241, [1, 0] : vector<36x16xf32> -> vector<16x36xf32>
    %dot_general3A_244 = arith.constant dense<0.000000e+00> : vector<36x36xf32>
    %dot_general3A_245 = tpu.matmul %slice3A_240, %transpose3A_243, %dot_general3A_244 {dimension_numbers = #tpu.dot_dimension_numbers<[1], [0], [0], [1], [0, 0, 1, 1], [], []>, transpose_lhs_hint = false} : vector<36x16xf32>, vector<16x36xf32>, vector<36x36xf32> -> vector<36x36xf32>
    %mul3A_246 = arith.constant 2.500000e-01 : f32
    %mul3A_247 = vector.broadcast %mul3A_246 : f32 to vector<36x36xf32>
    %mul3A_248 = arith.mulf %dot_general3A_245, %mul3A_247 : vector<36x36xf32>
    %jit3A_249 = arith.constant -1.000000e+30 : f32
    %broadcast_in_dim3A_250 = vector.broadcast %jit3A_249 : f32 to vector<36x36xf32>
    %select_n3A_251 = arith.select %eq3A_167, %mul3A_248, %broadcast_in_dim3A_250 : vector<36x36xi1>, vector<36x36xf32>
    %reduce_max3A_252 = arith.constant dense<0xFF800000> : vector<36xf32>
    %reduce_max3A_253 = vector.multi_reduction <maximumf>, %select_n3A_251, %reduce_max3A_252 [1] : vector<36x36xf32> to vector<36xf32>
    %broadcast_in_dim3A_254 = vector.shape_cast %reduce_max3A_253 : vector<36xf32> to vector<36x1xf32>
    %sub3A_255 = vector.broadcast %broadcast_in_dim3A_254 : vector<36x1xf32> to vector<36x36xf32>
    %sub3A_256 = arith.subf %select_n3A_251, %sub3A_255 : vector<36x36xf32>
    %exp3A_257 = math.exp %sub3A_256 : vector<36x36xf32>
    %reduce_sum3A_258 = arith.constant dense<0.000000e+00> : vector<36xf32>
    %reduce_sum3A_259 = vector.multi_reduction <add>, %exp3A_257, %reduce_sum3A_258 [1] : vector<36x36xf32> to vector<36xf32>
    %broadcast_in_dim3A_260 = vector.shape_cast %reduce_sum3A_259 : vector<36xf32> to vector<36x1xf32>
    %div3A_261 = vector.broadcast %broadcast_in_dim3A_260 : vector<36x1xf32> to vector<36x36xf32>
    %div3A_262 = arith.divf %exp3A_257, %div3A_261 : vector<36x36xf32>
    %dot_general3A_263 = arith.constant dense<0.000000e+00> : vector<36x16xf32>
    %dot_general3A_264 = tpu.matmul %div3A_262, %slice3A_242, %dot_general3A_263 {dimension_numbers = #tpu.dot_dimension_numbers<[1], [0], [0], [1], [0, 0, 1, 1], [], []>, transpose_lhs_hint = false} : vector<36x36xf32>, vector<36x16xf32>, vector<36x16xf32> -> vector<36x16xf32>
    %concatenate3A = tpu.concatenate %dot_general3A_189, %dot_general3A_214, %dot_general3A_239, %dot_general3A_264 in 1 : vector<36x16xf32>, vector<36x16xf32>, vector<36x16xf32>, vector<36x16xf32> -> vector<36x64xf32>
    %get3A_265 = arith.constant 0 : index
    %get3A_266 = arith.constant 0 : index
    %get3A_267 = vector.load %arg8[%get3A_265, %get3A_266] : memref<64x64xf32, #tpu.memory_space<vmem>>, vector<64x64xf32>
    %transpose3A_268 = tpu.transpose %get3A_267, [1, 0] : vector<64x64xf32> -> vector<64x64xf32>
    %dot_general3A_269 = arith.constant dense<0.000000e+00> : vector<36x64xf32>
    %dot_general3A_270 = tpu.matmul %concatenate3A, %transpose3A_268, %dot_general3A_269 {dimension_numbers = #tpu.dot_dimension_numbers<[1], [0], [0], [1], [0, 0, 1, 1], [], []>, transpose_lhs_hint = false} : vector<36x64xf32>, vector<64x64xf32>, vector<36x64xf32> -> vector<36x64xf32>
    %get3A_271 = arith.constant 0 : index
    %get3A_272 = arith.constant 0 : index
    %get3A_273 = vector.load %arg9[%get3A_271, %get3A_272] : memref<1x64xf32, #tpu.memory_space<vmem>>, vector<1x64xf32>
    %add3A_274 = vector.broadcast %get3A_273 : vector<1x64xf32> to vector<36x64xf32>
    %add3A_275 = arith.addf %dot_general3A_270, %add3A_274 : vector<36x64xf32>
    %add3A_276 = arith.addf %add3A_275, %add3A_89 : vector<36x64xf32>
    %reduce_sum3A_277 = arith.constant dense<0.000000e+00> : vector<36xf32>
    %reduce_sum3A_278 = vector.multi_reduction <add>, %add3A_276, %reduce_sum3A_277 [1] : vector<36x64xf32> to vector<36xf32>
    %broadcast_in_dim3A_279 = vector.shape_cast %reduce_sum3A_278 : vector<36xf32> to vector<36x1xf32>
    %div3A_280 = arith.constant 6.400000e+01 : f32
    %div3A_281 = vector.broadcast %div3A_280 : f32 to vector<36x1xf32>
    %div3A_282 = arith.divf %broadcast_in_dim3A_279, %div3A_281 : vector<36x1xf32>
    %sub3A_283 = vector.broadcast %div3A_282 : vector<36x1xf32> to vector<36x64xf32>
    %sub3A_284 = arith.subf %add3A_276, %sub3A_283 : vector<36x64xf32>
    %sub3A_285 = vector.broadcast %div3A_282 : vector<36x1xf32> to vector<36x64xf32>
    %sub3A_286 = arith.subf %add3A_276, %sub3A_285 : vector<36x64xf32>
    %mul3A_287 = arith.mulf %sub3A_284, %sub3A_286 : vector<36x64xf32>
    %reduce_sum3A_288 = arith.constant dense<0.000000e+00> : vector<36xf32>
    %reduce_sum3A_289 = vector.multi_reduction <add>, %mul3A_287, %reduce_sum3A_288 [1] : vector<36x64xf32> to vector<36xf32>
    %broadcast_in_dim3A_290 = vector.shape_cast %reduce_sum3A_289 : vector<36xf32> to vector<36x1xf32>
    %div3A_291 = arith.constant 6.400000e+01 : f32
    %div3A_292 = vector.broadcast %div3A_291 : f32 to vector<36x1xf32>
    %div3A_293 = arith.divf %broadcast_in_dim3A_290, %div3A_292 : vector<36x1xf32>
    %sub3A_294 = vector.broadcast %div3A_282 : vector<36x1xf32> to vector<36x64xf32>
    %sub3A_295 = arith.subf %add3A_276, %sub3A_294 : vector<36x64xf32>
    %add3A_296 = arith.constant 9.99999974E-6 : f32
    %add3A_297 = vector.broadcast %add3A_296 : f32 to vector<36x1xf32>
    %add3A_298 = arith.addf %div3A_293, %add3A_297 : vector<36x1xf32>
    %rsqrt3A = math.rsqrt %add3A_298 : vector<36x1xf32>
    %mul3A_299 = vector.broadcast %rsqrt3A : vector<36x1xf32> to vector<36x64xf32>
    %mul3A_300 = arith.mulf %sub3A_295, %mul3A_299 : vector<36x64xf32>
    %get3A_301 = arith.constant 0 : index
    %get3A_302 = arith.constant 0 : index
    %get3A_303 = vector.load %arg10[%get3A_301, %get3A_302] : memref<1x64xf32, #tpu.memory_space<vmem>>, vector<1x64xf32>
    %mul3A_304 = vector.broadcast %get3A_303 : vector<1x64xf32> to vector<36x64xf32>
    %mul3A_305 = arith.mulf %mul3A_300, %mul3A_304 : vector<36x64xf32>
    %get3A_306 = arith.constant 0 : index
    %get3A_307 = arith.constant 0 : index
    %get3A_308 = vector.load %arg11[%get3A_306, %get3A_307] : memref<1x64xf32, #tpu.memory_space<vmem>>, vector<1x64xf32>
    %add3A_309 = vector.broadcast %get3A_308 : vector<1x64xf32> to vector<36x64xf32>
    %add3A_310 = arith.addf %mul3A_305, %add3A_309 : vector<36x64xf32>
    %iota3A_311 = tpu.iota {dimensions = array<i32: 1>} : vector<32x36xi32>
    %iota3A_312 = tpu.iota {dimensions = array<i32: 0>} : vector<32x36xi32>
    %jit3A_313 = arith.constant 8 : i32
    %div3A_314 = vector.broadcast %jit3A_313 : i32 to vector<32x36xi32>
    %div3A_315 = arith.divsi %iota3A_312, %div3A_314 : vector<32x36xi32>
    %sign3A_316 = arith.constant 0 : i32
    %sign3A_317 = vector.broadcast %sign3A_316 : i32 to vector<32x36xi32>
    %sign3A_318 = arith.cmpi sgt, %iota3A_312, %sign3A_317 : vector<32x36xi32>
    %sign3A_319 = arith.extui %sign3A_318 : vector<32x36xi1> to vector<32x36xi32>
    %sign3A_320 = arith.constant 0 : i32
    %sign3A_321 = vector.broadcast %sign3A_320 : i32 to vector<32x36xi32>
    %sign3A_322 = arith.cmpi slt, %iota3A_312, %sign3A_321 : vector<32x36xi32>
    %sign3A_323 = arith.extui %sign3A_322 : vector<32x36xi1> to vector<32x36xi32>
    %sign3A_324 = arith.subi %sign3A_319, %sign3A_323 : vector<32x36xi32>
    %sign3A_325 = arith.constant 0 : i32
    %sign3A_326 = arith.cmpi sgt, %jit3A_313, %sign3A_325 : i32
    %sign3A_327 = arith.extui %sign3A_326 : i1 to i32
    %sign3A_328 = arith.constant 0 : i32
    %sign3A_329 = arith.cmpi slt, %jit3A_313, %sign3A_328 : i32
    %sign3A_330 = arith.extui %sign3A_329 : i1 to i32
    %sign3A_331 = arith.subi %sign3A_327, %sign3A_330 : i32
    %ne3A_332 = vector.broadcast %sign3A_331 : i32 to vector<32x36xi32>
    %ne3A_333 = arith.cmpi ne, %sign3A_324, %ne3A_332 : vector<32x36xi32>
    %rem3A_334 = vector.broadcast %jit3A_313 : i32 to vector<32x36xi32>
    %rem3A_335 = arith.remsi %iota3A_312, %rem3A_334 : vector<32x36xi32>
    %ne3A_336 = arith.constant 0 : i32
    %ne3A_337 = vector.broadcast %ne3A_336 : i32 to vector<32x36xi32>
    %ne3A_338 = arith.cmpi ne, %rem3A_335, %ne3A_337 : vector<32x36xi32>
    %and3A_339 = arith.andi %ne3A_333, %ne3A_338 : vector<32x36xi1>
    %sub3A_340 = arith.constant 1 : i32
    %sub3A_341 = vector.broadcast %sub3A_340 : i32 to vector<32x36xi32>
    %sub3A_342 = arith.subi %div3A_315, %sub3A_341 : vector<32x36xi32>
    %select_n3A_343 = arith.select %and3A_339, %sub3A_342, %div3A_315 : vector<32x36xi1>, vector<32x36xi32>
    %mul3A_344 = arith.constant 9 : i32
    %mul3A_345 = vector.broadcast %mul3A_344 : i32 to vector<32x36xi32>
    %mul3A_346 = arith.muli %select_n3A_343, %mul3A_345 : vector<32x36xi32>
    %iota3A_347 = tpu.iota {dimensions = array<i32: 0>} : vector<32x36xi32>
    %jit3A_348 = arith.constant 8 : i32
    %eq3A_349 = arith.constant 0 : i32
    %eq3A_350 = arith.cmpi eq, %jit3A_348, %eq3A_349 : i32
    %jit3A_351 = arith.constant 1 : i32
    %select_n3A_352 = arith.select %eq3A_350, %jit3A_351, %jit3A_348 : i32
    %rem3A_353 = vector.broadcast %select_n3A_352 : i32 to vector<32x36xi32>
    %rem3A_354 = arith.remsi %iota3A_347, %rem3A_353 : vector<32x36xi32>
    %ne3A_355 = arith.constant 0 : i32
    %ne3A_356 = vector.broadcast %ne3A_355 : i32 to vector<32x36xi32>
    %ne3A_357 = arith.cmpi ne, %rem3A_354, %ne3A_356 : vector<32x36xi32>
    %lt3A_358 = arith.constant 0 : i32
    %lt3A_359 = vector.broadcast %lt3A_358 : i32 to vector<32x36xi32>
    %lt3A_360 = arith.cmpi slt, %rem3A_354, %lt3A_359 : vector<32x36xi32>
    %lt3A_361 = arith.constant 0 : i32
    %lt3A_362 = arith.cmpi slt, %select_n3A_352, %lt3A_361 : i32
    %ne3A_363 = vector.broadcast %lt3A_362 : i1 to vector<32x36xi1>
    %ne3A_364 = vector.broadcast %ne3A_363 : vector<32x36xi1> to vector<32x36xi1>
    %ne3A_365 = arith.xori %lt3A_360, %ne3A_364 : vector<32x36xi1>
    %and3A_366 = arith.andi %ne3A_365, %ne3A_357 : vector<32x36xi1>
    %add3A_367 = vector.broadcast %select_n3A_352 : i32 to vector<32x36xi32>
    %add3A_368 = arith.addi %rem3A_354, %add3A_367 : vector<32x36xi32>
    %select_n3A_369 = arith.select %and3A_366, %add3A_368, %rem3A_354 : vector<32x36xi1>, vector<32x36xi32>
    %add3A_370 = arith.addi %mul3A_346, %select_n3A_369 : vector<32x36xi32>
    %add3A_371 = arith.constant 1 : i32
    %add3A_372 = vector.broadcast %add3A_371 : i32 to vector<32x36xi32>
    %add3A_373 = arith.addi %add3A_370, %add3A_372 : vector<32x36xi32>
    %eq3A_374 = arith.cmpi eq, %iota3A_311, %add3A_373 : vector<32x36xi32>
    %jit3A_375 = arith.constant 1.000000e+00 : f32
    %jit3A_376 = arith.constant 0.000000e+00 : f32
    %broadcast_in_dim3A_377 = vector.broadcast %jit3A_375 : f32 to vector<32x36xf32>
    %broadcast_in_dim3A_378 = vector.broadcast %jit3A_376 : f32 to vector<32x36xf32>
    %select_n3A_379 = arith.select %eq3A_374, %broadcast_in_dim3A_377, %broadcast_in_dim3A_378 : vector<32x36xi1>, vector<32x36xf32>
    %dot_general3A_380 = arith.constant dense<0.000000e+00> : vector<32x64xf32>
    %dot_general3A_381 = tpu.matmul %select_n3A_379, %add3A_310, %dot_general3A_380 {dimension_numbers = #tpu.dot_dimension_numbers<[1], [0], [0], [1], [0, 0, 1, 1], [], []>, precision = #tpu.contract_precision<fp32>, transpose_lhs_hint = false} : vector<32x36xf32>, vector<36x64xf32>, vector<32x64xf32> -> vector<32x64xf32>
    %get3A_382 = arith.constant 0 : index
    %get3A_383 = arith.constant 0 : index
    %get3A_384 = vector.load %arg4[%get3A_382, %get3A_383] : memref<64x384xf32, #tpu.memory_space<vmem>>, vector<64x384xf32>
    %transpose3A_385 = tpu.transpose %get3A_384, [1, 0] : vector<64x384xf32> -> vector<384x64xf32>
    %dot_general3A_386 = arith.constant dense<0.000000e+00> : vector<784x64xf32>
    %dot_general3A_387 = tpu.matmul %get3A_1, %transpose3A_385, %dot_general3A_386 {dimension_numbers = #tpu.dot_dimension_numbers<[1], [0], [0], [1], [0, 0, 1, 1], [], []>, transpose_lhs_hint = false} : vector<784x384xf32>, vector<384x64xf32>, vector<784x64xf32> -> vector<784x64xf32>
    %get3A_388 = arith.constant 0 : index
    %get3A_389 = arith.constant 0 : index
    %get3A_390 = vector.load %arg5[%get3A_388, %get3A_389] : memref<1x64xf32, #tpu.memory_space<vmem>>, vector<1x64xf32>
    %add3A_391 = vector.broadcast %get3A_390 : vector<1x64xf32> to vector<784x64xf32>
    %add3A_392 = arith.addf %dot_general3A_387, %add3A_391 : vector<784x64xf32>
    %transpose3A_393 = tpu.transpose %dot_general3A_381, [1, 0] : vector<32x64xf32> -> vector<64x32xf32>
    %dot_general3A_394 = arith.constant dense<0.000000e+00> : vector<784x32xf32>
    %dot_general3A_395 = tpu.matmul %add3A_392, %transpose3A_393, %dot_general3A_394 {dimension_numbers = #tpu.dot_dimension_numbers<[1], [0], [0], [1], [0, 0, 1, 1], [], []>, transpose_lhs_hint = false} : vector<784x64xf32>, vector<64x32xf32>, vector<784x32xf32> -> vector<784x32xf32>
    %mul3A_396 = arith.constant 1.250000e-01 : f32
    %mul3A_397 = vector.broadcast %mul3A_396 : f32 to vector<784x32xf32>
    %mul3A_398 = arith.mulf %dot_general3A_395, %mul3A_397 : vector<784x32xf32>
    %iota3A_399 = tpu.iota {dimensions = array<i32: 0>} : vector<784x1xi32>
    %jit3A_400 = arith.constant 196 : i32
    %div3A_401 = vector.broadcast %jit3A_400 : i32 to vector<784x1xi32>
    %div3A_402 = arith.divsi %iota3A_399, %div3A_401 : vector<784x1xi32>
    %sign3A_403 = arith.constant 0 : i32
    %sign3A_404 = vector.broadcast %sign3A_403 : i32 to vector<784x1xi32>
    %sign3A_405 = arith.cmpi sgt, %iota3A_399, %sign3A_404 : vector<784x1xi32>
    %sign3A_406 = arith.extui %sign3A_405 : vector<784x1xi1> to vector<784x1xi32>
    %sign3A_407 = arith.constant 0 : i32
    %sign3A_408 = vector.broadcast %sign3A_407 : i32 to vector<784x1xi32>
    %sign3A_409 = arith.cmpi slt, %iota3A_399, %sign3A_408 : vector<784x1xi32>
    %sign3A_410 = arith.extui %sign3A_409 : vector<784x1xi1> to vector<784x1xi32>
    %sign3A_411 = arith.subi %sign3A_406, %sign3A_410 : vector<784x1xi32>
    %sign3A_412 = arith.constant 0 : i32
    %sign3A_413 = arith.cmpi sgt, %jit3A_400, %sign3A_412 : i32
    %sign3A_414 = arith.extui %sign3A_413 : i1 to i32
    %sign3A_415 = arith.constant 0 : i32
    %sign3A_416 = arith.cmpi slt, %jit3A_400, %sign3A_415 : i32
    %sign3A_417 = arith.extui %sign3A_416 : i1 to i32
    %sign3A_418 = arith.subi %sign3A_414, %sign3A_417 : i32
    %ne3A_419 = vector.broadcast %sign3A_418 : i32 to vector<784x1xi32>
    %ne3A_420 = arith.cmpi ne, %sign3A_411, %ne3A_419 : vector<784x1xi32>
    %rem3A_421 = vector.broadcast %jit3A_400 : i32 to vector<784x1xi32>
    %rem3A_422 = arith.remsi %iota3A_399, %rem3A_421 : vector<784x1xi32>
    %ne3A_423 = arith.constant 0 : i32
    %ne3A_424 = vector.broadcast %ne3A_423 : i32 to vector<784x1xi32>
    %ne3A_425 = arith.cmpi ne, %rem3A_422, %ne3A_424 : vector<784x1xi32>
    %and3A_426 = arith.andi %ne3A_420, %ne3A_425 : vector<784x1xi1>
    %sub3A_427 = arith.constant 1 : i32
    %sub3A_428 = vector.broadcast %sub3A_427 : i32 to vector<784x1xi32>
    %sub3A_429 = arith.subi %div3A_402, %sub3A_428 : vector<784x1xi32>
    %select_n3A_430 = arith.select %and3A_426, %sub3A_429, %div3A_402 : vector<784x1xi1>, vector<784x1xi32>
    %broadcast_in_dim3A_431 = arith.constant 0.000000e+00 : f32
    %broadcast_in_dim3A_432 = vector.broadcast %broadcast_in_dim3A_431 : f32 to vector<784x8xf32>
    %eq3A_433 = arith.constant 0 : i32
    %eq3A_434 = vector.broadcast %eq3A_433 : i32 to vector<784x1xi32>
    %eq3A_435 = arith.cmpi eq, %select_n3A_430, %eq3A_434 : vector<784x1xi32>
    %slice3A_436 = vector.extract_strided_slice %mul3A_398 {offsets = [0, 0], sizes = [784, 8], strides = [1, 1]} : vector<784x32xf32> to vector<784x8xf32>
    %jit3A_437 = arith.constant 0.000000e+00 : f32
    %broadcast_in_dim3A_438 = vector.shape_cast %eq3A_435 : vector<784x1xi1> to vector<784x1xi1>
    %broadcast_in_dim3A_439 = vector.broadcast %broadcast_in_dim3A_438 : vector<784x1xi1> to vector<784x8xi1>
    %broadcast_in_dim3A_440 = vector.broadcast %jit3A_437 : f32 to vector<784x8xf32>
    %select_n3A_441 = arith.select %broadcast_in_dim3A_439, %slice3A_436, %broadcast_in_dim3A_440 : vector<784x8xi1>, vector<784x8xf32>
    %add3A_442 = arith.addf %broadcast_in_dim3A_432, %select_n3A_441 : vector<784x8xf32>
    %eq3A_443 = arith.constant 1 : i32
    %eq3A_444 = vector.broadcast %eq3A_443 : i32 to vector<784x1xi32>
    %eq3A_445 = arith.cmpi eq, %select_n3A_430, %eq3A_444 : vector<784x1xi32>
    %slice3A_446 = vector.extract_strided_slice %mul3A_398 {offsets = [0, 8], sizes = [784, 8], strides = [1, 1]} : vector<784x32xf32> to vector<784x8xf32>
    %jit3A_447 = arith.constant 0.000000e+00 : f32
    %broadcast_in_dim3A_448 = vector.shape_cast %eq3A_445 : vector<784x1xi1> to vector<784x1xi1>
    %broadcast_in_dim3A_449 = vector.broadcast %broadcast_in_dim3A_448 : vector<784x1xi1> to vector<784x8xi1>
    %broadcast_in_dim3A_450 = vector.broadcast %jit3A_447 : f32 to vector<784x8xf32>
    %select_n3A_451 = arith.select %broadcast_in_dim3A_449, %slice3A_446, %broadcast_in_dim3A_450 : vector<784x8xi1>, vector<784x8xf32>
    %add3A_452 = arith.addf %add3A_442, %select_n3A_451 : vector<784x8xf32>
    %eq3A_453 = arith.constant 2 : i32
    %eq3A_454 = vector.broadcast %eq3A_453 : i32 to vector<784x1xi32>
    %eq3A_455 = arith.cmpi eq, %select_n3A_430, %eq3A_454 : vector<784x1xi32>
    %slice3A_456 = vector.extract_strided_slice %mul3A_398 {offsets = [0, 16], sizes = [784, 8], strides = [1, 1]} : vector<784x32xf32> to vector<784x8xf32>
    %jit3A_457 = arith.constant 0.000000e+00 : f32
    %broadcast_in_dim3A_458 = vector.shape_cast %eq3A_455 : vector<784x1xi1> to vector<784x1xi1>
    %broadcast_in_dim3A_459 = vector.broadcast %broadcast_in_dim3A_458 : vector<784x1xi1> to vector<784x8xi1>
    %broadcast_in_dim3A_460 = vector.broadcast %jit3A_457 : f32 to vector<784x8xf32>
    %select_n3A_461 = arith.select %broadcast_in_dim3A_459, %slice3A_456, %broadcast_in_dim3A_460 : vector<784x8xi1>, vector<784x8xf32>
    %add3A_462 = arith.addf %add3A_452, %select_n3A_461 : vector<784x8xf32>
    %eq3A_463 = arith.constant 3 : i32
    %eq3A_464 = vector.broadcast %eq3A_463 : i32 to vector<784x1xi32>
    %eq3A_465 = arith.cmpi eq, %select_n3A_430, %eq3A_464 : vector<784x1xi32>
    %slice3A_466 = vector.extract_strided_slice %mul3A_398 {offsets = [0, 24], sizes = [784, 8], strides = [1, 1]} : vector<784x32xf32> to vector<784x8xf32>
    %jit3A_467 = arith.constant 0.000000e+00 : f32
    %broadcast_in_dim3A_468 = vector.shape_cast %eq3A_465 : vector<784x1xi1> to vector<784x1xi1>
    %broadcast_in_dim3A_469 = vector.broadcast %broadcast_in_dim3A_468 : vector<784x1xi1> to vector<784x8xi1>
    %broadcast_in_dim3A_470 = vector.broadcast %jit3A_467 : f32 to vector<784x8xf32>
    %select_n3A_471 = arith.select %broadcast_in_dim3A_469, %slice3A_466, %broadcast_in_dim3A_470 : vector<784x8xi1>, vector<784x8xf32>
    %add3A_472 = arith.addf %add3A_462, %select_n3A_471 : vector<784x8xf32>
    %reduce_max3A_473 = arith.constant dense<0xFF800000> : vector<784xf32>
    %reduce_max3A_474 = vector.multi_reduction <maximumf>, %add3A_472, %reduce_max3A_473 [1] : vector<784x8xf32> to vector<784xf32>
    %broadcast_in_dim3A_475 = vector.shape_cast %reduce_max3A_474 : vector<784xf32> to vector<784x1xf32>
    %sub3A_476 = vector.broadcast %broadcast_in_dim3A_475 : vector<784x1xf32> to vector<784x8xf32>
    %sub3A_477 = arith.subf %add3A_472, %sub3A_476 : vector<784x8xf32>
    %exp3A_478 = math.exp %sub3A_477 : vector<784x8xf32>
    %reduce_sum3A_479 = arith.constant dense<0.000000e+00> : vector<784xf32>
    %reduce_sum3A_480 = vector.multi_reduction <add>, %exp3A_478, %reduce_sum3A_479 [1] : vector<784x8xf32> to vector<784xf32>
    %broadcast_in_dim3A_481 = vector.shape_cast %reduce_sum3A_480 : vector<784xf32> to vector<784x1xf32>
    %div3A_482 = vector.broadcast %broadcast_in_dim3A_481 : vector<784x1xf32> to vector<784x8xf32>
    %div3A_483 = arith.divf %exp3A_478, %div3A_482 : vector<784x8xf32>
    %iota3A_484 = tpu.iota {dimensions = array<i32: 1>} : vector<784x8xi32>
    %reduce_max3A_485 = arith.constant dense<0xFF800000> : vector<784xf32>
    %reduce_max3A_486 = vector.multi_reduction <maximumf>, %div3A_483, %reduce_max3A_485 [1] : vector<784x8xf32> to vector<784xf32>
    %broadcast_in_dim3A_487 = vector.shape_cast %reduce_max3A_486 : vector<784xf32> to vector<784x1xf32>
    %eq3A_488 = vector.broadcast %broadcast_in_dim3A_487 : vector<784x1xf32> to vector<784x8xf32>
    %eq3A_489 = arith.cmpf oeq, %div3A_483, %eq3A_488 : vector<784x8xf32>
    %jit3A_490 = arith.constant 8 : i32
    %broadcast_in_dim3A_491 = vector.broadcast %jit3A_490 : i32 to vector<784x8xi32>
    %select_n3A_492 = arith.select %eq3A_489, %iota3A_484, %broadcast_in_dim3A_491 : vector<784x8xi1>, vector<784x8xi32>
    %reduce_min3A = arith.constant dense<2147483647> : vector<784xi32>
    %reduce_min3A_493 = vector.multi_reduction <minsi>, %select_n3A_492, %reduce_min3A [1] : vector<784x8xi32> to vector<784xi32>
    %broadcast_in_dim3A_494 = vector.shape_cast %reduce_min3A_493 : vector<784xi32> to vector<784x1xi32>
    %eq3A_495 = vector.broadcast %broadcast_in_dim3A_494 : vector<784x1xi32> to vector<784x8xi32>
    %eq3A_496 = arith.cmpi eq, %iota3A_484, %eq3A_495 : vector<784x8xi32>
    %jit3A_497 = arith.constant -1.000000e+00 : f32
    %broadcast_in_dim3A_498 = vector.broadcast %jit3A_497 : f32 to vector<784x8xf32>
    %select_n3A_499 = arith.select %eq3A_496, %broadcast_in_dim3A_498, %div3A_483 : vector<784x8xi1>, vector<784x8xf32>
    %reduce_max3A_500 = arith.constant dense<0xFF800000> : vector<784xf32>
    %reduce_max3A_501 = vector.multi_reduction <maximumf>, %select_n3A_499, %reduce_max3A_500 [1] : vector<784x8xf32> to vector<784xf32>
    %broadcast_in_dim3A_502 = vector.shape_cast %reduce_max3A_501 : vector<784xf32> to vector<784x1xf32>
    %eq3A_503 = vector.broadcast %broadcast_in_dim3A_502 : vector<784x1xf32> to vector<784x8xf32>
    %eq3A_504 = arith.cmpf oeq, %select_n3A_499, %eq3A_503 : vector<784x8xf32>
    %jit3A_505 = arith.constant 8 : i32
    %broadcast_in_dim3A_506 = vector.broadcast %jit3A_505 : i32 to vector<784x8xi32>
    %select_n3A_507 = arith.select %eq3A_504, %iota3A_484, %broadcast_in_dim3A_506 : vector<784x8xi1>, vector<784x8xi32>
    %reduce_min3A_508 = arith.constant dense<2147483647> : vector<784xi32>
    %reduce_min3A_509 = vector.multi_reduction <minsi>, %select_n3A_507, %reduce_min3A_508 [1] : vector<784x8xi32> to vector<784xi32>
    %broadcast_in_dim3A_510 = vector.shape_cast %reduce_min3A_509 : vector<784xi32> to vector<784x1xi32>
    %add3A_511 = arith.addf %broadcast_in_dim3A_487, %broadcast_in_dim3A_502 : vector<784x1xf32>
    %div3A_512 = arith.divf %broadcast_in_dim3A_487, %add3A_511 : vector<784x1xf32>
    %div3A_513 = arith.divf %broadcast_in_dim3A_502, %add3A_511 : vector<784x1xf32>
    %eq3A_514 = vector.broadcast %broadcast_in_dim3A_494 : vector<784x1xi32> to vector<784x8xi32>
    %eq3A_515 = arith.cmpi eq, %iota3A_484, %eq3A_514 : vector<784x8xi32>
    %jit3A_516 = arith.constant 1.000000e+00 : f32
    %jit3A_517 = arith.constant 0.000000e+00 : f32
    %broadcast_in_dim3A_518 = vector.broadcast %jit3A_516 : f32 to vector<784x8xf32>
    %broadcast_in_dim3A_519 = vector.broadcast %jit3A_517 : f32 to vector<784x8xf32>
    %select_n3A_520 = arith.select %eq3A_515, %broadcast_in_dim3A_518, %broadcast_in_dim3A_519 : vector<784x8xi1>, vector<784x8xf32>
    %eq3A_521 = vector.broadcast %broadcast_in_dim3A_510 : vector<784x1xi32> to vector<784x8xi32>
    %eq3A_522 = arith.cmpi eq, %iota3A_484, %eq3A_521 : vector<784x8xi32>
    %jit3A_523 = arith.constant 1.000000e+00 : f32
    %jit3A_524 = arith.constant 0.000000e+00 : f32
    %broadcast_in_dim3A_525 = vector.broadcast %jit3A_523 : f32 to vector<784x8xf32>
    %broadcast_in_dim3A_526 = vector.broadcast %jit3A_524 : f32 to vector<784x8xf32>
    %select_n3A_527 = arith.select %eq3A_522, %broadcast_in_dim3A_525, %broadcast_in_dim3A_526 : vector<784x8xi1>, vector<784x8xf32>
    %reduce_sum3A_528 = arith.constant dense<0.000000e+00> : vector<8xf32>
    %reduce_sum3A_529 = vector.multi_reduction <add>, %select_n3A_520, %reduce_sum3A_528 [0] : vector<784x8xf32> to vector<8xf32>
    %broadcast_in_dim3A_530 = vector.shape_cast %reduce_sum3A_529 : vector<8xf32> to vector<1x8xf32>
    %reduce_sum3A_531 = arith.constant dense<0.000000e+00> : vector<8xf32>
    %reduce_sum3A_532 = vector.multi_reduction <add>, %select_n3A_527, %reduce_sum3A_531 [0] : vector<784x8xf32> to vector<8xf32>
    %broadcast_in_dim3A_533 = vector.shape_cast %reduce_sum3A_532 : vector<8xf32> to vector<1x8xf32>
    %add3A_534 = arith.addf %broadcast_in_dim3A_530, %broadcast_in_dim3A_533 : vector<1x8xf32>
    %iota3A_535 = tpu.iota {dimensions = array<i32: 0>} : vector<8x8xi32>
    %iota3A_536 = tpu.iota {dimensions = array<i32: 1>} : vector<8x8xi32>
    %lt3A_537 = arith.cmpi slt, %iota3A_535, %iota3A_536 : vector<8x8xi32>
    %jit3A_538 = arith.constant 1.000000e+00 : f32
    %jit3A_539 = arith.constant 0.000000e+00 : f32
    %broadcast_in_dim3A_540 = vector.broadcast %jit3A_538 : f32 to vector<8x8xf32>
    %broadcast_in_dim3A_541 = vector.broadcast %jit3A_539 : f32 to vector<8x8xf32>
    %select_n3A_542 = arith.select %lt3A_537, %broadcast_in_dim3A_540, %broadcast_in_dim3A_541 : vector<8x8xi1>, vector<8x8xf32>
    %dot_general3A_543 = arith.constant dense<0.000000e+00> : vector<1x8xf32>
    %dot_general3A_544 = tpu.matmul %add3A_534, %select_n3A_542, %dot_general3A_543 {dimension_numbers = #tpu.dot_dimension_numbers<[1], [0], [0], [1], [0, 0, 1, 1], [], []>, precision = #tpu.contract_precision<fp32>, transpose_lhs_hint = false} : vector<1x8xf32>, vector<8x8xf32>, vector<1x8xf32> -> vector<1x8xf32>
    %iota3A_545 = tpu.iota {dimensions = array<i32: 0>} : vector<784x784xi32>
    %iota3A_546 = tpu.iota {dimensions = array<i32: 1>} : vector<784x784xi32>
    %gt3A = arith.cmpi sgt, %iota3A_545, %iota3A_546 : vector<784x784xi32>
    %jit3A_547 = arith.constant 1.000000e+00 : f32
    %jit3A_548 = arith.constant 0.000000e+00 : f32
    %broadcast_in_dim3A_549 = vector.broadcast %jit3A_547 : f32 to vector<784x784xf32>
    %broadcast_in_dim3A_550 = vector.broadcast %jit3A_548 : f32 to vector<784x784xf32>
    %select_n3A_551 = arith.select %gt3A, %broadcast_in_dim3A_549, %broadcast_in_dim3A_550 : vector<784x784xi1>, vector<784x784xf32>
    %dot_general3A_552 = arith.constant dense<0.000000e+00> : vector<784x8xf32>
    %dot_general3A_553 = tpu.matmul %select_n3A_551, %select_n3A_520, %dot_general3A_552 {dimension_numbers = #tpu.dot_dimension_numbers<[1], [0], [0], [1], [0, 0, 1, 1], [], []>, precision = #tpu.contract_precision<fp32>, transpose_lhs_hint = false} : vector<784x784xf32>, vector<784x8xf32>, vector<784x8xf32> -> vector<784x8xf32>
    %mul3A_554 = arith.mulf %dot_general3A_553, %select_n3A_520 : vector<784x8xf32>
    %reduce_sum3A_555 = arith.constant dense<0.000000e+00> : vector<784xf32>
    %reduce_sum3A_556 = vector.multi_reduction <add>, %mul3A_554, %reduce_sum3A_555 [1] : vector<784x8xf32> to vector<784xf32>
    %broadcast_in_dim3A_557 = vector.shape_cast %reduce_sum3A_556 : vector<784xf32> to vector<784x1xf32>
    %dot_general3A_558 = arith.constant dense<0.000000e+00> : vector<784x8xf32>
    %dot_general3A_559 = tpu.matmul %select_n3A_551, %select_n3A_527, %dot_general3A_558 {dimension_numbers = #tpu.dot_dimension_numbers<[1], [0], [0], [1], [0, 0, 1, 1], [], []>, precision = #tpu.contract_precision<fp32>, transpose_lhs_hint = false} : vector<784x784xf32>, vector<784x8xf32>, vector<784x8xf32> -> vector<784x8xf32>
    %mul3A_560 = arith.mulf %dot_general3A_559, %select_n3A_527 : vector<784x8xf32>
    %reduce_sum3A_561 = arith.constant dense<0.000000e+00> : vector<784xf32>
    %reduce_sum3A_562 = vector.multi_reduction <add>, %mul3A_560, %reduce_sum3A_561 [1] : vector<784x8xf32> to vector<784xf32>
    %broadcast_in_dim3A_563 = vector.shape_cast %reduce_sum3A_562 : vector<784xf32> to vector<784x1xf32>
    %mul3A_564 = vector.broadcast %dot_general3A_544 : vector<1x8xf32> to vector<784x8xf32>
    %mul3A_565 = arith.mulf %select_n3A_520, %mul3A_564 : vector<784x8xf32>
    %reduce_sum3A_566 = arith.constant dense<0.000000e+00> : vector<784xf32>
    %reduce_sum3A_567 = vector.multi_reduction <add>, %mul3A_565, %reduce_sum3A_566 [1] : vector<784x8xf32> to vector<784xf32>
    %broadcast_in_dim3A_568 = vector.shape_cast %reduce_sum3A_567 : vector<784xf32> to vector<784x1xf32>
    %add3A_569 = arith.addf %broadcast_in_dim3A_568, %broadcast_in_dim3A_557 : vector<784x1xf32>
    %add3A_570 = arith.addf %dot_general3A_544, %broadcast_in_dim3A_530 : vector<1x8xf32>
    %mul3A_571 = vector.broadcast %add3A_570 : vector<1x8xf32> to vector<784x8xf32>
    %mul3A_572 = arith.mulf %select_n3A_527, %mul3A_571 : vector<784x8xf32>
    %reduce_sum3A_573 = arith.constant dense<0.000000e+00> : vector<784xf32>
    %reduce_sum3A_574 = vector.multi_reduction <add>, %mul3A_572, %reduce_sum3A_573 [1] : vector<784x8xf32> to vector<784xf32>
    %broadcast_in_dim3A_575 = vector.shape_cast %reduce_sum3A_574 : vector<784xf32> to vector<784x1xf32>
    %add3A_576 = arith.addf %broadcast_in_dim3A_575, %broadcast_in_dim3A_563 : vector<784x1xf32>
    %convert_element_type3A = arith.fptosi %add3A_569 : vector<784x1xf32> to vector<784x1xi32>
    %swap3A = arith.constant 0 : index
    %swap3A_577 = arith.constant 0 : index
    %swap3A_578 = vector.load %arg12[%swap3A, %swap3A_577] : memref<784x1xi32, #tpu.memory_space<vmem>>, vector<784x1xi32>
    tpu.vector_store %arg12[%swap3A, %swap3A_577], %convert_element_type3A {strides = array<i32>} : memref<784x1xi32, #tpu.memory_space<vmem>>, vector<784x1xi32>,
    %convert_element_type3A_579 = arith.fptosi %add3A_576 : vector<784x1xf32> to vector<784x1xi32>
    %swap3A_580 = arith.constant 0 : index
    %swap3A_581 = arith.constant 0 : index
    %swap3A_582 = vector.load %arg13[%swap3A_580, %swap3A_581] : memref<784x1xi32, #tpu.memory_space<vmem>>, vector<784x1xi32>
    tpu.vector_store %arg13[%swap3A_580, %swap3A_581], %convert_element_type3A_579 {strides = array<i32>} : memref<784x1xi32, #tpu.memory_space<vmem>>, vector<784x1xi32>,
    %broadcast_in_dim3A_583 = arith.constant 1.568000e+03 : f32
    %broadcast_in_dim3A_584 = vector.broadcast %broadcast_in_dim3A_583 : f32 to vector<1x1xf32>
    %broadcast_in_dim3A_585 = arith.constant 0.000000e+00 : f32
    %broadcast_in_dim3A_586 = vector.broadcast %broadcast_in_dim3A_585 : f32 to vector<1x7xf32>
    %concatenate3A_587 = tpu.concatenate %dot_general3A_544, %broadcast_in_dim3A_584, %broadcast_in_dim3A_586 in 1 : vector<1x8xf32>, vector<1x1xf32>, vector<1x7xf32> -> vector<1x16xf32>
    %convert_element_type3A_588 = arith.fptosi %concatenate3A_587 : vector<1x16xf32> to vector<1x16xi32>
    %swap3A_589 = arith.constant 0 : index
    %swap3A_590 = arith.constant 0 : index
    %swap3A_591 = vector.load %arg16[%swap3A_589, %swap3A_590] : memref<1x16xi32, #tpu.memory_space<vmem>>, vector<1x16xi32>
    tpu.vector_store %arg16[%swap3A_589, %swap3A_590], %convert_element_type3A_588 {strides = array<i32>} : memref<1x16xi32, #tpu.memory_space<vmem>>, vector<1x16xi32>,
    %concatenate3A_592 = tpu.concatenate %add3A_569, %add3A_576 in 0 : vector<784x1xf32>, vector<784x1xf32> -> vector<1568x1xf32>
    %iota3A_593 = tpu.iota {dimensions = array<i32: 0>} : vector<784x1xi32>
    %convert_element_type3A_594 = arith.sitofp %iota3A_593 : vector<784x1xi32> to vector<784x1xf32>
    %concatenate3A_595 = tpu.concatenate %convert_element_type3A_594, %convert_element_type3A_594 in 0 : vector<784x1xf32>, vector<784x1xf32> -> vector<1568x1xf32>
    %concatenate3A_596 = tpu.concatenate %div3A_512, %div3A_513 in 0 : vector<784x1xf32>, vector<784x1xf32> -> vector<1568x1xf32>
    %iota3A_597 = tpu.iota {dimensions = array<i32: 1>} : vector<1568x1568xi32>
    %convert_element_type3A_598 = arith.sitofp %iota3A_597 : vector<1568x1568xi32> to vector<1568x1568xf32>
    %eq3A_599 = vector.broadcast %concatenate3A_592 : vector<1568x1xf32> to vector<1568x1568xf32>
    %eq3A_600 = arith.cmpf oeq, %eq3A_599, %convert_element_type3A_598 : vector<1568x1568xf32>
    %jit3A_601 = arith.constant 1.000000e+00 : f32
    %jit3A_602 = arith.constant 0.000000e+00 : f32
    %broadcast_in_dim3A_603 = vector.broadcast %jit3A_601 : f32 to vector<1568x1568xf32>
    %broadcast_in_dim3A_604 = vector.broadcast %jit3A_602 : f32 to vector<1568x1568xf32>
    %select_n3A_605 = arith.select %eq3A_600, %broadcast_in_dim3A_603, %broadcast_in_dim3A_604 : vector<1568x1568xi1>, vector<1568x1568xf32>
    %dot_general3A_606 = arith.constant dense<0.000000e+00> : vector<1x1568xf32>
    %dot_general3A_607 = tpu.matmul %concatenate3A_595, %select_n3A_605, %dot_general3A_606 {dimension_numbers = #tpu.dot_dimension_numbers<[0], [0], [1], [1], [0, 1, 1, 1], [], []>, precision = #tpu.contract_precision<fp32>, transpose_lhs_hint = false} : vector<1568x1xf32>, vector<1568x1568xf32>, vector<1x1568xf32> -> vector<1x1568xf32>
    %dot_general3A_608 = arith.constant dense<0.000000e+00> : vector<1x1568xf32>
    %dot_general3A_609 = tpu.matmul %concatenate3A_596, %select_n3A_605, %dot_general3A_608 {dimension_numbers = #tpu.dot_dimension_numbers<[0], [0], [1], [1], [0, 1, 1, 1], [], []>, precision = #tpu.contract_precision<fp32>, transpose_lhs_hint = false} : vector<1568x1xf32>, vector<1568x1568xf32>, vector<1x1568xf32> -> vector<1x1568xf32>
    %convert_element_type3A_610 = arith.fptosi %dot_general3A_607 : vector<1x1568xf32> to vector<1x1568xi32>
    %swap3A_611 = arith.constant 0 : index
    %swap3A_612 = arith.constant 0 : index
    %swap3A_613 = vector.load %arg14[%swap3A_611, %swap3A_612] : memref<1x1568xi32, #tpu.memory_space<vmem>>, vector<1x1568xi32>
    tpu.vector_store %arg14[%swap3A_611, %swap3A_612], %convert_element_type3A_610 {strides = array<i32>} : memref<1x1568xi32, #tpu.memory_space<vmem>>, vector<1x1568xi32>,
    %swap3A_614 = arith.constant 0 : index
    %swap3A_615 = arith.constant 0 : index
    %swap3A_616 = vector.load %arg15[%swap3A_614, %swap3A_615] : memref<1x1568xf32, #tpu.memory_space<vmem>>, vector<1x1568xf32>
    tpu.vector_store %arg15[%swap3A_614, %swap3A_615], %dot_general3A_609 {strides = array<i32>} : memref<1x1568xf32, #tpu.memory_space<vmem>>, vector<1x1568xf32>,
    %slice3A_617 = vector.extract_strided_slice %dot_general3A_544 {offsets = [0, 1], sizes = [1, 7], strides = [1, 1]} : vector<1x8xf32> to vector<1x7xf32>
    %broadcast_in_dim3A_618 = arith.constant 1.568000e+03 : f32
    %broadcast_in_dim3A_619 = vector.broadcast %broadcast_in_dim3A_618 : f32 to vector<1x1xf32>
    %concatenate3A_620 = tpu.concatenate %slice3A_617, %broadcast_in_dim3A_619 in 1 : vector<1x7xf32>, vector<1x1xf32> -> vector<1x8xf32>
    %iota3A_621 = tpu.iota {dimensions = array<i32: 0>} : vector<112x1xi32>
    %jit3A_622 = arith.constant 14 : i32
    %div3A_623 = vector.broadcast %jit3A_622 : i32 to vector<112x1xi32>
    %div3A_624 = arith.divsi %iota3A_621, %div3A_623 : vector<112x1xi32>
    %sign3A_625 = arith.constant 0 : i32
    %sign3A_626 = vector.broadcast %sign3A_625 : i32 to vector<112x1xi32>
    %sign3A_627 = arith.cmpi sgt, %iota3A_621, %sign3A_626 : vector<112x1xi32>
    %sign3A_628 = arith.extui %sign3A_627 : vector<112x1xi1> to vector<112x1xi32>
    %sign3A_629 = arith.constant 0 : i32
    %sign3A_630 = vector.broadcast %sign3A_629 : i32 to vector<112x1xi32>
    %sign3A_631 = arith.cmpi slt, %iota3A_621, %sign3A_630 : vector<112x1xi32>
    %sign3A_632 = arith.extui %sign3A_631 : vector<112x1xi1> to vector<112x1xi32>
    %sign3A_633 = arith.subi %sign3A_628, %sign3A_632 : vector<112x1xi32>
    %sign3A_634 = arith.constant 0 : i32
    %sign3A_635 = arith.cmpi sgt, %jit3A_622, %sign3A_634 : i32
    %sign3A_636 = arith.extui %sign3A_635 : i1 to i32
    %sign3A_637 = arith.constant 0 : i32
    %sign3A_638 = arith.cmpi slt, %jit3A_622, %sign3A_637 : i32
    %sign3A_639 = arith.extui %sign3A_638 : i1 to i32
    %sign3A_640 = arith.subi %sign3A_636, %sign3A_639 : i32
    %ne3A_641 = vector.broadcast %sign3A_640 : i32 to vector<112x1xi32>
    %ne3A_642 = arith.cmpi ne, %sign3A_633, %ne3A_641 : vector<112x1xi32>
    %rem3A_643 = vector.broadcast %jit3A_622 : i32 to vector<112x1xi32>
    %rem3A_644 = arith.remsi %iota3A_621, %rem3A_643 : vector<112x1xi32>
    %ne3A_645 = arith.constant 0 : i32
    %ne3A_646 = vector.broadcast %ne3A_645 : i32 to vector<112x1xi32>
    %ne3A_647 = arith.cmpi ne, %rem3A_644, %ne3A_646 : vector<112x1xi32>
    %and3A_648 = arith.andi %ne3A_642, %ne3A_647 : vector<112x1xi1>
    %sub3A_649 = arith.constant 1 : i32
    %sub3A_650 = vector.broadcast %sub3A_649 : i32 to vector<112x1xi32>
    %sub3A_651 = arith.subi %div3A_624, %sub3A_650 : vector<112x1xi32>
    %select_n3A_652 = arith.select %and3A_648, %sub3A_651, %div3A_624 : vector<112x1xi1>, vector<112x1xi32>
    %iota3A_653 = tpu.iota {dimensions = array<i32: 0>} : vector<112x1xi32>
    %jit3A_654 = arith.constant 14 : i32
    %eq3A_655 = arith.constant 0 : i32
    %eq3A_656 = arith.cmpi eq, %jit3A_654, %eq3A_655 : i32
    %jit3A_657 = arith.constant 1 : i32
    %select_n3A_658 = arith.select %eq3A_656, %jit3A_657, %jit3A_654 : i32
    %rem3A_659 = vector.broadcast %select_n3A_658 : i32 to vector<112x1xi32>
    %rem3A_660 = arith.remsi %iota3A_653, %rem3A_659 : vector<112x1xi32>
    %ne3A_661 = arith.constant 0 : i32
    %ne3A_662 = vector.broadcast %ne3A_661 : i32 to vector<112x1xi32>
    %ne3A_663 = arith.cmpi ne, %rem3A_660, %ne3A_662 : vector<112x1xi32>
    %lt3A_664 = arith.constant 0 : i32
    %lt3A_665 = vector.broadcast %lt3A_664 : i32 to vector<112x1xi32>
    %lt3A_666 = arith.cmpi slt, %rem3A_660, %lt3A_665 : vector<112x1xi32>
    %lt3A_667 = arith.constant 0 : i32
    %lt3A_668 = arith.cmpi slt, %select_n3A_658, %lt3A_667 : i32
    %ne3A_669 = vector.broadcast %lt3A_668 : i1 to vector<112x1xi1>
    %ne3A_670 = vector.broadcast %ne3A_669 : vector<112x1xi1> to vector<112x1xi1>
    %ne3A_671 = arith.xori %lt3A_666, %ne3A_670 : vector<112x1xi1>
    %and3A_672 = arith.andi %ne3A_671, %ne3A_663 : vector<112x1xi1>
    %add3A_673 = vector.broadcast %select_n3A_658 : i32 to vector<112x1xi32>
    %add3A_674 = arith.addi %rem3A_660, %add3A_673 : vector<112x1xi32>
    %select_n3A_675 = arith.select %and3A_672, %add3A_674, %rem3A_660 : vector<112x1xi1>, vector<112x1xi32>
    %iota3A_676 = tpu.iota {dimensions = array<i32: 1>} : vector<112x8xi32>
    %eq3A_677 = vector.broadcast %select_n3A_652 : vector<112x1xi32> to vector<112x8xi32>
    %eq3A_678 = arith.cmpi eq, %iota3A_676, %eq3A_677 : vector<112x8xi32>
    %jit3A_679 = arith.constant 1.000000e+00 : f32
    %jit3A_680 = arith.constant 0.000000e+00 : f32
    %broadcast_in_dim3A_681 = vector.broadcast %jit3A_679 : f32 to vector<112x8xf32>
    %broadcast_in_dim3A_682 = vector.broadcast %jit3A_680 : f32 to vector<112x8xf32>
    %select_n3A_683 = arith.select %eq3A_678, %broadcast_in_dim3A_681, %broadcast_in_dim3A_682 : vector<112x8xi1>, vector<112x8xf32>
    %mul3A_684 = vector.broadcast %dot_general3A_544 : vector<1x8xf32> to vector<112x8xf32>
    %mul3A_685 = arith.mulf %select_n3A_683, %mul3A_684 : vector<112x8xf32>
    %reduce_sum3A_686 = arith.constant dense<0.000000e+00> : vector<112xf32>
    %reduce_sum3A_687 = vector.multi_reduction <add>, %mul3A_685, %reduce_sum3A_686 [1] : vector<112x8xf32> to vector<112xf32>
    %broadcast_in_dim3A_688 = vector.shape_cast %reduce_sum3A_687 : vector<112xf32> to vector<112x1xf32>
    %mul3A_689 = vector.broadcast %concatenate3A_620 : vector<1x8xf32> to vector<112x8xf32>
    %mul3A_690 = arith.mulf %select_n3A_683, %mul3A_689 : vector<112x8xf32>
    %reduce_sum3A_691 = arith.constant dense<0.000000e+00> : vector<112xf32>
    %reduce_sum3A_692 = vector.multi_reduction <add>, %mul3A_690, %reduce_sum3A_691 [1] : vector<112x8xf32> to vector<112xf32>
    %broadcast_in_dim3A_693 = vector.shape_cast %reduce_sum3A_692 : vector<112xf32> to vector<112x1xf32>
    %convert_element_type3A_694 = arith.sitofp %select_n3A_675 : vector<112x1xi32> to vector<112x1xf32>
    %add3A_695 = arith.constant 1.000000e+00 : f32
    %add3A_696 = vector.broadcast %add3A_695 : f32 to vector<112x1xf32>
    %add3A_697 = arith.addf %convert_element_type3A_694, %add3A_696 : vector<112x1xf32>
    %mul3A_698 = arith.constant 1.120000e+02 : f32
    %mul3A_699 = vector.broadcast %mul3A_698 : f32 to vector<112x1xf32>
    %mul3A_700 = arith.mulf %add3A_697, %mul3A_699 : vector<112x1xf32>
    %lt3A_701 = arith.cmpf olt, %broadcast_in_dim3A_688, %mul3A_700 : vector<112x1xf32>
    %mul3A_702 = arith.constant 1.120000e+02 : f32
    %mul3A_703 = vector.broadcast %mul3A_702 : f32 to vector<112x1xf32>
    %mul3A_704 = arith.mulf %convert_element_type3A_694, %mul3A_703 : vector<112x1xf32>
    %gt3A_705 = arith.cmpf ogt, %broadcast_in_dim3A_693, %mul3A_704 : vector<112x1xf32>
    %and3A_706 = arith.andi %lt3A_701, %gt3A_705 : vector<112x1xi1>
    %gt3A_707 = arith.cmpf ogt, %broadcast_in_dim3A_693, %broadcast_in_dim3A_688 : vector<112x1xf32>
    %and3A_708 = arith.andi %and3A_706, %gt3A_707 : vector<112x1xi1>
    %jit3A_709 = arith.constant 1.000000e+00 : f32
    %jit3A_710 = arith.constant 0.000000e+00 : f32
    %broadcast_in_dim3A_711 = vector.broadcast %jit3A_709 : f32 to vector<112x1xf32>
    %broadcast_in_dim3A_712 = vector.broadcast %jit3A_710 : f32 to vector<112x1xf32>
    %select_n3A_713 = arith.select %and3A_708, %broadcast_in_dim3A_711, %broadcast_in_dim3A_712 : vector<112x1xi1>, vector<112x1xf32>
    %iota3A_714 = tpu.iota {dimensions = array<i32: 0>} : vector<112x112xi32>
    %iota3A_715 = tpu.iota {dimensions = array<i32: 1>} : vector<112x112xi32>
    %gt3A_716 = arith.cmpi sgt, %iota3A_714, %iota3A_715 : vector<112x112xi32>
    %jit3A_717 = arith.constant 1.000000e+00 : f32
    %jit3A_718 = arith.constant 0.000000e+00 : f32
    %broadcast_in_dim3A_719 = vector.broadcast %jit3A_717 : f32 to vector<112x112xf32>
    %broadcast_in_dim3A_720 = vector.broadcast %jit3A_718 : f32 to vector<112x112xf32>
    %select_n3A_721 = arith.select %gt3A_716, %broadcast_in_dim3A_719, %broadcast_in_dim3A_720 : vector<112x112xi1>, vector<112x112xf32>
    %dot_general3A_722 = arith.constant dense<0.000000e+00> : vector<112x1xf32>
    %dot_general3A_723 = tpu.matmul %select_n3A_721, %select_n3A_713, %dot_general3A_722 {dimension_numbers = #tpu.dot_dimension_numbers<[1], [0], [0], [1], [0, 0, 1, 1], [], []>, precision = #tpu.contract_precision<fp32>, transpose_lhs_hint = false} : vector<112x112xf32>, vector<112x1xf32>, vector<112x1xf32> -> vector<112x1xf32>
    %reduce_sum3A_724 = arith.constant dense<0.000000e+00> : vector<1xf32>
    %reduce_sum3A_725 = vector.multi_reduction <add>, %select_n3A_713, %reduce_sum3A_724 [0] : vector<112x1xf32> to vector<1xf32>
    %broadcast_in_dim3A_726 = vector.shape_cast %reduce_sum3A_725 : vector<1xf32> to vector<1x1xf32>
    %iota3A_727 = tpu.iota {dimensions = array<i32: 1>} : vector<112x21xi32>
    %convert_element_type3A_728 = arith.sitofp %iota3A_727 : vector<112x21xi32> to vector<112x21xf32>
    %sub3A_729 = arith.constant 1.000000e+00 : f32
    %sub3A_730 = vector.broadcast %sub3A_729 : f32 to vector<1x1xf32>
    %sub3A_731 = arith.subf %broadcast_in_dim3A_726, %sub3A_730 : vector<1x1xf32>
    %min3A = vector.broadcast %sub3A_731 : vector<1x1xf32> to vector<112x21xf32>
    %min3A_732 = arith.minimumf %convert_element_type3A_728, %min3A : vector<112x21xf32>
    %eq3A_733 = vector.broadcast %dot_general3A_723 : vector<112x1xf32> to vector<112x21xf32>
    %eq3A_734 = arith.cmpf oeq, %eq3A_733, %min3A_732 : vector<112x21xf32>
    %and3A_735 = vector.broadcast %and3A_708 : vector<112x1xi1> to vector<112x21xi1>
    %and3A_736 = arith.andi %eq3A_734, %and3A_735 : vector<112x21xi1>
    %jit3A_737 = arith.constant 1.000000e+00 : f32
    %jit3A_738 = arith.constant 0.000000e+00 : f32
    %broadcast_in_dim3A_739 = vector.broadcast %jit3A_737 : f32 to vector<112x21xf32>
    %broadcast_in_dim3A_740 = vector.broadcast %jit3A_738 : f32 to vector<112x21xf32>
    %select_n3A_741 = arith.select %and3A_736, %broadcast_in_dim3A_739, %broadcast_in_dim3A_740 : vector<112x21xi1>, vector<112x21xf32>
    %convert_element_type3A_742 = arith.sitofp %select_n3A_652 : vector<112x1xi32> to vector<112x1xf32>
    %dot_general3A_743 = arith.constant dense<0.000000e+00> : vector<1x21xf32>
    %dot_general3A_744 = tpu.matmul %convert_element_type3A_742, %select_n3A_741, %dot_general3A_743 {dimension_numbers = #tpu.dot_dimension_numbers<[0], [0], [1], [1], [0, 1, 1, 1], [], []>, precision = #tpu.contract_precision<fp32>, transpose_lhs_hint = false} : vector<112x1xf32>, vector<112x21xf32>, vector<1x21xf32> -> vector<1x21xf32>
    %dot_general3A_745 = arith.constant dense<0.000000e+00> : vector<1x21xf32>
    %dot_general3A_746 = tpu.matmul %convert_element_type3A_694, %select_n3A_741, %dot_general3A_745 {dimension_numbers = #tpu.dot_dimension_numbers<[0], [0], [1], [1], [0, 1, 1, 1], [], []>, precision = #tpu.contract_precision<fp32>, transpose_lhs_hint = false} : vector<112x1xf32>, vector<112x21xf32>, vector<1x21xf32> -> vector<1x21xf32>
    %iota3A_747 = tpu.iota {dimensions = array<i32: 1>} : vector<1x21xi32>
    %convert_element_type3A_748 = arith.sitofp %iota3A_747 : vector<1x21xi32> to vector<1x21xf32>
    %lt3A_749 = vector.broadcast %broadcast_in_dim3A_726 : vector<1x1xf32> to vector<1x21xf32>
    %lt3A_750 = arith.cmpf olt, %convert_element_type3A_748, %lt3A_749 : vector<1x21xf32>
    %jit3A_751 = arith.constant 1.000000e+00 : f32
    %jit3A_752 = arith.constant 0.000000e+00 : f32
    %broadcast_in_dim3A_753 = vector.broadcast %jit3A_751 : f32 to vector<1x21xf32>
    %broadcast_in_dim3A_754 = vector.broadcast %jit3A_752 : f32 to vector<1x21xf32>
    %select_n3A_755 = arith.select %lt3A_750, %broadcast_in_dim3A_753, %broadcast_in_dim3A_754 : vector<1x21xi1>, vector<1x21xf32>
    %broadcast_in_dim3A_756 = arith.constant 0.000000e+00 : f32
    %broadcast_in_dim3A_757 = vector.broadcast %broadcast_in_dim3A_756 : f32 to vector<1x21xf32>
    %concatenate3A_758 = tpu.concatenate %dot_general3A_744, %dot_general3A_746, %select_n3A_755, %broadcast_in_dim3A_757 in 0 : vector<1x21xf32>, vector<1x21xf32>, vector<1x21xf32>, vector<1x21xf32> -> vector<4x21xf32>
    %convert_element_type3A_759 = arith.fptosi %concatenate3A_758 : vector<4x21xf32> to vector<4x21xi32>
    %swap3A_760 = arith.constant 0 : index
    %swap3A_761 = arith.constant 0 : index
    %swap3A_762 = vector.load %arg17[%swap3A_760, %swap3A_761] : memref<4x21xi32, #tpu.memory_space<vmem>>, vector<4x21xi32>
    tpu.vector_store %arg17[%swap3A_760, %swap3A_761], %convert_element_type3A_759 {strides = array<i32>} : memref<4x21xi32, #tpu.memory_space<vmem>>, vector<4x21xi32>,
    %reduce_sum3A_763 = arith.constant dense<0.000000e+00> : vector<8xf32>
    %reduce_sum3A_764 = vector.multi_reduction <add>, %div3A_483, %reduce_sum3A_763 [0] : vector<784x8xf32> to vector<8xf32>
    %broadcast_in_dim3A_765 = vector.shape_cast %reduce_sum3A_764 : vector<8xf32> to vector<1x8xf32>
    %div3A_766 = arith.constant 7.840000e+02 : f32
    %div3A_767 = vector.broadcast %div3A_766 : f32 to vector<1x8xf32>
    %div3A_768 = arith.divf %broadcast_in_dim3A_765, %div3A_767 : vector<1x8xf32>
    %add3A_769 = arith.addf %select_n3A_520, %select_n3A_527 : vector<784x8xf32>
    %reduce_sum3A_770 = arith.constant dense<0.000000e+00> : vector<8xf32>
    %reduce_sum3A_771 = vector.multi_reduction <add>, %add3A_769, %reduce_sum3A_770 [0] : vector<784x8xf32> to vector<8xf32>
    %broadcast_in_dim3A_772 = vector.shape_cast %reduce_sum3A_771 : vector<8xf32> to vector<1x8xf32>
    %div3A_773 = arith.constant 7.840000e+02 : f32
    %div3A_774 = vector.broadcast %div3A_773 : f32 to vector<1x8xf32>
    %div3A_775 = arith.divf %broadcast_in_dim3A_772, %div3A_774 : vector<1x8xf32>
    %mul3A_776 = arith.mulf %div3A_768, %div3A_775 : vector<1x8xf32>
    %reduce_sum3A_777 = arith.constant dense<0.000000e+00> : vector<1xf32>
    %reduce_sum3A_778 = vector.multi_reduction <add>, %mul3A_776, %reduce_sum3A_777 [1] : vector<1x8xf32> to vector<1xf32>
    %broadcast_in_dim3A_779 = vector.shape_cast %reduce_sum3A_778 : vector<1xf32> to vector<1x1xf32>
    %mul3A_780 = arith.constant 8.000000e+00 : f32
    %mul3A_781 = vector.broadcast %mul3A_780 : f32 to vector<1x1xf32>
    %mul3A_782 = arith.mulf %mul3A_781, %broadcast_in_dim3A_779 : vector<1x1xf32>
    %get3A_783 = arith.constant 0 : index
    %get3A_784 = arith.constant 0 : index
    %get3A_785 = vector.load %arg1[%get3A_783, %get3A_784] : memref<8x64xf32, #tpu.memory_space<vmem>>, vector<8x64xf32>
    %mul3A_786 = arith.mulf %get3A_785, %get3A_785 : vector<8x64xf32>
    %reduce_sum3A_787 = arith.constant dense<0.000000e+00> : vector<8xf32>
    %reduce_sum3A_788 = vector.multi_reduction <add>, %mul3A_786, %reduce_sum3A_787 [1] : vector<8x64xf32> to vector<8xf32>
    %broadcast_in_dim3A_789 = vector.shape_cast %reduce_sum3A_788 : vector<8xf32> to vector<8x1xf32>
    %sqrt3A = math.sqrt %broadcast_in_dim3A_789 : vector<8x1xf32>
    %max3A = arith.constant 9.99999996E-13 : f32
    %max3A_790 = vector.broadcast %max3A : f32 to vector<8x1xf32>
    %max3A_791 = arith.maximumf %sqrt3A, %max3A_790 : vector<8x1xf32>
    %div3A_792 = vector.broadcast %max3A_791 : vector<8x1xf32> to vector<8x64xf32>
    %div3A_793 = arith.divf %get3A_785, %div3A_792 : vector<8x64xf32>
    %transpose3A_794 = tpu.transpose %div3A_793, [1, 0] : vector<8x64xf32> -> vector<64x8xf32>
    %dot_general3A_795 = arith.constant dense<0.000000e+00> : vector<8x8xf32>
    %dot_general3A_796 = tpu.matmul %div3A_793, %transpose3A_794, %dot_general3A_795 {dimension_numbers = #tpu.dot_dimension_numbers<[1], [0], [0], [1], [0, 0, 1, 1], [], []>, transpose_lhs_hint = false} : vector<8x64xf32>, vector<64x8xf32>, vector<8x8xf32> -> vector<8x8xf32>
    %iota3A_797 = tpu.iota {dimensions = array<i32: 0>} : vector<8x8xi32>
    %iota3A_798 = tpu.iota {dimensions = array<i32: 1>} : vector<8x8xi32>
    %eq3A_799 = arith.cmpi eq, %iota3A_797, %iota3A_798 : vector<8x8xi32>
    %jit3A_800 = arith.constant 1.000000e+00 : f32
    %jit3A_801 = arith.constant 0.000000e+00 : f32
    %broadcast_in_dim3A_802 = vector.broadcast %jit3A_800 : f32 to vector<8x8xf32>
    %broadcast_in_dim3A_803 = vector.broadcast %jit3A_801 : f32 to vector<8x8xf32>
    %select_n3A_804 = arith.select %eq3A_799, %broadcast_in_dim3A_802, %broadcast_in_dim3A_803 : vector<8x8xi1>, vector<8x8xf32>
    %sub3A_805 = arith.subf %dot_general3A_796, %select_n3A_804 : vector<8x8xf32>
    %mul3A_806 = arith.mulf %sub3A_805, %sub3A_805 : vector<8x8xf32>
    %reduce_sum3A_807 = arith.constant dense<0.000000e+00> : vector<8xf32>
    %reduce_sum3A_808 = vector.multi_reduction <add>, %mul3A_806, %reduce_sum3A_807 [1] : vector<8x8xf32> to vector<8xf32>
    %broadcast_in_dim3A_809 = vector.shape_cast %reduce_sum3A_808 : vector<8xf32> to vector<8x1xf32>
    %reduce_sum3A_810 = arith.constant dense<0.000000e+00> : vector<1xf32>
    %reduce_sum3A_811 = vector.multi_reduction <add>, %broadcast_in_dim3A_809, %reduce_sum3A_810 [0] : vector<8x1xf32> to vector<1xf32>
    %broadcast_in_dim3A_812 = vector.shape_cast %reduce_sum3A_811 : vector<1xf32> to vector<1x1xf32>
    %sqrt3A_813 = math.sqrt %broadcast_in_dim3A_812 : vector<1x1xf32>
    %mul3A_814 = arith.constant 5.000000e-01 : f32
    %mul3A_815 = vector.broadcast %mul3A_814 : f32 to vector<1x1xf32>
    %mul3A_816 = arith.mulf %mul3A_815, %sqrt3A_813 : vector<1x1xf32>
    %add3A_817 = arith.addf %mul3A_782, %mul3A_816 : vector<1x1xf32>
    %swap3A_818 = arith.constant 0 : index
    %swap3A_819 = arith.constant 0 : index
    %swap3A_820 = vector.load %arg18[%swap3A_818, %swap3A_819] : memref<1x1xf32, #tpu.memory_space<vmem>>, vector<1x1xf32>
    tpu.vector_store %arg18[%swap3A_818, %swap3A_819], %add3A_817 {strides = array<i32>} : memref<1x1xf32, #tpu.memory_space<vmem>>, vector<1x1xf32>,
    return
  }
}

module attributes {stable_mosaic.version = 14 : i64} {
  func.func @_moe_kernel(%arg0: i32, %arg1: memref<4x21xi32, #tpu.memory_space<smem>>, %arg2: memref<1x16xi32, #tpu.memory_space<smem>>, %arg3: memref<1568x384xf32, #tpu.memory_space<vmem>>, %arg4: memref<1568x1xf32, #tpu.memory_space<vmem>>, %arg5: memref<1x1536x384xbf16, #tpu.memory_space<vmem>>, %arg6: memref<1x1x1536xf32, #tpu.memory_space<vmem>>, %arg7: memref<1x384x1536xbf16, #tpu.memory_space<vmem>>, %arg8: memref<1x1x384xf32, #tpu.memory_space<vmem>>, %arg9: memref<1568x384xf32, #tpu.memory_space<vmem>>) attributes {dimension_semantics = [#tpu.dimension_semantics<arbitrary>], iteration_bounds = array<i64: 21>, scalar_prefetch = 2 : i64, scratch_operands = 0 : i64, tpu.core_type = #tpu.core_type<tc>, window_params = [{pipeline_mode = #tpu.pipeline_mode<synchronous>, transform_indices = @transform_0, window_bounds = array<i64: 1568, 384>}, {pipeline_mode = #tpu.pipeline_mode<synchronous>, transform_indices = @transform_1, window_bounds = array<i64: 1568, 1>}, {transform_indices = @transform_2, window_bounds = array<i64: 1, 1536, 384>}, {transform_indices = @transform_3, window_bounds = array<i64: 1, 1, 1536>}, {transform_indices = @transform_4, window_bounds = array<i64: 1, 384, 1536>}, {transform_indices = @transform_5, window_bounds = array<i64: 1, 1, 384>}, {pipeline_mode = #tpu.pipeline_mode<synchronous>, transform_indices = @transform_6, window_bounds = array<i64: 1568, 384>}]} {
    %get3A = arith.constant 0 : index
    %get3A_0 = arith.index_cast %arg0 : i32 to index
    %get3A_1 = memref.load %arg1[%get3A, %get3A_0] : memref<4x21xi32, #tpu.memory_space<smem>>
    %get3A_2 = arith.constant 1 : index
    %get3A_3 = arith.index_cast %arg0 : i32 to index
    %get3A_4 = memref.load %arg1[%get3A_2, %get3A_3] : memref<4x21xi32, #tpu.memory_space<smem>>
    %get3A_5 = arith.constant 2 : index
    %get3A_6 = arith.index_cast %arg0 : i32 to index
    %get3A_7 = memref.load %arg1[%get3A_5, %get3A_6] : memref<4x21xi32, #tpu.memory_space<smem>>
    %eq3A = arith.constant 0 : i32
    %eq3A_8 = arith.cmpi eq, %arg0, %eq3A : i32
    %convert_element_type3A = arith.extui %eq3A_8 : i1 to i32
    %cond3A = arith.constant 0 : i32
    %cond3A_9 = arith.cmpi ne, %convert_element_type3A, %cond3A : i32
    scf.if %cond3A_9 {
      %broadcast_in_dim3A = arith.constant 0.000000e+00 : f32
      %broadcast_in_dim3A_23 = vector.broadcast %broadcast_in_dim3A : f32 to vector<1568x384xf32>
      %swap3A = arith.constant 0 : index
      %swap3A_24 = arith.constant 0 : index
      %swap3A_25 = vector.load %arg9[%swap3A, %swap3A_24] : memref<1568x384xf32, #tpu.memory_space<vmem>>, vector<1568x384xf32>
      tpu.vector_store %arg9[%swap3A, %swap3A_24], %broadcast_in_dim3A_23 {strides = array<i32>} : memref<1568x384xf32, #tpu.memory_space<vmem>>, vector<1568x384xf32>,
    } else {
    }
    %get3A_10 = arith.constant 0 : index
    %get3A_11 = arith.index_cast %get3A_1 : i32 to index
    %get3A_12 = memref.load %arg2[%get3A_10, %get3A_11] : memref<1x16xi32, #tpu.memory_space<smem>>
    %add3A = arith.constant 1 : i32
    %add3A_13 = arith.addi %get3A_1, %add3A : i32
    %get3A_14 = arith.constant 0 : index
    %get3A_15 = arith.index_cast %add3A_13 : i32 to index
    %get3A_16 = memref.load %arg2[%get3A_14, %get3A_15] : memref<1x16xi32, #tpu.memory_space<smem>>
    %mul3A = arith.constant 112 : i32
    %mul3A_17 = arith.muli %get3A_4, %mul3A : i32
    %eq3A_18 = arith.constant 1 : i32
    %eq3A_19 = arith.cmpi eq, %get3A_7, %eq3A_18 : i32
    %convert_element_type3A_20 = arith.extui %eq3A_19 : i1 to i32
    %cond3A_21 = arith.constant 0 : i32
    %cond3A_22 = arith.cmpi ne, %convert_element_type3A_20, %cond3A_21 : i32
    scf.if %cond3A_22 {
      %get3A_23 = arith.index_cast %mul3A_17 : i32 to index
      %get3A_24 = arith.constant 0 : index
      %get3A_25 = vector.load %arg3[%get3A_23, %get3A_24] : memref<1568x384xf32, #tpu.memory_space<vmem>>, vector<112x384xf32>
      %convert_element_type3A_26 = arith.truncf %get3A_25 : vector<112x384xf32> to vector<112x384xbf16>
      %get3A_27 = arith.constant 0 : index
      %get3A_28 = arith.constant 0 : index
      %get3A_29 = arith.constant 0 : index
      %get3A_30 = vector.load %arg5[%get3A_27, %get3A_28, %get3A_29] : memref<1x1536x384xbf16, #tpu.memory_space<vmem>>, vector<1x1536x384xbf16>
      %get3A_31 = vector.shape_cast %get3A_30 : vector<1x1536x384xbf16> to vector<1536x384xbf16>
      %dot_general3A = arith.constant dense<0.000000e+00> : vector<112x1536xf32>
      %dot_general3A_32 = tpu.matmul %convert_element_type3A_26, %get3A_31, %dot_general3A {dimension_numbers = #tpu.dot_dimension_numbers<[1], [1], [0], [0], [0, 0, 1, 0], [], []>, transpose_lhs_hint = false} : vector<112x384xbf16>, vector<1536x384xbf16>, vector<112x1536xf32> -> vector<112x1536xf32>
      %get3A_33 = arith.constant 0 : index
      %get3A_34 = arith.constant 0 : index
      %get3A_35 = arith.constant 0 : index
      %get3A_36 = vector.load %arg6[%get3A_33, %get3A_34, %get3A_35] : memref<1x1x1536xf32, #tpu.memory_space<vmem>>, vector<1x1x1536xf32>
      %get3A_37 = vector.shape_cast %get3A_36 : vector<1x1x1536xf32> to vector<1x1536xf32>
      %add3A_38 = vector.broadcast %get3A_37 : vector<1x1536xf32> to vector<112x1536xf32>
      %add3A_39 = arith.addf %dot_general3A_32, %add3A_38 : vector<112x1536xf32>
      %mul3A_40 = arith.constant 4.471500e-02 : f32
      %mul3A_41 = vector.broadcast %mul3A_40 : f32 to vector<112x1536xf32>
      %mul3A_42 = arith.mulf %mul3A_41, %add3A_39 : vector<112x1536xf32>
      %mul3A_43 = arith.mulf %mul3A_42, %add3A_39 : vector<112x1536xf32>
      %mul3A_44 = arith.mulf %mul3A_43, %add3A_39 : vector<112x1536xf32>
      %add3A_45 = arith.addf %add3A_39, %mul3A_44 : vector<112x1536xf32>
      %mul3A_46 = arith.constant 0.797884583 : f32
      %mul3A_47 = vector.broadcast %mul3A_46 : f32 to vector<112x1536xf32>
      %mul3A_48 = arith.mulf %mul3A_47, %add3A_45 : vector<112x1536xf32>
      %tanh3A = math.tanh %mul3A_48 : vector<112x1536xf32>
      %mul3A_49 = arith.constant 5.000000e-01 : f32
      %mul3A_50 = vector.broadcast %mul3A_49 : f32 to vector<112x1536xf32>
      %mul3A_51 = arith.mulf %mul3A_50, %add3A_39 : vector<112x1536xf32>
      %add3A_52 = arith.constant 1.000000e+00 : f32
      %add3A_53 = vector.broadcast %add3A_52 : f32 to vector<112x1536xf32>
      %add3A_54 = arith.addf %add3A_53, %tanh3A : vector<112x1536xf32>
      %mul3A_55 = arith.mulf %mul3A_51, %add3A_54 : vector<112x1536xf32>
      %convert_element_type3A_56 = arith.truncf %mul3A_55 : vector<112x1536xf32> to vector<112x1536xbf16>
      %get3A_57 = arith.constant 0 : index
      %get3A_58 = arith.constant 0 : index
      %get3A_59 = arith.constant 0 : index
      %get3A_60 = vector.load %arg7[%get3A_57, %get3A_58, %get3A_59] : memref<1x384x1536xbf16, #tpu.memory_space<vmem>>, vector<1x384x1536xbf16>
      %get3A_61 = vector.shape_cast %get3A_60 : vector<1x384x1536xbf16> to vector<384x1536xbf16>
      %dot_general3A_62 = arith.constant dense<0.000000e+00> : vector<112x384xf32>
      %dot_general3A_63 = tpu.matmul %convert_element_type3A_56, %get3A_61, %dot_general3A_62 {dimension_numbers = #tpu.dot_dimension_numbers<[1], [1], [0], [0], [0, 0, 1, 0], [], []>, transpose_lhs_hint = false} : vector<112x1536xbf16>, vector<384x1536xbf16>, vector<112x384xf32> -> vector<112x384xf32>
      %get3A_64 = arith.constant 0 : index
      %get3A_65 = arith.constant 0 : index
      %get3A_66 = arith.constant 0 : index
      %get3A_67 = vector.load %arg8[%get3A_64, %get3A_65, %get3A_66] : memref<1x1x384xf32, #tpu.memory_space<vmem>>, vector<1x1x384xf32>
      %get3A_68 = vector.shape_cast %get3A_67 : vector<1x1x384xf32> to vector<1x384xf32>
      %add3A_69 = vector.broadcast %get3A_68 : vector<1x384xf32> to vector<112x384xf32>
      %add3A_70 = arith.addf %dot_general3A_63, %add3A_69 : vector<112x384xf32>
      %get3A_71 = arith.index_cast %mul3A_17 : i32 to index
      %get3A_72 = arith.constant 0 : index
      %get3A_73 = vector.load %arg4[%get3A_71, %get3A_72] : memref<1568x1xf32, #tpu.memory_space<vmem>>, vector<112x1xf32>
      %mul3A_74 = vector.broadcast %get3A_73 : vector<112x1xf32> to vector<112x384xf32>
      %mul3A_75 = arith.mulf %add3A_70, %mul3A_74 : vector<112x384xf32>
      %iota3A = tpu.iota {dimensions = array<i32: 0>} : vector<112x1xi32>
      %add3A_76 = vector.broadcast %mul3A_17 : i32 to vector<112x1xi32>
      %add3A_77 = arith.addi %iota3A, %add3A_76 : vector<112x1xi32>
      %ge3A = vector.broadcast %get3A_12 : i32 to vector<112x1xi32>
      %ge3A_78 = arith.cmpi sge, %add3A_77, %ge3A : vector<112x1xi32>
      %lt3A = vector.broadcast %get3A_16 : i32 to vector<112x1xi32>
      %lt3A_79 = arith.cmpi slt, %add3A_77, %lt3A : vector<112x1xi32>
      %and3A = arith.andi %ge3A_78, %lt3A_79 : vector<112x1xi1>
      %get3A_80 = arith.index_cast %mul3A_17 : i32 to index
      %get3A_81 = arith.constant 0 : index
      %get3A_82 = vector.load %arg9[%get3A_80, %get3A_81] : memref<1568x384xf32, #tpu.memory_space<vmem>>, vector<112x384xf32>
      %jit3A = arith.constant 0.000000e+00 : f32
      %broadcast_in_dim3A = vector.shape_cast %and3A : vector<112x1xi1> to vector<112x1xi1>
      %broadcast_in_dim3A_83 = vector.broadcast %broadcast_in_dim3A : vector<112x1xi1> to vector<112x384xi1>
      %broadcast_in_dim3A_84 = vector.broadcast %jit3A : f32 to vector<112x384xf32>
      %select_n3A = arith.select %broadcast_in_dim3A_83, %mul3A_75, %broadcast_in_dim3A_84 : vector<112x384xi1>, vector<112x384xf32>
      %add3A_85 = arith.addf %get3A_82, %select_n3A : vector<112x384xf32>
      %swap3A = arith.index_cast %mul3A_17 : i32 to index
      %swap3A_86 = arith.constant 0 : index
      %swap3A_87 = vector.load %arg9[%swap3A, %swap3A_86] : memref<1568x384xf32, #tpu.memory_space<vmem>>, vector<112x384xf32>
      tpu.vector_store %arg9[%swap3A, %swap3A_86], %add3A_85 {strides = array<i32>} : memref<1568x384xf32, #tpu.memory_space<vmem>>, vector<112x384xf32>,
    } else {
    }
    return
  }
  func.func @transform_0(%arg0: i32, %arg1: memref<4x21xi32, #tpu.memory_space<smem>>, %arg2: memref<1x16xi32, #tpu.memory_space<smem>>) -> (i32, i32) {
    %c0_i32 = arith.constant 0 : i32
    %c0_i32_0 = arith.constant 0 : i32
    %c0_i32_1 = arith.constant 0 : i32
    return %c0_i32, %c0_i32_0 : i32, i32
  }
  func.func @transform_1(%arg0: i32, %arg1: memref<4x21xi32, #tpu.memory_space<smem>>, %arg2: memref<1x16xi32, #tpu.memory_space<smem>>) -> (i32, i32) {
    %c0_i32 = arith.constant 0 : i32
    %c0_i32_0 = arith.constant 0 : i32
    %c0_i32_1 = arith.constant 0 : i32
    return %c0_i32, %c0_i32_0 : i32, i32
  }
  func.func @transform_2(%arg0: i32, %arg1: memref<4x21xi32, #tpu.memory_space<smem>>, %arg2: memref<1x16xi32, #tpu.memory_space<smem>>) -> (i32, i32, i32) {
    %get3A = arith.constant 0 : index
    %get3A_0 = arith.index_cast %arg0 : i32 to index
    %get3A_1 = memref.load %arg1[%get3A, %get3A_0] : memref<4x21xi32, #tpu.memory_space<smem>>
    %c0_i32 = arith.constant 0 : i32
    %c0_i32_2 = arith.constant 0 : i32
    %c0_i32_3 = arith.constant 0 : i32
    return %get3A_1, %c0_i32, %c0_i32_2 : i32, i32, i32
  }
  func.func @transform_3(%arg0: i32, %arg1: memref<4x21xi32, #tpu.memory_space<smem>>, %arg2: memref<1x16xi32, #tpu.memory_space<smem>>) -> (i32, i32, i32) {
    %get3A = arith.constant 0 : index
    %get3A_0 = arith.index_cast %arg0 : i32 to index
    %get3A_1 = memref.load %arg1[%get3A, %get3A_0] : memref<4x21xi32, #tpu.memory_space<smem>>
    %c0_i32 = arith.constant 0 : i32
    %c0_i32_2 = arith.constant 0 : i32
    %c0_i32_3 = arith.constant 0 : i32
    return %get3A_1, %c0_i32, %c0_i32_2 : i32, i32, i32
  }
  func.func @transform_4(%arg0: i32, %arg1: memref<4x21xi32, #tpu.memory_space<smem>>, %arg2: memref<1x16xi32, #tpu.memory_space<smem>>) -> (i32, i32, i32) {
    %get3A = arith.constant 0 : index
    %get3A_0 = arith.index_cast %arg0 : i32 to index
    %get3A_1 = memref.load %arg1[%get3A, %get3A_0] : memref<4x21xi32, #tpu.memory_space<smem>>
    %c0_i32 = arith.constant 0 : i32
    %c0_i32_2 = arith.constant 0 : i32
    %c0_i32_3 = arith.constant 0 : i32
    return %get3A_1, %c0_i32, %c0_i32_2 : i32, i32, i32
  }
  func.func @transform_5(%arg0: i32, %arg1: memref<4x21xi32, #tpu.memory_space<smem>>, %arg2: memref<1x16xi32, #tpu.memory_space<smem>>) -> (i32, i32, i32) {
    %get3A = arith.constant 0 : index
    %get3A_0 = arith.index_cast %arg0 : i32 to index
    %get3A_1 = memref.load %arg1[%get3A, %get3A_0] : memref<4x21xi32, #tpu.memory_space<smem>>
    %c0_i32 = arith.constant 0 : i32
    %c0_i32_2 = arith.constant 0 : i32
    %c0_i32_3 = arith.constant 0 : i32
    return %get3A_1, %c0_i32, %c0_i32_2 : i32, i32, i32
  }
  func.func @transform_6(%arg0: i32, %arg1: memref<4x21xi32, #tpu.memory_space<smem>>, %arg2: memref<1x16xi32, #tpu.memory_space<smem>>) -> (i32, i32) {
    %c0_i32 = arith.constant 0 : i32
    %c0_i32_0 = arith.constant 0 : i32
    %c0_i32_1 = arith.constant 0 : i32
    return %c0_i32, %c0_i32_0 : i32, i32
  }
}

</mosaic_0001>

<sc_bundles>
// kernel: kernel.6.cloned.1.call-start
scs
__scs_entry_jumppad:
0x0: {  	(pc) =	sbr.rel $0x88, $3  }
0x1: {  	(tag) =	ssettag $0x0;
	lr =	simm.s32 $0x1  }
0x2: {  	[smem:$0x3F91] =	sst lr;
	_ =	strace $0xD0000000  }
0x3: {  	_ = 	snop  }
0x4: {  	_ = 	snop  }
0x5: {  	_ = 	snop  }
0x6: {  	_ = 	snop  }
0x7: {  	_ = 	snop  }
__scs_overlays_trampoline_lowered:
0x8: {  	[smem:$0x3FA0] =	sst s0  }
0x9: {  	[smem:$0x3FA1] =	sst s1  }
0xa: {  	[smem:$0x3FA2] =	sst s2  }
0xb: {  	[smem:$0x3FA3] =	sst s3  }
0xc: {  	[smem:$0x3FA4] =	sst s4  }
0xd: {  	[smem:$0x3FA5] =	sst s5  }
0xe: {  	[smem:$0x3FA6] =	sst s6  }
0xf: {  	[smem:$0x3FA7] =	sst s7  }
0x10: {  	[smem:$0x3FA8] =	sst s8  }
0x11: {  	[smem:$0x3FA9] =	sst s9;
	s0 =	simm.s32 @!p0 $0x0  }
0x12: {  	s1 =	sld [smem:$0x3F8F];
	s0 =	simm.s32 @p0 $0x1  }
0x13: {  	[smem:$0x3FAA] =	sst s0;
	s0 =	simm.s32 @!p1 $0x0  }
0x14: {  	s2 =	sld [smem:$0x3F8E];
	s0 =	simm.s32 @p1 $0x1  }
0x15: {  	[smem:$0x3FAB] =	sst s0;
	s0 =	simm.s32 @!p2 $0x0  }
0x16: {  	s3 =	sld [smem:$0x3FDB];
	s0 =	simm.s32 @p2 $0x1  }
0x17: {  	s4 =	simm.s32 $0x1BF5;
	[smem:$0x3FAD] =	sst s0  }
0x18: {  	s0 =	sld [smem:$0x3F90];
	_ =	swait.ge [sflag:s4], $0x0  }
0x19: {  	s7 =	sld [smem:$0x3F91]  }
0x1a: {  	s8 =	sadd.s32 $0xFFFFE003, lr  }
0x1b: {  	s9 =	sadd.s32 $0xFFFFFEF7, lr;
	s5 =	simm.s32 $0xFFFFFFFF;
	p2 =	slt.u32 s8, $0xFFFFF086  }
0x1c: {  	p1 =	slt.u32 s9, $0xF7A;
	s5 =	simm.s32 @!p2 $0x0  }
0x1d: {  	s5 =	simm.s32 @p1 $0x1;
	p0 =	seq.s32 s7, s2  }
0x1e: {  	s7 =	smul.u32 @!p0 $0xF7A, s2;
	p2 =	seq.s32 @!p0 s5, $0x0  }
0x1f: {  	s9 =	smul.u32 $0xF7A, s1;
	s8 =	simm.s32 @!p0 $0x1BF5;
	p2 =	por !p2, p0  }
0x20: {  	[sflag:s8] =	ssyncset.s32 @!p0 $0xFFFFF086;
	s6 =	sadd.s32 @!p0 s3, s7;
	s7 =	simm.s32 @!p0 $0x108  }
0x21: {  	s3 =	sadd.s32 s3, s9;
	s6 =	sadd.s32 @!p0 $0x88, s6;
	s7 =	simm.s32 @p2 $0x1082  }
0x22: {  	[simem:s7], [sflag:s8] =	dma.local @!p0 [hbm:s6], $0xF7A  }
0x23: {  	s9 =	sor.u32 $0xD0000000, s2;
	s6 =	simm.s32 $0x108;
	_ =	swait.ge @!p0 [sflag:s8], $0x0  }
0x24: {  	s3 =	sadd.s32 $0x88, s3;
	s6 =	simm.s32 @!p1 $0x1082;
	[sflag:s4] =	ssyncset.s32 $0xFFFFF086  }
0x25: {  	[simem:s6], [sflag:s4] =	dma.local [hbm:s3], $0xF7A  }
0x26: {  	[smem:$0x3F91] =	sst s1;
	(tag) =	ssettag s2;
	_ =	strace s9  }
0x27: {  	s1 =	sld [smem:$0x3FA1]  }
0x28: {  	s2 =	sld [smem:$0x3FA2]  }
0x29: {  	s4 =	sld [smem:$0x3FA4]  }
0x2a: {  	p0 =	seq.s32 s5, $0x0;
	s5 =	sld [smem:$0x3FA5]  }
0x2b: {  	s6 =	sld [smem:$0x3FA6]  }
0x2c: {  	s7 =	sld [smem:$0x3FA7]  }
0x2d: {  	s3 =	simm.s32 $0x108;
	s8 =	sld [smem:$0x3FA8]  }
0x2e: {  	s3 =	simm.s32 @!p0 $0x1082;
	s9 =	sld [smem:$0x3FA9]  }
0x2f: {  	lr =	sadd.s32 s0, s3;
	s0 =	sld [smem:$0x3FA0]  }
0x30: {  	s3 =	sld [smem:$0x3FA3]  }
0x31: {  	[smem:$0x3FAC] =	sst s10  }
0x32: {  	s10 =	sld [smem:$0x3FAA];
	_ =	sdelay $0x3  }
0x33: {  	p0 =	seq.s32 s10, $0x1;
	s10 =	sld [smem:$0x3FAC];
	_ =	sdelay $0x3  }
0x34: {  	[smem:$0x3FAC] =	sst s10  }
0x35: {  	s10 =	sld [smem:$0x3FAB];
	_ =	sdelay $0x3  }
0x36: {  	p1 =	seq.s32 s10, $0x1;
	s10 =	sld [smem:$0x3FAC];
	_ =	sdelay $0x3  }
0x37: {  	[smem:$0x3FAC] =	sst s10  }
0x38: {  	s10 =	sld [smem:$0x3FAD]  }
0x39: {  	_ = 	snop;
	(pc) =	sbr.ind lr, $3  }
0x3a: {  	_ = 	snop  }
0x3b: {  	_ = 	snop  }
0x3c: {  	p2 =	seq.s32 s10, $0x1;
	s10 =	sld [smem:$0x3FAC]  }
0x3d: {  	_ =	shalt  }
0x3e: {  	_ =	shalt  }
0x3f: {  	_ =	shalt  }
0x40: {  	_ =	shalt  }
0x41: {  	_ =	shalt  }
0x42: {  	_ =	shalt  }
0x43: {  	_ =	shalt  }
0x44: {  	_ =	shalt  }
0x45: {  	_ =	shalt  }
0x46: {  	_ =	shalt  }
0x47: {  	_ =	shalt  }
0x48: {  	_ =	shalt  }
0x49: {  	_ =	shalt  }
0x4a: {  	_ =	shalt  }
0x4b: {  	_ =	shalt  }
0x4c: {  	_ =	shalt  }
0x4d: {  	_ =	shalt  }
0x4e: {  	_ =	shalt  }
0x4f: {  	_ =	shalt  }
0x50: {  	_ =	shalt  }
0x51: {  	_ =	shalt  }
0x52: {  	_ =	shalt  }
0x53: {  	_ =	shalt  }
0x54: {  	_ =	shalt  }
0x55: {  	_ =	shalt  }
0x56: {  	_ =	shalt  }
0x57: {  	_ =	shalt  }
0x58: {  	_ =	shalt  }
0x59: {  	_ =	shalt  }
0x5a: {  	_ =	shalt  }
0x5b: {  	_ =	shalt  }
0x5c: {  	_ =	shalt  }
0x5d: {  	_ =	shalt  }
0x5e: {  	_ =	shalt  }
0x5f: {  	_ =	shalt  }
0x60: {  	_ =	shalt  }
0x61: {  	_ =	shalt  }
0x62: {  	_ =	shalt  }
0x63: {  	_ =	shalt  }
0x64: {  	_ =	shalt  }
0x65: {  	_ =	shalt  }
0x66: {  	_ =	shalt  }
0x67: {  	_ =	shalt  }
0x68: {  	_ =	shalt  }
0x69: {  	_ =	shalt  }
0x6a: {  	_ =	shalt  }
0x6b: {  	_ =	shalt  }
0x6c: {  	_ =	shalt  }
0x6d: {  	_ =	shalt  }
0x6e: {  	_ =	shalt  }
0x6f: {  	_ =	shalt  }
0x70: {  	_ =	shalt  }
0x71: {  	_ =	shalt  }
0x72: {  	_ =	shalt  }
0x73: {  	_ =	shalt  }
0x74: {  	_ =	shalt  }
0x75: {  	_ =	shalt  }
0x76: {  	_ =	shalt  }
0x77: {  	_ =	shalt  }
0x78: {  	_ =	shalt  }
0x79: {  	_ =	shalt  }
0x7a: {  	_ =	shalt  }
0x7b: {  	_ =	shalt  }
0x7c: {  	_ =	shalt  }
0x7d: {  	_ =	shalt  }
0x7e: {  	_ =	shalt  }
0x7f: {  	_ =	shalt  }
0x80: {  	_ =	shalt  }
0x81: {  	_ =	shalt  }
0x82: {  	_ =	shalt  }
0x83: {  	_ =	shalt  }
0x84: {  	_ =	shalt  }
0x85: {  	_ =	shalt  }
0x86: {  	_ =	shalt  }
0x87: {  	_ =	shalt  }
.Lfunc_end0:
.L_simem_size_0:
called_computation_lowered:
.L_overlay_start_0:
0x88: {  	s2 =	sld [smem:$0x3FD9]  }
0x89: {  	s3 =	sld [smem:$0x3FFE];
	_ =	sdelay $0x1  }
0x8a: {  	s1 =	srdreg.scid  }
0x8b: {  	s0 =	sand.u32 $0x1, s1  }
0x8c: {  	s14 =	sshll.u32 s0, $0xA;
	s2 =	sadd.s32 s3, s2  }
0x8d: {  	s2 =	sadd.s32 s2, s14  }
0x8e: {  	[smem:$0x3FB8] =	sst s2  }
0x8f: {  	_ = 	snop  }
0x90: {  	s2 =	sld [smem:$0x3FD0];
	_ =	sdelay $0x2  }
0x91: {  	s15 =	simm.s32 $0xA;
	s4 =	simm.s32 $0x10  }
0x92: {  	[smem:s4], [sflag:s15] =	dma.local [hbm:s2], $0x1  }
0x93: {  	_ =	swait.eq [sflag:s15], $0x1  }
0x94: {  	[sflag:s15] =	ssyncset.done $0x0  }
0x95: {  	[sflag:s15] =	ssyncadd.s32 $0xFFFFFFFF  }
0x96: {  	s16 =	sld [smem:$0x10];
	(tm) =	ssettm $0x1  }
0x97: {  	s17 =	sld [smem:$0x3FFB];
	_ =	sdelay $0x3  }
0x98: {  	_ =	strace s17  }
0x99: {  	s3 =	sld [smem:$0x3FFC];
	_ =	sdelay $0x3  }
0x9a: {  	_ =	strace s3  }
0x9b: {  	s3 =	sld [smem:$0x3FFD];
	_ =	sdelay $0x3  }
0x9c: {  	_ =	strace s3  }
0x9d: {  	_ =	strace $0x8FFFFFFF  }
0x9e: {  	s18 =	sld [smem:$0x3FDB];
	_ =	sdelay $0x1  }
0x9f: {  	s19 =	simm.s32 $_scs_section_size  }
0xa0: {  	s5 =	simm.s32 $_size__tile_overlayer_lowered;
	s6 =	simm.s32 $_tile_overlayer_lowered  }
0xa1: {  	s22 =	simm.s32 $0x1BFF;
	s21 =	sshll.u32 s6, $0x1;
	s3 =	sadd.s32 s19, s18  }
0xa2: {  	s7 =	simm.s32 $0x0;
	s20 =	sshll.u32 s5, $0x1;
	s5 =	sadd.s32 s21, s3  }
0xa3: {  	[timem:s7], [sflag:s22] =	dma.local [hbm:s5], s20  }
0xa4: {  	_ =	swait.ge [sflag:s22], s20  }
0xa5: {  	s4 =	ssub.s32 $0x0, s20;
	[sflag:s22] =	ssyncset.done $0x0  }
0xa6: {  	[sflag:s22] =	ssyncadd.s32 s4;
	_ =	sdelay $0x1  }
0xa7: {  	s23 =	simm.s32 $0x1B8B  }
0xa8: {  	_ =	swait.ge [sflag:s23], $0x1  }
0xa9: {  	[sflag:s23] =	ssyncset.done $0x0  }
0xaa: {  	s25 =	simm.s32 $0x1B8E;
	s24 =	sld [smem:$0x3FFE];
	[sflag:s23] =	ssyncadd.s32 $0xFFFFFFFF  }
0xab: {  	s26 =	simm.s32 $execute0_lowered;
	[smem:$0x3FD2] =	sst s25  }
0xac: {  	s5 =	sshll.u32 s26, $0x1;
	_ =	strace $0x80000046;
	[dreg:$0x1] =	wrdreg $0xFFFFFFFF  }
0xad: {  	s28 =	simm.s32 $_size_execute0_lowered;
	s3 =	sadd.s32 s3, s5;
	[dreg:$0x0] =	wrdreg $0x0  }
0xae: {  	s5 =	sshll.u32 s28, $0x1;
	[dreg:$0x2] =	wrdreg s3  }
0xaf: {  	[dreg:$0x3] =	wrdreg s5  }
0xb0: {  	[dreg:$0x4] =	wrdreg $0xC0  }
0xb1: {  	_ =	task [dreg:s7], $0x5FFFF  }
0xb2: {  	[dreg:$0x1] =	wrdreg $0xFFFFFFFF  }
0xb3: {  	[dreg:$0x0] =	wrdreg $0x60  }
0xb4: {  	[dreg:$0x2] =	wrdreg s16  }
0xb5: {  	[dreg:$0x3] =	wrdreg s24  }
0xb6: {  	[dreg:$0x4] =	wrdreg $0x9  }
0xb7: {  	_ =	task.clear_ibuf [dreg:s7], $0x5FFFF;
	_ =	strace $0x90000046  }
0xb8: {  	s29 =	simm.s32 $0x9;
	_ =	strace $0x80000048  }
0xb9: {  	_ =	swait.ge [sflag:s29], $0x1  }
0xba: {  	[sflag:s29] =	ssyncadd.s32 $0xFFFFFFFF  }
0xbb: {  	_ =	strace $0x90000048  }
0xbc: {  	_ =	sfence  }
0xbd: {  	s30 =	sld [smem:$0x0];
	_ =	sdelay $0x2  }
0xbe: {  	s31 =	sshll.u32 s1, $0xD;
	s1 =	sshrl.u32 s1, $0x2  }
0xbf: {  	s3 =	sand.u32 $0x4000, s31;
	s1 =	sadd.s32 s1, s30  }
0xc0: {  	s0 =	sor.u32 s3, s0;
	s1 =	sshll.u32 s1, $0x11  }
0xc1: {  	s0 =	sor.u32 s1, s0  }
0xc2: {  	s0 =	sadd.s32 $0x8F2B, s0  }
0xc3: {  	[sflag:s0] =	ssyncadd.remote.s32 $0x1  }
0xc4: {  	_ =	sfence.sel $0xFFFF  }
0xc5: {  	[dreg:$0x0] =	wrdreg $0xFFFFFFFF;
	(pc) =	sbr.abs _section_cstart, $3  }
0xc6: {  	[dreg:$0x1] =	wrdreg $0xFFFFFFFF  }
0xc7: {  	_ =	task.clear_ibuf [dreg:s7], $0x2FFFF;
	_ =	strace $0x9FFFFFFF  }
0xc8: {  	(tm) =	ssettm $0x7FFFFFFF  }
0xc9: {  	_ =	shalt  }
tec
execute0_lowered:
.L_overlay_start_1:
0x0: {  	(tag) =	ssettag $0x1  }
0x1: {  	s1 =	srdreg.scid;
	s2 =	rddreg [dreg:$0x0]  }
0x2: {  	s0 =	stileid.u32;
	s5 =	rddreg [dreg:$0x1];
	s3 =	simm.s32 $0x0  }
0x3: {  	s9 =	simm.s32 $0x80;
	s10 =	simm.s32 $0x880;
	s11 =	simm.s32 $0xC80  }
0x4: {  	s12 =	simm.s32 $0x1480;
	s13 =	simm.s32 $0x1880;
	s14 =	simm.s32 $0x2080  }
0x5: {  	s15 =	simm.s32 $0x2480;
	s16 =	simm.s32 $0x2C80;
	s17 =	simm.s32 $0x3080  }
0x6: {  	s18 =	simm.s32 $0x3880;
	s19 =	simm.s32 $0x3C80;
	s20 =	simm.s32 $0x4480  }
0x7: {  	s21 =	simm.s32 $0x4880;
	s4 =	sand.u32 $0x1, s1;
	s30 =	sshll.u32 s0, $0x1  }
0x8: {  	s22 =	simm.s32 $0x5080;
	s23 =	simm.s32 $0x1;
	s6 =	sor.u32 s4, s30  }
0x9: {  	s1 =	rddreg [dreg:$0x2];
	s4 =	ssub.s32 $0x2, s4;
	s7 =	smul.u32 $0x7, s6  }
0xa: {  	[smem:$0x7FF] =	sst s3;
	s6 =	smul.u32 $0xA80, s6;
	s31 =	sshrl.u32 s4, $0x1  }
0xb: {  	v2 =	vlaneseq.u32;
	_ =	strace $0x80000047;
	s8 =	ssub.s32 s4, s31;
	s7 =	sadd.s32 s7, s5  }
0xc: {  	vm0 =	vmmov $0xffff;
	vm1 =	vmmov $0xff;
	v1 =	vshrl.u32 v2, $0x3;
	s6 =	sadd.s32 s6, s5;
	s5 =	sadd.s32 $0x100, s2;
	s4 =	sadd.s32 $0x1E00, s7  }
0xd: {  	v0 =	vand.u32 $0x7, v2;
	v2 =	vor.u32 $0x8, v2;
	v1 =	vmul.u32 $0x8, v1;
	s6 =	sadd.s32 $0x2000, s6;
	s7 =	smax.u32 s8, $0x1;
	s8 =	simm.s32 $0x2  }
.LBB2_1:
0xe: {  	[tilespmem:s3], [sflag:$0x2] =	stream.linear.gather [hbm4b:s4+s3], $0x38, $0x38;
	[tilespmem:$0x5480] =	vst v63  }
0xf: {  	_ =	swait.ge [sflag:s8], $0x38  }
0x10: {  	[sflag:s8] =	ssyncset.done $0x0  }
0x11: {  	[sflag:s8] =	ssyncadd.s32 $0xFFFFFFC8  }
0x12: {  	v3 =	vld [tilespmem:$0x0];
	_ =	sdelay $0x4  }
0x13: {  	v4 =	vshrl.u32 v3, $0x3  }
0x14: {  	v4 =	vmul.u32 $0x18, v4  }
0x15: {  	v3 =	vand.u32 $0x7, v3  }
0x16: {  	v3 =	vor.u32 v3, v4  }
0x17: {  	v4 =	vperm.xlane v3, v0;
	_ =	sdelay $0x1  }
0x18: {  	v4 =	vadd.s32 v1, v4;
	_ =	sdelay $0x1  }
0x19: {  	v3 =	vperm.xlane v3, v2;
	_ =	sdelay $0x1  }
0x1a: {  	v3 =	vadd.s32 v1, v3  }
0x1b: {  	[tilespmem:s9], [sflag:$0x1] =	stream.indirect_vreg.gather [hbm4b:s2+s3], $0x80, v4, vm0, $0xb8;
	[tilespmem:$0x5480] =	vst v63  }
0x1c: {  	_ = 	snop  }
0x1d: {  	[tilespmem:s10], [sflag:$0x1] =	stream.indirect_vreg.gather [hbm4b:s5+s3], $0x80, v4, vm1, $0xb8;
	[tilespmem:$0x5480] =	vst v63  }
0x1e: {  	_ = 	snop  }
0x1f: {  	[tilespmem:s11], [sflag:$0x1] =	stream.indirect_vreg.gather [hbm4b:s2+s3], $0x80, v3, vm0, $0xb8;
	[tilespmem:$0x5480] =	vst v63  }
0x20: {  	_ = 	snop  }
0x21: {  	[tilespmem:s12], [sflag:$0x1] =	stream.indirect_vreg.gather [hbm4b:s5+s3], $0x80, v3, vm1, $0xb8;
	[tilespmem:$0x5480] =	vst v63  }
0x22: {  	v3 =	vld [tilespmem:$0x10];
	_ =	sdelay $0x4  }
0x23: {  	v61 =	vshrl.u32 v3, $0x3  }
0x24: {  	v4 =	vmul.u32 $0x18, v61  }
0x25: {  	v3 =	vand.u32 $0x7, v3  }
0x26: {  	v3 =	vor.u32 v3, v4  }
0x27: {  	v4 =	vperm.xlane v3, v0;
	_ =	sdelay $0x1  }
0x28: {  	v4 =	vadd.s32 v1, v4;
	_ =	sdelay $0x1  }
0x29: {  	v3 =	vperm.xlane v3, v2;
	_ =	sdelay $0x1  }
0x2a: {  	v3 =	vadd.s32 v1, v3  }
0x2b: {  	[tilespmem:s13], [sflag:$0x1] =	stream.indirect_vreg.gather [hbm4b:s2+s3], $0x80, v4, vm0, $0xb8;
	[tilespmem:$0x5480] =	vst v63  }
0x2c: {  	_ = 	snop  }
0x2d: {  	[tilespmem:s14], [sflag:$0x1] =	stream.indirect_vreg.gather [hbm4b:s5+s3], $0x80, v4, vm1, $0xb8;
	[tilespmem:$0x5480] =	vst v63  }
0x2e: {  	_ = 	snop  }
0x2f: {  	[tilespmem:s15], [sflag:$0x1] =	stream.indirect_vreg.gather [hbm4b:s2+s3], $0x80, v3, vm0, $0xb8;
	[tilespmem:$0x5480] =	vst v63  }
0x30: {  	_ = 	snop  }
0x31: {  	[tilespmem:s16], [sflag:$0x1] =	stream.indirect_vreg.gather [hbm4b:s5+s3], $0x80, v3, vm1, $0xb8;
	[tilespmem:$0x5480] =	vst v63  }
0x32: {  	v3 =	vld [tilespmem:$0x20];
	_ =	sdelay $0x4  }
0x33: {  	v62 =	vshrl.u32 v3, $0x3  }
0x34: {  	v4 =	vmul.u32 $0x18, v62  }
0x35: {  	v3 =	vand.u32 $0x7, v3  }
0x36: {  	v3 =	vor.u32 v3, v4  }
0x37: {  	v4 =	vperm.xlane v3, v0;
	_ =	sdelay $0x1  }
0x38: {  	v4 =	vadd.s32 v1, v4;
	_ =	sdelay $0x1  }
0x39: {  	v3 =	vperm.xlane v3, v2;
	_ =	sdelay $0x1  }
0x3a: {  	v3 =	vadd.s32 v1, v3  }
0x3b: {  	[tilespmem:s17], [sflag:$0x1] =	stream.indirect_vreg.gather [hbm4b:s2+s3], $0x80, v4, vm0, $0xb8;
	[tilespmem:$0x5480] =	vst v63  }
0x3c: {  	_ = 	snop  }
0x3d: {  	[tilespmem:s18], [sflag:$0x1] =	stream.indirect_vreg.gather [hbm4b:s5+s3], $0x80, v4, vm1, $0xb8;
	[tilespmem:$0x5480] =	vst v63  }
0x3e: {  	_ = 	snop  }
0x3f: {  	[tilespmem:s19], [sflag:$0x1] =	stream.indirect_vreg.gather [hbm4b:s2+s3], $0x80, v3, vm0, $0xb8;
	[tilespmem:$0x5480] =	vst v63  }
0x40: {  	_ = 	snop  }
0x41: {  	[tilespmem:s20], [sflag:$0x1] =	stream.indirect_vreg.gather [hbm4b:s5+s3], $0x80, v3, vm1, $0xb8;
	[tilespmem:$0x5480] =	vst v63  }
0x42: {  	v3 =	vld.msk [tilespmem:$0x30], $0xff;
	_ =	sdelay $0x4  }
0x43: {  	v63 =	vshrl.u32 v3, $0x3  }
0x44: {  	v4 =	vmul.u32 $0x18, v63  }
0x45: {  	v3 =	vand.u32 $0x7, v3  }
0x46: {  	v3 =	vor.u32 v3, v4  }
0x47: {  	v3 =	vperm.xlane v3, v0;
	_ =	sdelay $0x1  }
0x48: {  	v3 =	vadd.s32 v1, v3;
	_ =	sdelay $0x4  }
0x49: {  	[tilespmem:s21], [sflag:$0x1] =	stream.indirect_vreg.gather [hbm4b:s2+s3], $0x80, v3, vm0, $0xb8;
	[tilespmem:$0x5480] =	vst v63  }
0x4a: {  	_ = 	snop  }
0x4b: {  	[tilespmem:s22], [sflag:$0x1] =	stream.indirect_vreg.gather [hbm4b:s5+s3], $0x80, v3, vm1, $0xb8;
	[tilespmem:$0x5480] =	vst v63  }
0x4c: {  	_ =	swait.ge [sflag:s23], $0x5400  }
0x4d: {  	p0 =	sne.s32 s7, $0x1;
	[sflag:s23] =	ssyncset.done $0x0  }
.Ltmp0:
0x4e: {  	[sflag:s23] =	ssyncadd.s32 $0xFFFFAC00;
	(pc) =	sbr.rel @p0 .LBB2_1-.Ltmp0, $4  }
0x4f: {  	[hbm4b:s6+s3] =	stream.linear.scatter [tilespmem:s9], [sflag:$0x2], $0x5400, $0x38;
	[tilespmem:$0x5480] =	vst v63  }
0x50: {  	_ =	swait.ge [sflag:s8], $0x5400  }
0x51: {  	[sflag:s8] =	ssyncset.done $0x0  }
0x52: {  	s7 =	sadd.s32 $0xFFFFFFFF, s7;
	[sflag:s8] =	ssyncadd.s32 $0xFFFFAC00  }
0x53: {  	_ =	sfence.sel $0x180000  }
0x54: {  	[bflag:$0x0] =	sbarrier.arrive $0xFFFF  }
0x55: {  	p0 =	sne.s32 s0, $0x0;
	_ =	strace $0x90000047  }
0x56: {  	s0 =	sadd.s32 @!p0 $0x100000, s1;
	[bflag:$0x2] =	sbarrier.arrive $0xFFFF  }
0x57: {  	[sflag:s0] =	ssyncadd.tile.s32 @!p0 $0x1;
	_ =	shalt  }
.Lfunc_end2:
_tile_overlayer_lowered:
.L_overlay_start_2:
0x58: {  	(tag) =	ssettag $0x2  }
0x59: {  	s0 =	rddreg [dreg:$0x0];
	s2 =	stileid.u32  }
0x5a: {  	s1 =	rddreg [dreg:$0x1];
	p0 =	sne.s32 s2, $0x0  }
0x5b: {  	s3 =	rddreg [dreg:$0x2];
	[bflag:$0x3] =	sbarrier.arrive $0xFFFF;
	s2 =	simm.s32 @!p0 $0x1C02  }
0x5c: {  	[timem:s3], [sflag:s2] =	dma.local @!p0 [hbm:s0], s1  }
0x5d: {  	s0 =	simm.s32 @!p0 $0x2  }
0x5e: {  	_ =	swait.ge @!p0 [sflag:s0], s1  }
0x5f: {  	s1 =	ssub.s32 @!p0 $0x0, s1;
	[sflag:s0] =	ssyncset.done @!p0 $0x0  }
0x60: {  	[sflag:s0] =	ssyncadd.s32 @!p0 s1  }
0x61: {  	[bflag:$0x3] =	sbarrier.arrive $0xFFFF  }
0x62: {  	_ =	shalt  }

// kernel: kernel.9.cloned.1.call-start
scs
__scs_entry_jumppad:
0x0: {  	(pc) =	sbr.rel $0x88, $3  }
0x1: {  	(tag) =	ssettag $0x0;
	lr =	simm.s32 $0x1  }
0x2: {  	[smem:$0x3F91] =	sst lr;
	_ =	strace $0xD0000000  }
0x3: {  	_ = 	snop  }
0x4: {  	_ = 	snop  }
0x5: {  	_ = 	snop  }
0x6: {  	_ = 	snop  }
0x7: {  	_ = 	snop  }
__scs_overlays_trampoline_lowered:
0x8: {  	[smem:$0x3FA0] =	sst s0  }
0x9: {  	[smem:$0x3FA1] =	sst s1  }
0xa: {  	[smem:$0x3FA2] =	sst s2  }
0xb: {  	[smem:$0x3FA3] =	sst s3  }
0xc: {  	[smem:$0x3FA4] =	sst s4  }
0xd: {  	[smem:$0x3FA5] =	sst s5  }
0xe: {  	[smem:$0x3FA6] =	sst s6  }
0xf: {  	[smem:$0x3FA7] =	sst s7  }
0x10: {  	[smem:$0x3FA8] =	sst s8  }
0x11: {  	[smem:$0x3FA9] =	sst s9;
	s0 =	simm.s32 @!p0 $0x0  }
0x12: {  	s1 =	sld [smem:$0x3F8F];
	s0 =	simm.s32 @p0 $0x1  }
0x13: {  	[smem:$0x3FAA] =	sst s0;
	s0 =	simm.s32 @!p1 $0x0  }
0x14: {  	s2 =	sld [smem:$0x3F8E];
	s0 =	simm.s32 @p1 $0x1  }
0x15: {  	[smem:$0x3FAB] =	sst s0;
	s0 =	simm.s32 @!p2 $0x0  }
0x16: {  	s3 =	sld [smem:$0x3FDB];
	s0 =	simm.s32 @p2 $0x1  }
0x17: {  	s4 =	simm.s32 $0x1BF5;
	[smem:$0x3FAD] =	sst s0  }
0x18: {  	s0 =	sld [smem:$0x3F90];
	_ =	swait.ge [sflag:s4], $0x0  }
0x19: {  	s7 =	sld [smem:$0x3F91]  }
0x1a: {  	s8 =	sadd.s32 $0xFFFFE003, lr  }
0x1b: {  	s9 =	sadd.s32 $0xFFFFFEF7, lr;
	s5 =	simm.s32 $0xFFFFFFFF;
	p2 =	slt.u32 s8, $0xFFFFF086  }
0x1c: {  	p1 =	slt.u32 s9, $0xF7A;
	s5 =	simm.s32 @!p2 $0x0  }
0x1d: {  	s5 =	simm.s32 @p1 $0x1;
	p0 =	seq.s32 s7, s2  }
0x1e: {  	s7 =	smul.u32 @!p0 $0xF7A, s2;
	p2 =	seq.s32 @!p0 s5, $0x0  }
0x1f: {  	s9 =	smul.u32 $0xF7A, s1;
	s8 =	simm.s32 @!p0 $0x1BF5;
	p2 =	por !p2, p0  }
0x20: {  	[sflag:s8] =	ssyncset.s32 @!p0 $0xFFFFF086;
	s6 =	sadd.s32 @!p0 s3, s7;
	s7 =	simm.s32 @!p0 $0x108  }
0x21: {  	s3 =	sadd.s32 s3, s9;
	s6 =	sadd.s32 @!p0 $0x88, s6;
	s7 =	simm.s32 @p2 $0x1082  }
0x22: {  	[simem:s7], [sflag:s8] =	dma.local @!p0 [hbm:s6], $0xF7A  }
0x23: {  	s9 =	sor.u32 $0xD0000000, s2;
	s6 =	simm.s32 $0x108;
	_ =	swait.ge @!p0 [sflag:s8], $0x0  }
0x24: {  	s3 =	sadd.s32 $0x88, s3;
	s6 =	simm.s32 @!p1 $0x1082;
	[sflag:s4] =	ssyncset.s32 $0xFFFFF086  }
0x25: {  	[simem:s6], [sflag:s4] =	dma.local [hbm:s3], $0xF7A  }
0x26: {  	[smem:$0x3F91] =	sst s1;
	(tag) =	ssettag s2;
	_ =	strace s9  }
0x27: {  	s1 =	sld [smem:$0x3FA1]  }
0x28: {  	s2 =	sld [smem:$0x3FA2]  }
0x29: {  	s4 =	sld [smem:$0x3FA4]  }
0x2a: {  	p0 =	seq.s32 s5, $0x0;
	s5 =	sld [smem:$0x3FA5]  }
0x2b: {  	s6 =	sld [smem:$0x3FA6]  }
0x2c: {  	s7 =	sld [smem:$0x3FA7]  }
0x2d: {  	s3 =	simm.s32 $0x108;
	s8 =	sld [smem:$0x3FA8]  }
0x2e: {  	s3 =	simm.s32 @!p0 $0x1082;
	s9 =	sld [smem:$0x3FA9]  }
0x2f: {  	lr =	sadd.s32 s0, s3;
	s0 =	sld [smem:$0x3FA0]  }
0x30: {  	s3 =	sld [smem:$0x3FA3]  }
0x31: {  	[smem:$0x3FAC] =	sst s10  }
0x32: {  	s10 =	sld [smem:$0x3FAA];
	_ =	sdelay $0x3  }
0x33: {  	p0 =	seq.s32 s10, $0x1;
	s10 =	sld [smem:$0x3FAC];
	_ =	sdelay $0x3  }
0x34: {  	[smem:$0x3FAC] =	sst s10  }
0x35: {  	s10 =	sld [smem:$0x3FAB];
	_ =	sdelay $0x3  }
0x36: {  	p1 =	seq.s32 s10, $0x1;
	s10 =	sld [smem:$0x3FAC];
	_ =	sdelay $0x3  }
0x37: {  	[smem:$0x3FAC] =	sst s10  }
0x38: {  	s10 =	sld [smem:$0x3FAD]  }
0x39: {  	_ = 	snop;
	(pc) =	sbr.ind lr, $3  }
0x3a: {  	_ = 	snop  }
0x3b: {  	_ = 	snop  }
0x3c: {  	p2 =	seq.s32 s10, $0x1;
	s10 =	sld [smem:$0x3FAC]  }
0x3d: {  	_ =	shalt  }
0x3e: {  	_ =	shalt  }
0x3f: {  	_ =	shalt  }
0x40: {  	_ =	shalt  }
0x41: {  	_ =	shalt  }
0x42: {  	_ =	shalt  }
0x43: {  	_ =	shalt  }
0x44: {  	_ =	shalt  }
0x45: {  	_ =	shalt  }
0x46: {  	_ =	shalt  }
0x47: {  	_ =	shalt  }
0x48: {  	_ =	shalt  }
0x49: {  	_ =	shalt  }
0x4a: {  	_ =	shalt  }
0x4b: {  	_ =	shalt  }
0x4c: {  	_ =	shalt  }
0x4d: {  	_ =	shalt  }
0x4e: {  	_ =	shalt  }
0x4f: {  	_ =	shalt  }
0x50: {  	_ =	shalt  }
0x51: {  	_ =	shalt  }
0x52: {  	_ =	shalt  }
0x53: {  	_ =	shalt  }
0x54: {  	_ =	shalt  }
0x55: {  	_ =	shalt  }
0x56: {  	_ =	shalt  }
0x57: {  	_ =	shalt  }
0x58: {  	_ =	shalt  }
0x59: {  	_ =	shalt  }
0x5a: {  	_ =	shalt  }
0x5b: {  	_ =	shalt  }
0x5c: {  	_ =	shalt  }
0x5d: {  	_ =	shalt  }
0x5e: {  	_ =	shalt  }
0x5f: {  	_ =	shalt  }
0x60: {  	_ =	shalt  }
0x61: {  	_ =	shalt  }
0x62: {  	_ =	shalt  }
0x63: {  	_ =	shalt  }
0x64: {  	_ =	shalt  }
0x65: {  	_ =	shalt  }
0x66: {  	_ =	shalt  }
0x67: {  	_ =	shalt  }
0x68: {  	_ =	shalt  }
0x69: {  	_ =	shalt  }
0x6a: {  	_ =	shalt  }
0x6b: {  	_ =	shalt  }
0x6c: {  	_ =	shalt  }
0x6d: {  	_ =	shalt  }
0x6e: {  	_ =	shalt  }
0x6f: {  	_ =	shalt  }
0x70: {  	_ =	shalt  }
0x71: {  	_ =	shalt  }
0x72: {  	_ =	shalt  }
0x73: {  	_ =	shalt  }
0x74: {  	_ =	shalt  }
0x75: {  	_ =	shalt  }
0x76: {  	_ =	shalt  }
0x77: {  	_ =	shalt  }
0x78: {  	_ =	shalt  }
0x79: {  	_ =	shalt  }
0x7a: {  	_ =	shalt  }
0x7b: {  	_ =	shalt  }
0x7c: {  	_ =	shalt  }
0x7d: {  	_ =	shalt  }
0x7e: {  	_ =	shalt  }
0x7f: {  	_ =	shalt  }
0x80: {  	_ =	shalt  }
0x81: {  	_ =	shalt  }
0x82: {  	_ =	shalt  }
0x83: {  	_ =	shalt  }
0x84: {  	_ =	shalt  }
0x85: {  	_ =	shalt  }
0x86: {  	_ =	shalt  }
0x87: {  	_ =	shalt  }
.Lfunc_end0:
.L_simem_size_0:
called_computation.1_lowered:
.L_overlay_start_0:
0x88: {  	s2 =	sld [smem:$0x3FD9]  }
0x89: {  	s3 =	sld [smem:$0x3FFE];
	_ =	sdelay $0x1  }
0x8a: {  	s1 =	srdreg.scid  }
0x8b: {  	s0 =	sand.u32 $0x1, s1  }
0x8c: {  	s16 =	sshll.u32 s0, $0xA;
	s2 =	sadd.s32 s3, s2  }
0x8d: {  	s2 =	sadd.s32 s2, s16  }
0x8e: {  	[smem:$0x3FB8] =	sst s2  }
0x8f: {  	_ = 	snop  }
0x90: {  	(tm) =	ssettm $0x1  }
0x91: {  	s17 =	sld [smem:$0x3FFB];
	_ =	sdelay $0x3  }
0x92: {  	_ =	strace s17  }
0x93: {  	s2 =	sld [smem:$0x3FFC];
	_ =	sdelay $0x3  }
0x94: {  	_ =	strace s2  }
0x95: {  	s2 =	sld [smem:$0x3FFD];
	_ =	sdelay $0x3  }
0x96: {  	_ =	strace s2  }
0x97: {  	_ =	strace $0x8FFFFFFF  }
0x98: {  	s18 =	sld [smem:$0x3FDB];
	_ =	sdelay $0x1  }
0x99: {  	s19 =	simm.s32 $_scs_section_size  }
0x9a: {  	s4 =	simm.s32 $_size__tile_overlayer_lowered;
	s5 =	simm.s32 $_tile_overlayer_lowered  }
0x9b: {  	s22 =	simm.s32 $0x1BFF;
	s21 =	sshll.u32 s5, $0x1;
	s2 =	sadd.s32 s19, s18  }
0x9c: {  	s6 =	simm.s32 $0x0;
	s20 =	sshll.u32 s4, $0x1;
	s4 =	sadd.s32 s21, s2  }
0x9d: {  	[timem:s6], [sflag:s22] =	dma.local [hbm:s4], s20  }
0x9e: {  	_ =	swait.ge [sflag:s22], s20  }
0x9f: {  	s3 =	ssub.s32 $0x0, s20;
	[sflag:s22] =	ssyncset.done $0x0  }
0xa0: {  	[sflag:s22] =	ssyncadd.s32 s3;
	_ =	sdelay $0x1  }
0xa1: {  	s23 =	simm.s32 $0x1B8B  }
0xa2: {  	_ =	swait.ge [sflag:s23], $0x1  }
0xa3: {  	[sflag:s23] =	ssyncset.done $0x0  }
0xa4: {  	s25 =	simm.s32 $0x1B8E;
	s24 =	sld [smem:$0x3FFE];
	[sflag:s23] =	ssyncadd.s32 $0xFFFFFFFF  }
0xa5: {  	s26 =	simm.s32 $execute0_lowered;
	[smem:$0x3FD2] =	sst s25  }
0xa6: {  	s4 =	sshll.u32 s26, $0x1;
	_ =	strace $0x80000049;
	[dreg:$0x1] =	wrdreg $0xFFFFFFFF  }
0xa7: {  	s28 =	simm.s32 $_size_execute0_lowered;
	s2 =	sadd.s32 s2, s4;
	[dreg:$0x0] =	wrdreg $0x0  }
0xa8: {  	s4 =	sshll.u32 s28, $0x1;
	[dreg:$0x2] =	wrdreg s2  }
0xa9: {  	[dreg:$0x3] =	wrdreg s4  }
0xaa: {  	[dreg:$0x4] =	wrdreg $0xC0  }
0xab: {  	_ =	task [dreg:s6], $0x5FFFF  }
0xac: {  	[dreg:$0x1] =	wrdreg $0xFFFFFFFF  }
0xad: {  	[dreg:$0x0] =	wrdreg $0x60  }
0xae: {  	[dreg:$0x2] =	wrdreg s24  }
0xaf: {  	[dreg:$0x3] =	wrdreg $0x9  }
0xb0: {  	_ =	task.clear_ibuf [dreg:s6], $0x4FFFF;
	_ =	strace $0x90000049  }
0xb1: {  	s29 =	simm.s32 $0x9;
	_ =	strace $0x8000004B  }
0xb2: {  	_ =	swait.ge [sflag:s29], $0x1  }
0xb3: {  	[sflag:s29] =	ssyncadd.s32 $0xFFFFFFFF  }
0xb4: {  	_ =	strace $0x9000004B  }
0xb5: {  	_ =	sfence  }
0xb6: {  	s30 =	sld [smem:$0x0];
	_ =	sdelay $0x2  }
0xb7: {  	s31 =	sshll.u32 s1, $0xD;
	s1 =	sshrl.u32 s1, $0x2  }
0xb8: {  	s3 =	sand.u32 $0x4000, s31;
	s1 =	sadd.s32 s1, s30  }
0xb9: {  	s0 =	sor.u32 s3, s0;
	s1 =	sshll.u32 s1, $0x11  }
0xba: {  	s0 =	sor.u32 s1, s0  }
0xbb: {  	s0 =	sadd.s32 $0x8F2B, s0  }
0xbc: {  	[sflag:s0] =	ssyncadd.remote.s32 $0x1  }
0xbd: {  	_ =	sfence.sel $0xFFFF  }
0xbe: {  	[dreg:$0x0] =	wrdreg $0xFFFFFFFF;
	(pc) =	sbr.abs _section_cstart, $3  }
0xbf: {  	[dreg:$0x1] =	wrdreg $0xFFFFFFFF  }
0xc0: {  	_ =	task.clear_ibuf [dreg:s6], $0x2FFFF;
	_ =	strace $0x9FFFFFFF  }
0xc1: {  	(tm) =	ssettm $0x7FFFFFFF  }
tec
execute0_lowered:
.L_overlay_start_1:
0x0: {  	(tag) =	ssettag $0x1  }
0x1: {  	s0 =	srdreg.scid;
	s2 =	stileid.u32  }
0x2: {  	s1 =	rddreg [dreg:$0x0];
	s10 =	simm.s32 $0x2;
	s12 =	simm.s32 $0x6100  }
0x3: {  	s15 =	simm.s32 $0xD00;
	s16 =	simm.s32 $0x1500;
	s17 =	simm.s32 $0x1900  }
0x4: {  	s18 =	simm.s32 $0x2100;
	s19 =	simm.s32 $0x2500;
	s20 =	simm.s32 $0x2D00  }
0x5: {  	s21 =	simm.s32 $0x1;
	s22 =	simm.s32 $0x3100;
	s23 =	simm.s32 $0x3900  }
0x6: {  	s24 =	simm.s32 $0x3D00;
	s25 =	simm.s32 $0x4500;
	s26 =	simm.s32 $0x4900  }
0x7: {  	s28 =	simm.s32 $0x5100;
	s29 =	simm.s32 $0x5500;
	s30 =	simm.s32 $0x5D00  }
0x8: {  	s0 =	sand.u32 $0x1, s0;
	s3 =	sshll.u32 s2, $0x3;
	s2 =	simm.s32 $0x0  }
0x9: {  	s31 =	simm.s32 $0x0;
	s4 =	sshll.u32 s0, $0x2;
	[smem:$0x7FF] =	sst s2  }
0xa: {  	s0 =	ssub.s32 $0x2, s0;
	s4 =	sor.u32 s4, s3;
	_ =	strace $0x8000004A  }
0xb: {  	s6 =	sshrl.u32 s0, $0x1;
	s5 =	smul.u32 $0x180, s4;
	s7 =	sadd.s32 s4, s1  }
0xc: {  	v2 =	vlaneseq.u32;
	s3 =	sadd.s32 $0x1E00, s1;
	s0 =	ssub.s32 s0, s6;
	s4 =	sadd.s32 $0x17000, s7  }
0xd: {  	vm0 =	vmmov $0xffff;
	vm1 =	vmmov $0xff;
	v1 =	vshrl.u32 v2, $0x3;
	s9 =	smax.u32 s0, $0x1;
	s8 =	sadd.s32 s5, s1;
	s5 =	sadd.s32 $0x17200, s7  }
0xe: {  	v0 =	vand.u32 $0x7, v2;
	v2 =	vor.u32 $0x8, v2;
	v1 =	vmul.u32 $0x8, v1;
	s7 =	sadd.s32 $0x1F00, s1;
	s6 =	sadd.s32 $0x17400, s8;
	s8 =	sadd.s32 $0x23400, s8  }
.LBB2_1:
0xf: {  	[tilespmem:s2], [sflag:$0x2] =	stream.linear.gather [hbm4b:s4+s2], $0x20, $0x38;
	[tilespmem:$0x9100] =	vst v63  }
0x10: {  	_ =	swait.ge [sflag:s10], $0x20  }
0x11: {  	[sflag:s10] =	ssyncset.done $0x0  }
0x12: {  	s0 =	simm.s32 $0x80;
	[sflag:s10] =	ssyncadd.s32 $0xFFFFFFE0  }
0x13: {  	[tilespmem:s0], [sflag:$0x2] =	stream.linear.gather [hbm4b:s5+s2], $0x20, $0x38;
	[tilespmem:$0x9100] =	vst v63  }
0x14: {  	_ =	swait.ge [sflag:s10], $0x20  }
0x15: {  	[sflag:s10] =	ssyncset.done $0x0  }
0x16: {  	[sflag:s10] =	ssyncadd.s32 $0xFFFFFFE0  }
0x17: {  	[tilespmem:s12], [sflag:$0x2] =	stream.linear.gather [hbm4b:s6+s2], $0x3000, $0x38;
	[tilespmem:$0x9100] =	vst v63  }
0x18: {  	_ =	swait.ge [sflag:s10], $0x3000  }
0x19: {  	[sflag:s10] =	ssyncset.done $0x0  }
0x1a: {  	[sflag:s10] =	ssyncadd.s32 $0xFFFFD000  }
0x1b: {  	v3 =	vld [tilespmem:$0x0];
	_ =	sdelay $0x4  }
0x1c: {  	v4 =	vshrl.u32 v3, $0x3  }
0x1d: {  	v4 =	vmul.u32 $0x18, v4  }
0x1e: {  	v3 =	vand.u32 $0x7, v3  }
0x1f: {  	v3 =	vor.u32 v3, v4  }
0x20: {  	v4 =	vperm.xlane v3, v0;
	_ =	sdelay $0x1  }
0x21: {  	v4 =	vadd.s32 v1, v4;
	_ =	sdelay $0x1  }
0x22: {  	v3 =	vperm.xlane v3, v2;
	_ =	sdelay $0x1  }
0x23: {  	s11 =	simm.s32 $0x100;
	v3 =	vadd.s32 v1, v3  }
0x24: {  	[tilespmem:s11], [sflag:$0x1] =	stream.indirect_vreg.gather [hbm4b:s3+s2], $0x80, v4, vm0, $0xb8;
	[tilespmem:$0x9100] =	vst v63  }
0x25: {  	s13 =	simm.s32 $0x900  }
0x26: {  	[tilespmem:s13], [sflag:$0x1] =	stream.indirect_vreg.gather [hbm4b:s7+s2], $0x80, v4, vm1, $0xb8;
	[tilespmem:$0x9100] =	vst v63  }
0x27: {  	_ = 	snop  }
0x28: {  	[tilespmem:s15], [sflag:$0x1] =	stream.indirect_vreg.gather [hbm4b:s3+s2], $0x80, v3, vm0, $0xb8;
	[tilespmem:$0x9100] =	vst v63  }
0x29: {  	_ = 	snop  }
0x2a: {  	[tilespmem:s16], [sflag:$0x1] =	stream.indirect_vreg.gather [hbm4b:s7+s2], $0x80, v3, vm1, $0xb8;
	[tilespmem:$0x9100] =	vst v63  }
0x2b: {  	v3 =	vld [tilespmem:$0x10];
	_ =	sdelay $0x4  }
0x2c: {  	v4 =	vshrl.u32 v3, $0x3  }
0x2d: {  	v4 =	vmul.u32 $0x18, v4  }
0x2e: {  	v3 =	vand.u32 $0x7, v3  }
0x2f: {  	v3 =	vor.u32 v3, v4  }
0x30: {  	v4 =	vperm.xlane v3, v0;
	_ =	sdelay $0x1  }
0x31: {  	v4 =	vadd.s32 v1, v4;
	_ =	sdelay $0x1  }
0x32: {  	v3 =	vperm.xlane v3, v2;
	_ =	sdelay $0x1  }
0x33: {  	v3 =	vadd.s32 v1, v3  }
0x34: {  	[tilespmem:s17], [sflag:$0x1] =	stream.indirect_vreg.gather [hbm4b:s3+s2], $0x80, v4, vm0, $0xb8;
	[tilespmem:$0x9100] =	vst v63  }
0x35: {  	_ = 	snop  }
0x36: {  	[tilespmem:s18], [sflag:$0x1] =	stream.indirect_vreg.gather [hbm4b:s7+s2], $0x80, v4, vm1, $0xb8;
	[tilespmem:$0x9100] =	vst v63  }
0x37: {  	_ = 	snop  }
0x38: {  	[tilespmem:s19], [sflag:$0x1] =	stream.indirect_vreg.gather [hbm4b:s3+s2], $0x80, v3, vm0, $0xb8;
	[tilespmem:$0x9100] =	vst v63  }
0x39: {  	_ = 	snop  }
0x3a: {  	[tilespmem:s20], [sflag:$0x1] =	stream.indirect_vreg.gather [hbm4b:s7+s2], $0x80, v3, vm1, $0xb8;
	[tilespmem:$0x9100] =	vst v63  }
0x3b: {  	_ =	swait.ge [sflag:s21], $0x3000  }
0x3c: {  	[sflag:s21] =	ssyncset.done $0x0  }
0x3d: {  	[sflag:s21] =	ssyncadd.s32 $0xFFFFD000  }
0x3e: {  	v3 =	vld [tilespmem:$0x80];
	_ =	sdelay $0x4  }
0x3f: {  	v4 =	vshrl.u32 v3, $0x3  }
0x40: {  	v4 =	vmul.u32 $0x18, v4  }
0x41: {  	v3 =	vand.u32 $0x7, v3  }
0x42: {  	v3 =	vor.u32 v3, v4  }
0x43: {  	v4 =	vperm.xlane v3, v0;
	_ =	sdelay $0x1  }
0x44: {  	v4 =	vadd.s32 v1, v4;
	_ =	sdelay $0x1  }
0x45: {  	v3 =	vperm.xlane v3, v2;
	_ =	sdelay $0x1  }
0x46: {  	v3 =	vadd.s32 v1, v3  }
0x47: {  	[tilespmem:s22], [sflag:$0x1] =	stream.indirect_vreg.gather [hbm4b:s3+s2], $0x80, v4, vm0, $0xb8;
	[tilespmem:$0x9100] =	vst v63  }
0x48: {  	_ = 	snop  }
0x49: {  	[tilespmem:s23], [sflag:$0x1] =	stream.indirect_vreg.gather [hbm4b:s7+s2], $0x80, v4, vm1, $0xb8;
	[tilespmem:$0x9100] =	vst v63  }
0x4a: {  	_ = 	snop  }
0x4b: {  	[tilespmem:s24], [sflag:$0x1] =	stream.indirect_vreg.gather [hbm4b:s3+s2], $0x80, v3, vm0, $0xb8;
	[tilespmem:$0x9100] =	vst v63  }
0x4c: {  	_ = 	snop  }
0x4d: {  	[tilespmem:s25], [sflag:$0x1] =	stream.indirect_vreg.gather [hbm4b:s7+s2], $0x80, v3, vm1, $0xb8;
	[tilespmem:$0x9100] =	vst v63  }
0x4e: {  	v3 =	vld [tilespmem:$0x90];
	_ =	sdelay $0x4  }
0x4f: {  	v4 =	vshrl.u32 v3, $0x3  }
0x50: {  	v4 =	vmul.u32 $0x18, v4  }
0x51: {  	v3 =	vand.u32 $0x7, v3  }
0x52: {  	v3 =	vor.u32 v3, v4  }
0x53: {  	v4 =	vperm.xlane v3, v0;
	_ =	sdelay $0x1  }
0x54: {  	v4 =	vadd.s32 v1, v4;
	_ =	sdelay $0x1  }
0x55: {  	v3 =	vperm.xlane v3, v2;
	_ =	sdelay $0x1  }
0x56: {  	v3 =	vadd.s32 v1, v3  }
0x57: {  	[tilespmem:s26], [sflag:$0x1] =	stream.indirect_vreg.gather [hbm4b:s3+s2], $0x80, v4, vm0, $0xb8;
	[tilespmem:$0x9100] =	vst v63  }
0x58: {  	_ = 	snop  }
0x59: {  	[tilespmem:s28], [sflag:$0x1] =	stream.indirect_vreg.gather [hbm4b:s7+s2], $0x80, v4, vm1, $0xb8;
	[tilespmem:$0x9100] =	vst v63  }
0x5a: {  	_ = 	snop  }
0x5b: {  	[tilespmem:s29], [sflag:$0x1] =	stream.indirect_vreg.gather [hbm4b:s3+s2], $0x80, v3, vm0, $0xb8;
	[tilespmem:$0x9100] =	vst v63  }
0x5c: {  	s14 =	simm.s32 $0x0  }
0x5d: {  	[tilespmem:s30], [sflag:$0x1] =	stream.indirect_vreg.gather [hbm4b:s7+s2], $0x80, v3, vm1, $0xb8;
	[tilespmem:$0x9100] =	vst v63  }
0x5e: {  	s0 =	smul.u32 $0xC00, s14;
	_ =	swait.ge [sflag:s21], $0x3000  }
0x5f: {  	s1 =	sand.u32 $0x380, s2;
	[sflag:s21] =	ssyncset.done $0x0  }
0x60: {  	s1 =	sor.u32 s1, s0;
	[sflag:s21] =	ssyncadd.s32 $0xFFFFD000  }
0x61: {  	v21 =	vld [tilespmem:s1+$0x3100]  }
0x62: {  	v22 =	vld [tilespmem:s1+$0x3110]  }
0x63: {  	v23 =	vld [tilespmem:s1+$0x3120]  }
0x64: {  	v24 =	vld [tilespmem:s1+$0x3130]  }
0x65: {  	v25 =	vld [tilespmem:s1+$0x3140]  }
0x66: {  	v26 =	vld [tilespmem:s1+$0x3150]  }
0x67: {  	v27 =	vld [tilespmem:s1+$0x3160]  }
0x68: {  	v28 =	vld [tilespmem:s1+$0x3170]  }
0x69: {  	v29 =	vld [tilespmem:s1+$0x3500]  }
0x6a: {  	v30 =	vld [tilespmem:s1+$0x3510]  }
0x6b: {  	v31 =	vld [tilespmem:s1+$0x3520]  }
0x6c: {  	v32 =	vld [tilespmem:s1+$0x3530]  }
0x6d: {  	v33 =	vld [tilespmem:s1+$0x3540]  }
0x6e: {  	v11 =	vld [tilespmem:s1+$0x3550]  }
0x6f: {  	v10 =	vld [tilespmem:s1+$0x3560]  }
0x70: {  	v9 =	vld [tilespmem:s1+$0x3570]  }
0x71: {  	v8 =	vld [tilespmem:s1+$0x3900]  }
0x72: {  	v7 =	vld [tilespmem:s1+$0x3910]  }
0x73: {  	v6 =	vld [tilespmem:s1+$0x3920]  }
0x74: {  	v5 =	vld [tilespmem:s1+$0x3930]  }
0x75: {  	v4 =	vld [tilespmem:s1+$0x3940]  }
0x76: {  	v3 =	vld [tilespmem:s1+$0x3950]  }
0x77: {  	v34 =	vld [tilespmem:s1+$0x100]  }
0x78: {  	v35 =	vld [tilespmem:s1+$0x110]  }
0x79: {  	v36 =	vld [tilespmem:s1+$0x120]  }
0x7a: {  	v37 =	vld [tilespmem:s1+$0x130]  }
0x7b: {  	v38 =	vld [tilespmem:s1+$0x140]  }
0x7c: {  	v39 =	vld [tilespmem:s1+$0x150]  }
0x7d: {  	v40 =	vld [tilespmem:s1+$0x160]  }
0x7e: {  	v41 =	vld [tilespmem:s1+$0x170]  }
0x7f: {  	v42 =	vld [tilespmem:s1+$0x500]  }
0x80: {  	v43 =	vld [tilespmem:s1+$0x510]  }
0x81: {  	v44 =	vld [tilespmem:s1+$0x520]  }
0x82: {  	v45 =	vld [tilespmem:s1+$0x530]  }
0x83: {  	v46 =	vld [tilespmem:s1+$0x540]  }
0x84: {  	v47 =	vld [tilespmem:s1+$0x550]  }
0x85: {  	v48 =	vld [tilespmem:s1+$0x560]  }
0x86: {  	v20 =	vld [tilespmem:s1+$0x570]  }
0x87: {  	v19 =	vld [tilespmem:s1+$0x900]  }
0x88: {  	v18 =	vld [tilespmem:s1+$0x910]  }
0x89: {  	v17 =	vld [tilespmem:s1+$0x920]  }
0x8a: {  	v16 =	vld [tilespmem:s1+$0x930]  }
0x8b: {  	v15 =	vld [tilespmem:s1+$0x940]  }
0x8c: {  	v49 =	vld [tilespmem:s1+$0x6100]  }
0x8d: {  	v14 =	vld [tilespmem:s1+$0x950]  }
0x8e: {  	v51 =	vld [tilespmem:s1+$0x6120]  }
0x8f: {  	v50 =	vld [tilespmem:s1+$0x6110]  }
0x90: {  	v56 =	vld [tilespmem:s1+$0x6130]  }
0x91: {  	v52 =	vld [tilespmem:s1+$0x6140]  }
0x92: {  	v58 =	vld [tilespmem:s1+$0x6150];
	v34 =	vadd.f32 v34, v49  }
0x93: {  	v13 =	vld [tilespmem:s1+$0x960];
	v36 =	vadd.f32 v36, v51  }
0x94: {  	v59 =	vld [tilespmem:s1+$0x6160];
	v35 =	vadd.f32 v35, v50;
	v21 =	vadd.f32 v21, v34  }
0x95: {  	v60 =	vld [tilespmem:s1+$0x6170];
	v37 =	vadd.f32 v37, v56;
	v23 =	vadd.f32 v23, v36  }
0x96: {  	v57 =	vld [tilespmem:s1+$0x6500];
	v38 =	vadd.f32 v38, v52;
	v22 =	vadd.f32 v22, v35;
	[tilespmem:s1+$0x6100] =	vst v21  }
0x97: {  	v24 =	vadd.f32 v24, v37;
	v21 =	vld [tilespmem:s1+$0x6510];
	[tilespmem:s1+$0x6120] =	vst v23;
	v23 =	vadd.f32 v39, v58  }
0x98: {  	v12 =	vld [tilespmem:s1+$0x970];
	v25 =	vadd.f32 v25, v38;
	[tilespmem:s1+$0x6110] =	vst v22  }
0x99: {  	v22 =	vld [tilespmem:s1+$0x6520];
	[tilespmem:s1+$0x6130] =	vst v24;
	v24 =	vadd.f32 v40, v59;
	v23 =	vadd.f32 v26, v23  }
0x9a: {  	v61 =	vld [tilespmem:s1+$0x6530];
	[tilespmem:s1+$0x6140] =	vst v25;
	v25 =	vadd.f32 v41, v60  }
0x9b: {  	v62 =	vld [tilespmem:s1+$0x6540];
	v24 =	vadd.f32 v27, v24;
	[tilespmem:s1+$0x6150] =	vst v23;
	v23 =	vadd.f32 v42, v57  }
0x9c: {  	v26 =	vld [tilespmem:s1+$0x6550];
	v27 =	vadd.f32 v28, v25;
	v21 =	vadd.f32 v43, v21  }
0x9d: {  	v63 =	vld [tilespmem:s1+$0x6560];
	[tilespmem:s1+$0x6160] =	vst v24;
	v23 =	vadd.f32 v29, v23  }
0x9e: {  	v25 =	vld [tilespmem:s1+$0x6570];
	[tilespmem:s1+$0x6170] =	vst v27;
	v22 =	vadd.f32 v44, v22;
	v21 =	vadd.f32 v30, v21  }
0x9f: {  	v24 =	vld [tilespmem:s1+$0x6900];
	v27 =	vadd.f32 v45, v61;
	[tilespmem:s1+$0x6500] =	vst v23  }
0xa0: {  	v29 =	vadd.f32 v31, v22;
	v23 =	vld [tilespmem:s1+$0x6910];
	[tilespmem:s1+$0x6510] =	vst v21;
	v21 =	vadd.f32 v46, v62  }
0xa1: {  	v28 =	vadd.f32 v32, v27;
	v22 =	vld [tilespmem:s1+$0x6920];
	v27 =	vadd.f32 v47, v26  }
0xa2: {  	s0 =	simm.s32 $0x1;
	s11 =	simm.s32 $0x0;
	v26 =	vadd.f32 v48, v63;
	[tilespmem:s1+$0x6520] =	vst v29;
	v29 =	vadd.f32 v33, v21;
	v21 =	vld [tilespmem:s1+$0x6930]  }
.LBB2_2:
0xa3: {  	p0 =	sne.s32 s0, $0x1F;
	[tilespmem:s1+$0x6530] =	vst v28;
	v11 =	vadd.f32 v11, v27;
	v20 =	vadd.f32 v20, v25;
	v25 =	vld [tilespmem:s1+$0x6940]  }
0xa4: {  	[tilespmem:s1+$0x6540] =	vst v29;
	v10 =	vadd.f32 v10, v26;
	v19 =	vadd.f32 v19, v24;
	v24 =	vld [tilespmem:s1+$0x6950]  }
0xa5: {  	s13 =	sshrl.u32 s0, $0x3;
	[tilespmem:s1+$0x6550] =	vst v11;
	v9 =	vadd.f32 v9, v20;
	v11 =	vadd.f32 v18, v23;
	v18 =	vld [tilespmem:s1+$0x6960]  }
0xa6: {  	s11 =	sadd.s32 $0x80, s11;
	s13 =	smul.u32 $0xC00, s13;
	[tilespmem:s1+$0x6560] =	vst v10;
	v8 =	vadd.f32 v8, v19;
	v10 =	vadd.f32 v17, v22;
	v17 =	vld [tilespmem:s1+$0x6970]  }
0xa7: {  	s14 =	sand.u32 $0x380, s11;
	[tilespmem:s1+$0x6570] =	vst v9;
	v7 =	vadd.f32 v7, v11;
	v9 =	vadd.f32 v16, v21;
	v11 =	vld [tilespmem:s1+$0x3960]  }
0xa8: {  	s13 =	sor.u32 s14, s13;
	[tilespmem:s1+$0x6900] =	vst v8;
	v6 =	vadd.f32 v6, v10;
	v8 =	vadd.f32 v15, v25;
	v10 =	vld [tilespmem:s1+$0x3970]  }
0xa9: {  	v26 =	vld [tilespmem:s13+$0x3100];
	[tilespmem:s1+$0x6910] =	vst v7;
	v5 =	vadd.f32 v5, v9;
	v7 =	vadd.f32 v14, v24  }
0xaa: {  	v27 =	vld [tilespmem:s13+$0x3110];
	[tilespmem:s1+$0x6920] =	vst v6;
	v4 =	vadd.f32 v4, v8;
	v6 =	vadd.f32 v13, v18  }
0xab: {  	v28 =	vld [tilespmem:s13+$0x3120];
	[tilespmem:s1+$0x6930] =	vst v5;
	v3 =	vadd.f32 v3, v7;
	v5 =	vadd.f32 v12, v17  }
0xac: {  	v29 =	vld [tilespmem:s13+$0x3130];
	[tilespmem:s1+$0x6940] =	vst v4;
	v4 =	vadd.f32 v11, v6  }
0xad: {  	v30 =	vld [tilespmem:s13+$0x3140];
	[tilespmem:s1+$0x6950] =	vst v3;
	v3 =	vadd.f32 v10, v5  }
0xae: {  	v31 =	vld [tilespmem:s13+$0x3150];
	[tilespmem:s1+$0x6960] =	vst v4  }
0xaf: {  	v32 =	vld [tilespmem:s13+$0x3160];
	[tilespmem:s1+$0x6970] =	vst v3;
	s1 =	smov.u32 s13  }
0xb0: {  	v33 =	vld [tilespmem:s1+$0x3170]  }
0xb1: {  	v25 =	vld [tilespmem:s1+$0x3500]  }
0xb2: {  	v24 =	vld [tilespmem:s1+$0x3510]  }
0xb3: {  	v23 =	vld [tilespmem:s1+$0x3520]  }
0xb4: {  	v22 =	vld [tilespmem:s1+$0x3530]  }
0xb5: {  	v21 =	vld [tilespmem:s1+$0x3540]  }
0xb6: {  	v11 =	vld [tilespmem:s1+$0x3550]  }
0xb7: {  	v10 =	vld [tilespmem:s1+$0x3560]  }
0xb8: {  	v9 =	vld [tilespmem:s1+$0x3570]  }
0xb9: {  	v8 =	vld [tilespmem:s1+$0x3900]  }
0xba: {  	v7 =	vld [tilespmem:s1+$0x3910]  }
0xbb: {  	v6 =	vld [tilespmem:s1+$0x3920]  }
0xbc: {  	v5 =	vld [tilespmem:s1+$0x3930]  }
0xbd: {  	v4 =	vld [tilespmem:s1+$0x3940]  }
0xbe: {  	v3 =	vld [tilespmem:s1+$0x3950]  }
0xbf: {  	v34 =	vld [tilespmem:s1+$0x100]  }
0xc0: {  	v35 =	vld [tilespmem:s1+$0x110]  }
0xc1: {  	v36 =	vld [tilespmem:s1+$0x120]  }
0xc2: {  	v37 =	vld [tilespmem:s1+$0x130]  }
0xc3: {  	v38 =	vld [tilespmem:s1+$0x140]  }
0xc4: {  	v39 =	vld [tilespmem:s1+$0x150]  }
0xc5: {  	v40 =	vld [tilespmem:s1+$0x160]  }
0xc6: {  	v41 =	vld [tilespmem:s1+$0x170]  }
0xc7: {  	v42 =	vld [tilespmem:s1+$0x500]  }
0xc8: {  	v43 =	vld [tilespmem:s1+$0x510]  }
0xc9: {  	v44 =	vld [tilespmem:s1+$0x520]  }
0xca: {  	v45 =	vld [tilespmem:s1+$0x530]  }
0xcb: {  	v46 =	vld [tilespmem:s1+$0x540]  }
0xcc: {  	v47 =	vld [tilespmem:s1+$0x550]  }
0xcd: {  	v48 =	vld [tilespmem:s1+$0x560]  }
0xce: {  	v20 =	vld [tilespmem:s1+$0x570]  }
0xcf: {  	v19 =	vld [tilespmem:s1+$0x900]  }
0xd0: {  	v18 =	vld [tilespmem:s1+$0x910]  }
0xd1: {  	v17 =	vld [tilespmem:s1+$0x920]  }
0xd2: {  	v16 =	vld [tilespmem:s1+$0x930]  }
0xd3: {  	v15 =	vld [tilespmem:s1+$0x940]  }
0xd4: {  	v14 =	vld [tilespmem:s1+$0x950]  }
0xd5: {  	v13 =	vld [tilespmem:s1+$0x960]  }
0xd6: {  	v12 =	vld [tilespmem:s1+$0x970]  }
0xd7: {  	v49 =	vld [tilespmem:s1+$0x6100]  }
0xd8: {  	v50 =	vld [tilespmem:s1+$0x6110]  }
0xd9: {  	v51 =	vld [tilespmem:s1+$0x6120]  }
0xda: {  	v52 =	vld [tilespmem:s1+$0x6130]  }
0xdb: {  	v53 =	vld [tilespmem:s1+$0x6140]  }
0xdc: {  	v34 =	vadd.f32 v34, v49;
	v49 =	vld [tilespmem:s1+$0x6150]  }
0xdd: {  	v35 =	vadd.f32 v35, v50;
	v50 =	vld [tilespmem:s1+$0x6160]  }
0xde: {  	v26 =	vadd.f32 v26, v34;
	v34 =	vadd.f32 v36, v51;
	v36 =	vld [tilespmem:s1+$0x6170]  }
0xdf: {  	v27 =	vadd.f32 v27, v35;
	v35 =	vadd.f32 v37, v52;
	v37 =	vld [tilespmem:s1+$0x6500]  }
0xe0: {  	[tilespmem:s1+$0x6100] =	vst v26;
	v26 =	vadd.f32 v28, v34;
	v28 =	vadd.f32 v38, v53;
	v34 =	vld [tilespmem:s1+$0x6510]  }
0xe1: {  	[tilespmem:s1+$0x6110] =	vst v27;
	v27 =	vadd.f32 v29, v35;
	v29 =	vadd.f32 v39, v49;
	v35 =	vld [tilespmem:s1+$0x6520]  }
0xe2: {  	[tilespmem:s1+$0x6120] =	vst v26;
	v26 =	vadd.f32 v30, v28;
	v28 =	vadd.f32 v40, v50;
	v30 =	vld [tilespmem:s1+$0x6530]  }
0xe3: {  	[tilespmem:s1+$0x6130] =	vst v27;
	v27 =	vadd.f32 v31, v29;
	v29 =	vadd.f32 v41, v36;
	v31 =	vld [tilespmem:s1+$0x6540]  }
0xe4: {  	[tilespmem:s1+$0x6140] =	vst v26;
	v26 =	vadd.f32 v32, v28;
	v28 =	vadd.f32 v42, v37;
	v32 =	vld [tilespmem:s1+$0x6550]  }
0xe5: {  	[tilespmem:s1+$0x6150] =	vst v27;
	v27 =	vadd.f32 v33, v29;
	v29 =	vadd.f32 v43, v34;
	v33 =	vld [tilespmem:s1+$0x6560]  }
.Ltmp0:
0xe6: {  	[tilespmem:s1+$0x6160] =	vst v26;
	v26 =	vadd.f32 v25, v28;
	v28 =	vadd.f32 v44, v35;
	v25 =	vld [tilespmem:s1+$0x6570];
	(pc) =	sbr.rel @p0 .LBB2_2-.Ltmp0, $4  }
0xe7: {  	[tilespmem:s1+$0x6170] =	vst v27;
	v27 =	vadd.f32 v24, v29;
	v29 =	vadd.f32 v45, v30;
	v24 =	vld [tilespmem:s1+$0x6900]  }
0xe8: {  	[tilespmem:s1+$0x6500] =	vst v26;
	v26 =	vadd.f32 v23, v28;
	v30 =	vadd.f32 v46, v31;
	v23 =	vld [tilespmem:s1+$0x6910]  }
0xe9: {  	[tilespmem:s1+$0x6510] =	vst v27;
	v28 =	vadd.f32 v22, v29;
	v27 =	vadd.f32 v47, v32;
	v22 =	vld [tilespmem:s1+$0x6920]  }
0xea: {  	s0 =	sadd.s32 $0x1, s0;
	[tilespmem:s1+$0x6520] =	vst v26;
	v29 =	vadd.f32 v21, v30;
	v26 =	vadd.f32 v48, v33;
	v21 =	vld [tilespmem:s1+$0x6930]  }
0xeb: {  	[tilespmem:s1+$0x6530] =	vst v28;
	v52 =	vld [tilespmem:s1+$0x6940];
	v11 =	vadd.f32 v11, v27;
	v20 =	vadd.f32 v20, v25  }
0xec: {  	v53 =	vld [tilespmem:s1+$0x6950];
	[tilespmem:s1+$0x6540] =	vst v29;
	v10 =	vadd.f32 v10, v26;
	v19 =	vadd.f32 v19, v24  }
0xed: {  	v54 =	vld [tilespmem:s1+$0x6960];
	[tilespmem:s1+$0x6550] =	vst v11;
	v9 =	vadd.f32 v9, v20;
	v18 =	vadd.f32 v18, v23  }
0xee: {  	v55 =	vld [tilespmem:s1+$0x6970];
	[tilespmem:s1+$0x6560] =	vst v10;
	v8 =	vadd.f32 v8, v19;
	v56 =	vadd.f32 v17, v22  }
0xef: {  	v57 =	vld [tilespmem:s1+$0x3960];
	[tilespmem:s1+$0x6570] =	vst v9;
	v7 =	vadd.f32 v7, v18;
	v16 =	vadd.f32 v16, v21  }
0xf0: {  	v59 =	vld [tilespmem:s1+$0x3970];
	[tilespmem:s1+$0x6900] =	vst v8;
	v6 =	vadd.f32 v6, v56;
	v58 =	vadd.f32 v15, v52  }
0xf1: {  	v60 =	vadd.f32 v14, v53;
	[tilespmem:s1+$0x6910] =	vst v7;
	v5 =	vadd.f32 v5, v16  }
0xf2: {  	v61 =	vadd.f32 v13, v54;
	[tilespmem:s1+$0x6920] =	vst v6;
	v4 =	vadd.f32 v4, v58  }
0xf3: {  	v62 =	vadd.f32 v12, v55;
	v3 =	vadd.f32 v3, v60;
	[tilespmem:s1+$0x6930] =	vst v5  }
0xf4: {  	v63 =	vadd.f32 v57, v61;
	[tilespmem:s1+$0x6940] =	vst v4  }
0xf5: {  	s31 =	sadd.s32 $0x1, s31;
	[tilespmem:s1+$0x6950] =	vst v3;
	v3 =	vadd.f32 v59, v62  }
0xf6: {  	p0 =	sne.s32 s31, s9;
	[tilespmem:s1+$0x6960] =	vst v63  }
.Ltmp1:
0xf7: {  	[tilespmem:s1+$0x6970] =	vst v3;
	(pc) =	sbr.rel @p0 .LBB2_1-.Ltmp1, $4  }
0xf8: {  	[hbm4b:s8+s2] =	stream.linear.scatter [tilespmem:s12], [sflag:$0x2], $0x3000, $0x38;
	[tilespmem:$0x9100] =	vst v63  }
0xf9: {  	_ =	swait.ge [sflag:s10], $0x3000  }
0xfa: {  	[sflag:s10] =	ssyncset.done $0x0  }
0xfb: {  	[sflag:s10] =	ssyncadd.s32 $0xFFFFD000  }
0xfc: {  	_ =	sfence.sel $0x180000  }
0xfd: {  	[bflag:$0x0] =	sbarrier.arrive $0xFFFF  }
0xfe: {  	_ =	strace $0x9000004A  }
0xff: {  	s0 =	stileid.u32;
	[bflag:$0x2] =	sbarrier.arrive $0xFFFF  }
0x100: {  	p0 =	sne.s32 s0, $0x0;
	s0 =	rddreg [dreg:$0x1]  }
0x101: {  	s0 =	sadd.s32 @!p0 $0x100000, s0  }
0x102: {  	[sflag:s0] =	ssyncadd.tile.s32 @!p0 $0x1;
	_ =	shalt  }
.Lfunc_end2:
_tile_overlayer_lowered:
.L_overlay_start_2:
0x103: {  	(tag) =	ssettag $0x2  }
0x104: {  	s0 =	rddreg [dreg:$0x0];
	s2 =	stileid.u32  }
0x105: {  	s1 =	rddreg [dreg:$0x1];
	p0 =	sne.s32 s2, $0x0  }
0x106: {  	s3 =	rddreg [dreg:$0x2];
	[bflag:$0x3] =	sbarrier.arrive $0xFFFF;
	s2 =	simm.s32 @!p0 $0x1C02  }
0x107: {  	[timem:s3], [sflag:s2] =	dma.local @!p0 [hbm:s0], s1  }
0x108: {  	s0 =	simm.s32 @!p0 $0x2  }
0x109: {  	_ =	swait.ge @!p0 [sflag:s0], s1  }
0x10a: {  	s1 =	ssub.s32 @!p0 $0x0, s1;
	[sflag:s0] =	ssyncset.done @!p0 $0x0  }
0x10b: {  	[sflag:s0] =	ssyncadd.s32 @!p0 s1  }
0x10c: {  	[bflag:$0x3] =	sbarrier.arrive $0xFFFF  }
0x10d: {  	_ =	shalt  }

</sc_bundles>
